<compile_context>
chip_gen: v7x
topology: tpu7x:2x2x1
jax: 0.10.2.dev20260603
libtpu: 0.0.44.dev20260713+nightly
codegen_flags: <defaults>
</compile_context>

<pallas_src>
import functools

import jax
import jax.numpy as jnp
from jax.experimental import pallas as pl




def _fps_kernel(npoint, n, n_pad, o_pad, xs_ref, ys_ref, zs_ref, out_ref):
    rn = n_pad // 128
    ro = o_pad // 128
    lin_n = (jax.lax.broadcasted_iota(jnp.int32, (rn, 128), 0) * 128
             + jax.lax.broadcasted_iota(jnp.int32, (rn, 128), 1))
    lin_o = (jax.lax.broadcasted_iota(jnp.int32, (ro, 128), 0) * 128
             + jax.lax.broadcasted_iota(jnp.int32, (ro, 128), 1))
    xs = xs_ref[...]
    ys = ys_ref[...]
    zs = zs_ref[...]
    dist0 = jnp.where(lin_n < n, jnp.float32(1e10), jnp.float32(-1.0))

    def body(i, carry):
        distance, farthest = carry
        out_ref[...] = jnp.where(lin_o == i, farthest, out_ref[...])
        sel = lin_n == farthest
        cx = jnp.sum(jnp.where(sel, xs, 0.0))
        cy = jnp.sum(jnp.where(sel, ys, 0.0))
        cz = jnp.sum(jnp.where(sel, zs, 0.0))
        dx = xs - cx
        dy = ys - cy
        dz = zs - cz
        d = dx * dx + dy * dy + dz * dz
        distance = jnp.minimum(distance, d)
        m = jnp.max(distance)
        farthest = jnp.min(jnp.where(distance == m, lin_n, n_pad)).astype(jnp.int32)
        return distance, farthest

    jax.lax.fori_loop(0, npoint, body, (dist0, jnp.int32(0)))


def _fps(xyz, npoint):
    n = xyz.shape[0]
    n_pad = -(-n // 1024) * 1024
    o_pad = -(-npoint // 1024) * 1024
    pad = n_pad - n
    cols = [jnp.pad(xyz[:, j], (0, pad)).reshape(n_pad // 128, 128) for j in range(3)]
    out = pl.pallas_call(
        functools.partial(_fps_kernel, npoint, n, n_pad, o_pad),
        out_shape=jax.ShapeDtypeStruct((o_pad // 128, 128), jnp.int32),
    )(*cols)
    return out.reshape(-1)[:npoint]




def _ball_query(radius, nsample, xyz, new_xyz):
    src = new_xyz[None]
    dst = xyz[None]
    sqrdists = (jnp.sum(src ** 2, -1)[:, :, None] + jnp.sum(dst ** 2, -1)[:, None, :]
                - 2.0 * jnp.einsum('bsc,bnc->bsn', src, dst))
    n = xyz.shape[0]
    s = new_xyz.shape[0]
    mask = jnp.logical_not(sqrdists[0] > radius ** 2)
    c = jnp.cumsum(mask.astype(jnp.int32), axis=-1)
    targets = jnp.arange(1, nsample + 1, dtype=jnp.int32)
    idx = jax.vmap(lambda cr: jnp.searchsorted(cr, targets, side='left'))(c)
    idx = idx.astype(jnp.int32)
    count = c[:, -1:]
    j = jnp.arange(nsample, dtype=jnp.int32)[None]
    return jnp.where(j < count, idx, idx[:, :1])




def _dot_t(x, w):
    return jax.lax.dot_general(x, w, (((1,), (1,)), ((), ())),
                               preferred_element_type=jnp.float32)


def _accum_stats(y, step, s_ref, ss_ref):
    @pl.when(step == 0)
    def _():
        s_ref[...] = jnp.zeros_like(s_ref)
        ss_ref[...] = jnp.zeros_like(ss_ref)

    s_ref[...] += jnp.sum(y, axis=0, keepdims=True)
    ss_ref[...] += jnp.sum(y * y, axis=0, keepdims=True)


def _layer_first_kernel(xg_ref, pg_ref, wx_ref, wp_ref, b_ref, y_ref, s_ref, ss_ref):
    y = (_dot_t(pg_ref[...], wp_ref[...]) + _dot_t(xg_ref[...], wx_ref[...])
         + b_ref[...])
    y_ref[...] = y
    _accum_stats(y, pl.program_id(0), s_ref, ss_ref)


def _layer_mid_kernel(x_ref, w_ref, b_ref, a_ref, c_ref, y_ref, s_ref, ss_ref):
    x = jnp.maximum(x_ref[...] * a_ref[...] + c_ref[...], 0.0)
    y = _dot_t(x, w_ref[...]) + b_ref[...]
    y_ref[...] = y
    _accum_stats(y, pl.program_id(0), s_ref, ss_ref)


def _layer_last_kernel(gtile, k, x_ref, w_ref, b_ref, a_ref, c_ref,
                       mx_ref, mn_ref, s_ref, ss_ref):
    x = jnp.maximum(x_ref[...] * a_ref[...] + c_ref[...], 0.0)
    y = _dot_t(x, w_ref[...]) + b_ref[...]
    cout = y.shape[-1]
    g = y.reshape(gtile, k, cout)
    mx_ref[...] = jnp.max(g, axis=1)
    mn_ref[...] = jnp.min(g, axis=1)
    _accum_stats(y, pl.program_id(0), s_ref, ss_ref)


def _bn_affine(s, ss, count, layer):
    mean = s[0] / count
    var = ss[0] / count - mean * mean
    a = layer['g'] / jnp.sqrt(var + 1e-5)
    c = layer['beta'] - mean * a
    return a[None], c[None]


def _rep(shape):
    return pl.BlockSpec(shape, lambda i: (0, 0))


def _mlp(xg, pg, layers, s_groups, k):
    p = s_groups * k
    cp = pg.shape[1]
    c1 = layers[0]['W'].shape[0]
    c2 = layers[1]['W'].shape[0]
    c3 = layers[2]['W'].shape[0]
    tp = 2048
    gtile = 8
    tpl = gtile * k
    f32 = jnp.float32

    wx = layers[0]['W'][:, :3]
    wp = layers[0]['W'][:, 3:]
    y1, s1, ss1 = pl.pallas_call(
        _layer_first_kernel,
        grid=(p // tp,),
        in_specs=[pl.BlockSpec((tp, 3), lambda i: (i, 0)),
                  pl.BlockSpec((tp, cp), lambda i: (i, 0)),
                  _rep((c1, 3)), _rep((c1, cp)), _rep((1, c1))],
        out_specs=[pl.BlockSpec((tp, c1), lambda i: (i, 0)),
                   _rep((1, c1)), _rep((1, c1))],
        out_shape=[jax.ShapeDtypeStruct((p, c1), f32),
                   jax.ShapeDtypeStruct((1, c1), f32),
                   jax.ShapeDtypeStruct((1, c1), f32)],
    )(xg, pg, wx, wp, layers[0]['b'][None])
    a1, c1aff = _bn_affine(s1, ss1, p, layers[0])

    y2, s2, ss2 = pl.pallas_call(
        _layer_mid_kernel,
        grid=(p // tp,),
        in_specs=[pl.BlockSpec((tp, c1), lambda i: (i, 0)),
                  _rep((c2, c1)), _rep((1, c2)), _rep((1, c1)), _rep((1, c1))],
        out_specs=[pl.BlockSpec((tp, c2), lambda i: (i, 0)),
                   _rep((1, c2)), _rep((1, c2))],
        out_shape=[jax.ShapeDtypeStruct((p, c2), f32),
                   jax.ShapeDtypeStruct((1, c2), f32),
                   jax.ShapeDtypeStruct((1, c2), f32)],
    )(y1, layers[1]['W'], layers[1]['b'][None], a1, c1aff)
    a2, c2aff = _bn_affine(s2, ss2, p, layers[1])

    mx, mn, s3, ss3 = pl.pallas_call(
        functools.partial(_layer_last_kernel, gtile, k),
        grid=(s_groups // gtile,),
        in_specs=[pl.BlockSpec((tpl, c2), lambda i: (i, 0)),
                  _rep((c3, c2)), _rep((1, c3)), _rep((1, c2)), _rep((1, c2))],
        out_specs=[pl.BlockSpec((gtile, c3), lambda i: (i, 0)),
                   pl.BlockSpec((gtile, c3), lambda i: (i, 0)),
                   _rep((1, c3)), _rep((1, c3))],
        out_shape=[jax.ShapeDtypeStruct((s_groups, c3), f32),
                   jax.ShapeDtypeStruct((s_groups, c3), f32),
                   jax.ShapeDtypeStruct((1, c3), f32),
                   jax.ShapeDtypeStruct((1, c3), f32)],
    )(y2, layers[2]['W'], layers[2]['b'][None], a2, c2aff)
    a3, c3aff = _bn_affine(s3, ss3, p, layers[2])

    pooled = jnp.where(a3 > 0,
                       jnp.maximum(mx * a3 + c3aff, 0.0),
                       jnp.maximum(mn * a3 + c3aff, 0.0))
    return pooled



_NPOINT1, _RADIUS1, _NSAMPLE1 = 5000, 0.2, 256
_NPOINT2, _RADIUS2, _NSAMPLE2 = 256, 0.4, 128


def kernel(keypoints3d, descriptors3d_db, descriptors3d_coarse_db, scores3d_db, params):
    xyz1 = keypoints3d[0]
    pts1 = jnp.transpose(descriptors3d_db[0])

    fps1 = _fps(xyz1, _NPOINT1)
    new_xyz1 = xyz1[fps1]
    idx1 = _ball_query(_RADIUS1, _NSAMPLE1, xyz1, new_xyz1)
    gx1 = (xyz1[idx1] - new_xyz1[:, None, :]).reshape(-1, 3)
    gp1 = pts1[idx1].reshape(-1, pts1.shape[1])
    l1_points = _mlp(gx1, gp1, params['sa1'], _NPOINT1, _NSAMPLE1)

    fps2 = _fps(new_xyz1, _NPOINT2)
    new_xyz2 = new_xyz1[fps2]
    idx2 = _ball_query(_RADIUS2, _NSAMPLE2, new_xyz1, new_xyz2)
    gx2 = (new_xyz1[idx2] - new_xyz2[:, None, :]).reshape(-1, 3)
    gp2 = l1_points[idx2].reshape(-1, l1_points.shape[1])
    l2_pooled = _mlp(gx2, gp2, params['sa2'], _NPOINT2, _NSAMPLE2)

    fps_idx = fps1[fps2][None]
    keypoints3d_new = new_xyz2[None]
    l2_points = jnp.transpose(l2_pooled)[None]
    new_desc_coarse = descriptors3d_coarse_db[:, :, fps_idx[0]]
    new_scores = scores3d_db[0][fps_idx[0]][None]
    return keypoints3d_new, l2_points, new_desc_coarse, new_scores, fps_idx

# --- scband reference (transcript-rebuilt; emitter-appended) ---
"""Pipeline reference for scband-point-net2-model-29738353557550 (READ-ONLY COPY).

The authoritative reference and input builder live on the scoring server;
editing this copy changes nothing except your own understanding.
"""

import jax, jax.numpy as jnp
import numpy as np

NPOINT1, RADIUS1, NSAMPLE1 = 5000, 0.2, 256
NPOINT2, RADIUS2, NSAMPLE2 = 256, 0.4, 128
B, N_PTS = 1, 6000


def _init_params(key):
    def conv(k, cin, cout):
        return {
            'W': jax.random.normal(k, (cout, cin), dtype=jnp.float32) * (1.0 / np.sqrt(cin)),
            'b': jnp.zeros((cout,), jnp.float32),
            'g': jnp.ones((cout,), jnp.float32),
            'beta': jnp.zeros((cout,), jnp.float32),
        }
    ks = jax.random.split(key, 6)
    return {
        'sa1': [conv(ks[0], 131, 128), conv(ks[1], 128, 128), conv(ks[2], 128, 256)],
        'sa2': [conv(ks[3], 259, 256), conv(ks[4], 256, 256), conv(ks[5], 256, 256)],
    }


def _square_distance(src, dst):
    return (jnp.sum(src ** 2, -1)[:, :, None] + jnp.sum(dst ** 2, -1)[:, None, :]
            - 2.0 * jnp.einsum('bsc,bnc->bsn', src, dst))


def _index_points(points, idx):
    return jax.vmap(lambda p, i: p[i])(points, idx)


def _farthest_point_sample(xyz, npoint):
    xyz = jax.lax.stop_gradient(xyz)
    b, n, _ = xyz.shape
    def body(i, state):
        centroids, distance, farthest = state
        centroids = centroids.at[:, i].set(farthest)
        centroid = jax.vmap(lambda p, f: p[f])(xyz, farthest)[:, None, :]
        dist = jnp.sum((xyz - centroid) ** 2, -1)
        distance = jnp.minimum(distance, dist)
        farthest = jnp.argmax(distance, axis=1).astype(jnp.int32)
        return centroids, distance, farthest
    init = (jnp.zeros((b, npoint), jnp.int32),
            jnp.full((b, n), 1e10, jnp.float32),
            jnp.zeros((b,), jnp.int32))
    centroids, _, _ = jax.lax.fori_loop(0, npoint, body, init)
    return centroids


def _query_ball_point(radius, nsample, xyz, new_xyz):
    xyz = jax.lax.stop_gradient(xyz)
    new_xyz = jax.lax.stop_gradient(new_xyz)
    b, n, _ = xyz.shape
    s = new_xyz.shape[1]
    sqrdists = _square_distance(new_xyz, xyz)
    group_idx = jnp.broadcast_to(jnp.arange(n, dtype=jnp.int32), (b, s, n))
    group_idx = jnp.where(sqrdists > radius ** 2, n, group_idx)
    group_idx = jnp.sort(group_idx, axis=-1)[:, :, :nsample]
    group_first = group_idx[:, :, :1]
    group_idx = jnp.where(group_idx == n, group_first, group_idx)
    return group_idx


def _conv_bn_relu(x, p):
    y = jnp.einsum('bchw,oc->bohw', x, p['W']) + p['b'][None, :, None, None]
    mean = jnp.mean(y, axis=(0, 2, 3), keepdims=True)
    var = jnp.var(y, axis=(0, 2, 3), keepdims=True)
    y = (y - mean) / jnp.sqrt(var + 1e-5)
    y = y * p['g'][None, :, None, None] + p['beta'][None, :, None, None]
    return jax.nn.relu(y)


def _set_abstraction(xyz, points, npoint, radius, nsample, layers):
    xyz_t = jnp.transpose(xyz, (0, 2, 1))
    pts_t = jnp.transpose(points, (0, 2, 1))
    fps_idx = _farthest_point_sample(xyz_t, npoint)
    new_xyz = _index_points(xyz_t, fps_idx)
    idx = _query_ball_point(radius, nsample, xyz_t, new_xyz)
    grouped_xyz = _index_points(xyz_t, idx) - new_xyz[:, :, None, :]
    grouped_points = _index_points(pts_t, idx)
    new_points = jnp.concatenate([grouped_xyz, grouped_points], axis=-1)
    new_points = jnp.transpose(new_points, (0, 3, 2, 1))
    for p in layers:
        new_points = _conv_bn_relu(new_points, p)
    new_points = jnp.max(new_points, axis=2)
    return jnp.transpose(new_xyz, (0, 2, 1)), new_points, fps_idx


def _forward(keypoints3d, descriptors3d_db, descriptors3d_coarse_db, scores3d_db, params):
    xyz = jnp.transpose(keypoints3d, (0, 2, 1))
    norm = descriptors3d_db
    l1_xyz, l1_points, l1_idx = _set_abstraction(xyz, norm, NPOINT1, RADIUS1, NSAMPLE1, params['sa1'])
    l2_xyz, l2_points, l2_idx = _set_abstraction(l1_xyz, l1_points, NPOINT2, RADIUS2, NSAMPLE2, params['sa2'])
    fps_idx = jnp.take_along_axis(l1_idx, l2_idx, axis=1)
    new_desc_coarse = jax.vmap(lambda d, i: d[:, i])(descriptors3d_coarse_db, fps_idx)
    new_scores = jax.vmap(lambda s, i: s[i])(scores3d_db, fps_idx)
    keypoints3d_new = jnp.transpose(l2_xyz, (0, 2, 1))
    return keypoints3d_new, l2_points, new_desc_coarse, new_scores, fps_idx


def setup_inputs(seed: int = 0):
    key = jax.random.key(seed)
    k1, k2, k3, k4, k5 = jax.random.split(key, 5)
    return {
        'keypoints3d': jax.random.uniform(k1, (B, N_PTS, 3), dtype=jnp.float32),
        'descriptors3d_db': jax.random.normal(k2, (B, 128, N_PTS), dtype=jnp.float32),
        'descriptors3d_coarse_db': jax.random.normal(k3, (B, 256, N_PTS), dtype=jnp.float32),
        'scores3d_db': jax.random.uniform(k4, (B, N_PTS, 1), dtype=jnp.float32),
        'params': _init_params(k5),
    }


def reference(keypoints3d, descriptors3d_db, descriptors3d_coarse_db, scores3d_db, params):
    return _forward(keypoints3d, descriptors3d_db, descriptors3d_coarse_db, scores3d_db, params)

if __name__ == "__main__":
    import jax
    _d = setup_inputs()
    print(jax.jit(kernel)(*tuple(_d.values())))

</pallas_src>

<mosaic_0001>
module attributes {stable_mosaic.version = 14 : i64} {
  func.func @_fps_kernel(%arg0: memref<48x128xf32, #tpu.memory_space<vmem>>, %arg1: memref<48x128xf32, #tpu.memory_space<vmem>>, %arg2: memref<48x128xf32, #tpu.memory_space<vmem>>, %arg3: memref<40x128xi32, #tpu.memory_space<vmem>>) attributes {dimension_semantics = [], scalar_prefetch = 0 : i64, scratch_operands = 0 : i64, tpu.core_type = #tpu.core_type<tc>} {
    %iota3A = tpu.iota {dimensions = array<i32: 0>} : vector<48x128xi32>
    %mul3A = arith.constant 128 : i32
    %mul3A_0 = vector.broadcast %mul3A : i32 to vector<48x128xi32>
    %mul3A_1 = arith.muli %iota3A, %mul3A_0 : vector<48x128xi32>
    %iota3A_2 = tpu.iota {dimensions = array<i32: 1>} : vector<48x128xi32>
    %add3A = arith.addi %mul3A_1, %iota3A_2 : vector<48x128xi32>
    %iota3A_3 = tpu.iota {dimensions = array<i32: 0>} : vector<40x128xi32>
    %mul3A_4 = arith.constant 128 : i32
    %mul3A_5 = vector.broadcast %mul3A_4 : i32 to vector<40x128xi32>
    %mul3A_6 = arith.muli %iota3A_3, %mul3A_5 : vector<40x128xi32>
    %iota3A_7 = tpu.iota {dimensions = array<i32: 1>} : vector<40x128xi32>
    %add3A_8 = arith.addi %mul3A_6, %iota3A_7 : vector<40x128xi32>
    %get3A = arith.constant 0 : index
    %get3A_9 = arith.constant 0 : index
    %get3A_10 = vector.load %arg0[%get3A, %get3A_9] : memref<48x128xf32, #tpu.memory_space<vmem>>, vector<48x128xf32>
    %get3A_11 = arith.constant 0 : index
    %get3A_12 = arith.constant 0 : index
    %get3A_13 = vector.load %arg1[%get3A_11, %get3A_12] : memref<48x128xf32, #tpu.memory_space<vmem>>, vector<48x128xf32>
    %get3A_14 = arith.constant 0 : index
    %get3A_15 = arith.constant 0 : index
    %get3A_16 = vector.load %arg2[%get3A_14, %get3A_15] : memref<48x128xf32, #tpu.memory_space<vmem>>, vector<48x128xf32>
    %lt3A = arith.constant 6000 : i32
    %lt3A_17 = vector.broadcast %lt3A : i32 to vector<48x128xi32>
    %lt3A_18 = arith.cmpi slt, %add3A, %lt3A_17 : vector<48x128xi32>
    %jit3A = arith.constant 1.000000e+10 : f32
    %jit3A_19 = arith.constant -1.000000e+00 : f32
    %broadcast_in_dim3A = vector.broadcast %jit3A : f32 to vector<48x128xf32>
    %broadcast_in_dim3A_20 = vector.broadcast %jit3A_19 : f32 to vector<48x128xf32>
    %select_n3A = arith.select %lt3A_18, %broadcast_in_dim3A, %broadcast_in_dim3A_20 : vector<48x128xi1>, vector<48x128xf32>
    %scan3A = arith.constant 0 : i32
    %scan3A_21 = arith.constant 0 : i32
    %scan3A_22 = arith.constant 5000 : i32
    %scan3A_23 = arith.addi %scan3A_21, %scan3A_22 : i32
    %scan3A_24 = arith.constant 1 : i32
    %scan3A_25:2 = scf.for %scan3A_27 = %scan3A_21 to %scan3A_23 step %scan3A_24 iter_args(%scan3A_28 = %select_n3A, %scan3A_29 = %scan3A) -> (vector<48x128xf32>, i32)  : i32 {
      %eq3A = vector.broadcast %scan3A_27 : i32 to vector<40x128xi32>
      %eq3A_30 = arith.cmpi eq, %add3A_8, %eq3A : vector<40x128xi32>
      %get3A_31 = arith.constant 0 : index
      %get3A_32 = arith.constant 0 : index
      %get3A_33 = vector.load %arg3[%get3A_31, %get3A_32] : memref<40x128xi32, #tpu.memory_space<vmem>>, vector<40x128xi32>
      %broadcast_in_dim3A_34 = vector.broadcast %scan3A_29 : i32 to vector<40x128xi32>
      %select_n3A_35 = arith.select %eq3A_30, %broadcast_in_dim3A_34, %get3A_33 : vector<40x128xi1>, vector<40x128xi32>
      %swap3A = arith.constant 0 : index
      %swap3A_36 = arith.constant 0 : index
      %swap3A_37 = vector.load %arg3[%swap3A, %swap3A_36] : memref<40x128xi32, #tpu.memory_space<vmem>>, vector<40x128xi32>
      tpu.vector_store %arg3[%swap3A, %swap3A_36], %select_n3A_35 {strides = array<i32>} : memref<40x128xi32, #tpu.memory_space<vmem>>, vector<40x128xi32>,
      %eq3A_38 = vector.broadcast %scan3A_29 : i32 to vector<48x128xi32>
      %eq3A_39 = arith.cmpi eq, %add3A, %eq3A_38 : vector<48x128xi32>
      %jit3A_40 = arith.constant 0.000000e+00 : f32
      %broadcast_in_dim3A_41 = vector.broadcast %jit3A_40 : f32 to vector<48x128xf32>
      %select_n3A_42 = arith.select %eq3A_39, %get3A_10, %broadcast_in_dim3A_41 : vector<48x128xi1>, vector<48x128xf32>
      %reduce_sum3A = vector.shape_cast %select_n3A_42 : vector<48x128xf32> to vector<1x48x128xf32>
      %reduce_sum3A_43 = arith.constant dense<0.000000e+00> : vector<1xf32>
      %reduce_sum3A_44 = vector.multi_reduction <add>, %reduce_sum3A, %reduce_sum3A_43 [1, 2] : vector<1x48x128xf32> to vector<1xf32>
      %reduce_sum3A_45 = vector.shape_cast %reduce_sum3A_44 : vector<1xf32> to vector<1x1x1xf32>
      %reduce_sum3A_46 = vector.extract %reduce_sum3A_45[0, 0, 0] : f32 from vector<1x1x1xf32>
      %jit3A_47 = arith.constant 0.000000e+00 : f32
      %broadcast_in_dim3A_48 = vector.broadcast %jit3A_47 : f32 to vector<48x128xf32>
      %select_n3A_49 = arith.select %eq3A_39, %get3A_13, %broadcast_in_dim3A_48 : vector<48x128xi1>, vector<48x128xf32>
      %reduce_sum3A_50 = vector.shape_cast %select_n3A_49 : vector<48x128xf32> to vector<1x48x128xf32>
      %reduce_sum3A_51 = arith.constant dense<0.000000e+00> : vector<1xf32>
      %reduce_sum3A_52 = vector.multi_reduction <add>, %reduce_sum3A_50, %reduce_sum3A_51 [1, 2] : vector<1x48x128xf32> to vector<1xf32>
      %reduce_sum3A_53 = vector.shape_cast %reduce_sum3A_52 : vector<1xf32> to vector<1x1x1xf32>
      %reduce_sum3A_54 = vector.extract %reduce_sum3A_53[0, 0, 0] : f32 from vector<1x1x1xf32>
      %jit3A_55 = arith.constant 0.000000e+00 : f32
      %broadcast_in_dim3A_56 = vector.broadcast %jit3A_55 : f32 to vector<48x128xf32>
      %select_n3A_57 = arith.select %eq3A_39, %get3A_16, %broadcast_in_dim3A_56 : vector<48x128xi1>, vector<48x128xf32>
      %reduce_sum3A_58 = vector.shape_cast %select_n3A_57 : vector<48x128xf32> to vector<1x48x128xf32>
      %reduce_sum3A_59 = arith.constant dense<0.000000e+00> : vector<1xf32>
      %reduce_sum3A_60 = vector.multi_reduction <add>, %reduce_sum3A_58, %reduce_sum3A_59 [1, 2] : vector<1x48x128xf32> to vector<1xf32>
      %reduce_sum3A_61 = vector.shape_cast %reduce_sum3A_60 : vector<1xf32> to vector<1x1x1xf32>
      %reduce_sum3A_62 = vector.extract %reduce_sum3A_61[0, 0, 0] : f32 from vector<1x1x1xf32>
      %sub3A = vector.broadcast %reduce_sum3A_46 : f32 to vector<48x128xf32>
      %sub3A_63 = arith.subf %get3A_10, %sub3A : vector<48x128xf32>
      %sub3A_64 = vector.broadcast %reduce_sum3A_54 : f32 to vector<48x128xf32>
      %sub3A_65 = arith.subf %get3A_13, %sub3A_64 : vector<48x128xf32>
      %sub3A_66 = vector.broadcast %reduce_sum3A_62 : f32 to vector<48x128xf32>
      %sub3A_67 = arith.subf %get3A_16, %sub3A_66 : vector<48x128xf32>
      %mul3A_68 = arith.mulf %sub3A_63, %sub3A_63 : vector<48x128xf32>
      %mul3A_69 = arith.mulf %sub3A_65, %sub3A_65 : vector<48x128xf32>
      %add3A_70 = arith.addf %mul3A_68, %mul3A_69 : vector<48x128xf32>
      %mul3A_71 = arith.mulf %sub3A_67, %sub3A_67 : vector<48x128xf32>
      %add3A_72 = arith.addf %add3A_70, %mul3A_71 : vector<48x128xf32>
      %min3A = arith.minimumf %scan3A_28, %add3A_72 : vector<48x128xf32>
      %reduce_max3A = vector.shape_cast %min3A : vector<48x128xf32> to vector<1x48x128xf32>
      %reduce_max3A_73 = arith.constant dense<0xFF800000> : vector<1xf32>
      %reduce_max3A_74 = vector.multi_reduction <maximumf>, %reduce_max3A, %reduce_max3A_73 [1, 2] : vector<1x48x128xf32> to vector<1xf32>
      %reduce_max3A_75 = vector.shape_cast %reduce_max3A_74 : vector<1xf32> to vector<1x1x1xf32>
      %reduce_max3A_76 = vector.extract %reduce_max3A_75[0, 0, 0] : f32 from vector<1x1x1xf32>
      %eq3A_77 = vector.broadcast %reduce_max3A_76 : f32 to vector<48x128xf32>
      %eq3A_78 = arith.cmpf oeq, %min3A, %eq3A_77 : vector<48x128xf32>
      %jit3A_79 = arith.constant 6144 : i32
      %broadcast_in_dim3A_80 = vector.broadcast %jit3A_79 : i32 to vector<48x128xi32>
      %select_n3A_81 = arith.select %eq3A_78, %add3A, %broadcast_in_dim3A_80 : vector<48x128xi1>, vector<48x128xi32>
      %reduce_min3A = vector.shape_cast %select_n3A_81 : vector<48x128xi32> to vector<1x48x128xi32>
      %reduce_min3A_82 = arith.constant dense<2147483647> : vector<1xi32>
      %reduce_min3A_83 = vector.multi_reduction <minsi>, %reduce_min3A, %reduce_min3A_82 [1, 2] : vector<1x48x128xi32> to vector<1xi32>
      %reduce_min3A_84 = vector.shape_cast %reduce_min3A_83 : vector<1xi32> to vector<1x1x1xi32>
      %reduce_min3A_85 = vector.extract %reduce_min3A_84[0, 0, 0] : i32 from vector<1x1x1xi32>
      scf.yield %min3A, %reduce_min3A_85 : vector<48x128xf32>, i32
    }
    %scan3A_26 = arith.constant 5000 : i32
    return
  }
}

module attributes {stable_mosaic.version = 14 : i64} {
  func.func @_fps_kernel(%arg0: memref<40x128xf32, #tpu.memory_space<vmem>>, %arg1: memref<40x128xf32, #tpu.memory_space<vmem>>, %arg2: memref<40x128xf32, #tpu.memory_space<vmem>>, %arg3: memref<8x128xi32, #tpu.memory_space<vmem>>) attributes {dimension_semantics = [], scalar_prefetch = 0 : i64, scratch_operands = 0 : i64, tpu.core_type = #tpu.core_type<tc>} {
    %iota3A = tpu.iota {dimensions = array<i32: 0>} : vector<40x128xi32>
    %mul3A = arith.constant 128 : i32
    %mul3A_0 = vector.broadcast %mul3A : i32 to vector<40x128xi32>
    %mul3A_1 = arith.muli %iota3A, %mul3A_0 : vector<40x128xi32>
    %iota3A_2 = tpu.iota {dimensions = array<i32: 1>} : vector<40x128xi32>
    %add3A = arith.addi %mul3A_1, %iota3A_2 : vector<40x128xi32>
    %iota3A_3 = tpu.iota {dimensions = array<i32: 0>} : vector<8x128xi32>
    %mul3A_4 = arith.constant 128 : i32
    %mul3A_5 = vector.broadcast %mul3A_4 : i32 to vector<8x128xi32>
    %mul3A_6 = arith.muli %iota3A_3, %mul3A_5 : vector<8x128xi32>
    %iota3A_7 = tpu.iota {dimensions = array<i32: 1>} : vector<8x128xi32>
    %add3A_8 = arith.addi %mul3A_6, %iota3A_7 : vector<8x128xi32>
    %get3A = arith.constant 0 : index
    %get3A_9 = arith.constant 0 : index
    %get3A_10 = vector.load %arg0[%get3A, %get3A_9] : memref<40x128xf32, #tpu.memory_space<vmem>>, vector<40x128xf32>
    %get3A_11 = arith.constant 0 : index
    %get3A_12 = arith.constant 0 : index
    %get3A_13 = vector.load %arg1[%get3A_11, %get3A_12] : memref<40x128xf32, #tpu.memory_space<vmem>>, vector<40x128xf32>
    %get3A_14 = arith.constant 0 : index
    %get3A_15 = arith.constant 0 : index
    %get3A_16 = vector.load %arg2[%get3A_14, %get3A_15] : memref<40x128xf32, #tpu.memory_space<vmem>>, vector<40x128xf32>
    %lt3A = arith.constant 5000 : i32
    %lt3A_17 = vector.broadcast %lt3A : i32 to vector<40x128xi32>
    %lt3A_18 = arith.cmpi slt, %add3A, %lt3A_17 : vector<40x128xi32>
    %jit3A = arith.constant 1.000000e+10 : f32
    %jit3A_19 = arith.constant -1.000000e+00 : f32
    %broadcast_in_dim3A = vector.broadcast %jit3A : f32 to vector<40x128xf32>
    %broadcast_in_dim3A_20 = vector.broadcast %jit3A_19 : f32 to vector<40x128xf32>
    %select_n3A = arith.select %lt3A_18, %broadcast_in_dim3A, %broadcast_in_dim3A_20 : vector<40x128xi1>, vector<40x128xf32>
    %scan3A = arith.constant 0 : i32
    %scan3A_21 = arith.constant 0 : i32
    %scan3A_22 = arith.constant 256 : i32
    %scan3A_23 = arith.addi %scan3A_21, %scan3A_22 : i32
    %scan3A_24 = arith.constant 1 : i32
    %scan3A_25:2 = scf.for %scan3A_27 = %scan3A_21 to %scan3A_23 step %scan3A_24 iter_args(%scan3A_28 = %select_n3A, %scan3A_29 = %scan3A) -> (vector<40x128xf32>, i32)  : i32 {
      %eq3A = vector.broadcast %scan3A_27 : i32 to vector<8x128xi32>
      %eq3A_30 = arith.cmpi eq, %add3A_8, %eq3A : vector<8x128xi32>
      %get3A_31 = arith.constant 0 : index
      %get3A_32 = arith.constant 0 : index
      %get3A_33 = vector.load %arg3[%get3A_31, %get3A_32] : memref<8x128xi32, #tpu.memory_space<vmem>>, vector<8x128xi32>
      %broadcast_in_dim3A_34 = vector.broadcast %scan3A_29 : i32 to vector<8x128xi32>
      %select_n3A_35 = arith.select %eq3A_30, %broadcast_in_dim3A_34, %get3A_33 : vector<8x128xi1>, vector<8x128xi32>
      %swap3A = arith.constant 0 : index
      %swap3A_36 = arith.constant 0 : index
      %swap3A_37 = vector.load %arg3[%swap3A, %swap3A_36] : memref<8x128xi32, #tpu.memory_space<vmem>>, vector<8x128xi32>
      tpu.vector_store %arg3[%swap3A, %swap3A_36], %select_n3A_35 {strides = array<i32>} : memref<8x128xi32, #tpu.memory_space<vmem>>, vector<8x128xi32>,
      %eq3A_38 = vector.broadcast %scan3A_29 : i32 to vector<40x128xi32>
      %eq3A_39 = arith.cmpi eq, %add3A, %eq3A_38 : vector<40x128xi32>
      %jit3A_40 = arith.constant 0.000000e+00 : f32
      %broadcast_in_dim3A_41 = vector.broadcast %jit3A_40 : f32 to vector<40x128xf32>
      %select_n3A_42 = arith.select %eq3A_39, %get3A_10, %broadcast_in_dim3A_41 : vector<40x128xi1>, vector<40x128xf32>
      %reduce_sum3A = vector.shape_cast %select_n3A_42 : vector<40x128xf32> to vector<1x40x128xf32>
      %reduce_sum3A_43 = arith.constant dense<0.000000e+00> : vector<1xf32>
      %reduce_sum3A_44 = vector.multi_reduction <add>, %reduce_sum3A, %reduce_sum3A_43 [1, 2] : vector<1x40x128xf32> to vector<1xf32>
      %reduce_sum3A_45 = vector.shape_cast %reduce_sum3A_44 : vector<1xf32> to vector<1x1x1xf32>
      %reduce_sum3A_46 = vector.extract %reduce_sum3A_45[0, 0, 0] : f32 from vector<1x1x1xf32>
      %jit3A_47 = arith.constant 0.000000e+00 : f32
      %broadcast_in_dim3A_48 = vector.broadcast %jit3A_47 : f32 to vector<40x128xf32>
      %select_n3A_49 = arith.select %eq3A_39, %get3A_13, %broadcast_in_dim3A_48 : vector<40x128xi1>, vector<40x128xf32>
      %reduce_sum3A_50 = vector.shape_cast %select_n3A_49 : vector<40x128xf32> to vector<1x40x128xf32>
      %reduce_sum3A_51 = arith.constant dense<0.000000e+00> : vector<1xf32>
      %reduce_sum3A_52 = vector.multi_reduction <add>, %reduce_sum3A_50, %reduce_sum3A_51 [1, 2] : vector<1x40x128xf32> to vector<1xf32>
      %reduce_sum3A_53 = vector.shape_cast %reduce_sum3A_52 : vector<1xf32> to vector<1x1x1xf32>
      %reduce_sum3A_54 = vector.extract %reduce_sum3A_53[0, 0, 0] : f32 from vector<1x1x1xf32>
      %jit3A_55 = arith.constant 0.000000e+00 : f32
      %broadcast_in_dim3A_56 = vector.broadcast %jit3A_55 : f32 to vector<40x128xf32>
      %select_n3A_57 = arith.select %eq3A_39, %get3A_16, %broadcast_in_dim3A_56 : vector<40x128xi1>, vector<40x128xf32>
      %reduce_sum3A_58 = vector.shape_cast %select_n3A_57 : vector<40x128xf32> to vector<1x40x128xf32>
      %reduce_sum3A_59 = arith.constant dense<0.000000e+00> : vector<1xf32>
      %reduce_sum3A_60 = vector.multi_reduction <add>, %reduce_sum3A_58, %reduce_sum3A_59 [1, 2] : vector<1x40x128xf32> to vector<1xf32>
      %reduce_sum3A_61 = vector.shape_cast %reduce_sum3A_60 : vector<1xf32> to vector<1x1x1xf32>
      %reduce_sum3A_62 = vector.extract %reduce_sum3A_61[0, 0, 0] : f32 from vector<1x1x1xf32>
      %sub3A = vector.broadcast %reduce_sum3A_46 : f32 to vector<40x128xf32>
      %sub3A_63 = arith.subf %get3A_10, %sub3A : vector<40x128xf32>
      %sub3A_64 = vector.broadcast %reduce_sum3A_54 : f32 to vector<40x128xf32>
      %sub3A_65 = arith.subf %get3A_13, %sub3A_64 : vector<40x128xf32>
      %sub3A_66 = vector.broadcast %reduce_sum3A_62 : f32 to vector<40x128xf32>
      %sub3A_67 = arith.subf %get3A_16, %sub3A_66 : vector<40x128xf32>
      %mul3A_68 = arith.mulf %sub3A_63, %sub3A_63 : vector<40x128xf32>
      %mul3A_69 = arith.mulf %sub3A_65, %sub3A_65 : vector<40x128xf32>
      %add3A_70 = arith.addf %mul3A_68, %mul3A_69 : vector<40x128xf32>
      %mul3A_71 = arith.mulf %sub3A_67, %sub3A_67 : vector<40x128xf32>
      %add3A_72 = arith.addf %add3A_70, %mul3A_71 : vector<40x128xf32>
      %min3A = arith.minimumf %scan3A_28, %add3A_72 : vector<40x128xf32>
      %reduce_max3A = vector.shape_cast %min3A : vector<40x128xf32> to vector<1x40x128xf32>
      %reduce_max3A_73 = arith.constant dense<0xFF800000> : vector<1xf32>
      %reduce_max3A_74 = vector.multi_reduction <maximumf>, %reduce_max3A, %reduce_max3A_73 [1, 2] : vector<1x40x128xf32> to vector<1xf32>
      %reduce_max3A_75 = vector.shape_cast %reduce_max3A_74 : vector<1xf32> to vector<1x1x1xf32>
      %reduce_max3A_76 = vector.extract %reduce_max3A_75[0, 0, 0] : f32 from vector<1x1x1xf32>
      %eq3A_77 = vector.broadcast %reduce_max3A_76 : f32 to vector<40x128xf32>
      %eq3A_78 = arith.cmpf oeq, %min3A, %eq3A_77 : vector<40x128xf32>
      %jit3A_79 = arith.constant 5120 : i32
      %broadcast_in_dim3A_80 = vector.broadcast %jit3A_79 : i32 to vector<40x128xi32>
      %select_n3A_81 = arith.select %eq3A_78, %add3A, %broadcast_in_dim3A_80 : vector<40x128xi1>, vector<40x128xi32>
      %reduce_min3A = vector.shape_cast %select_n3A_81 : vector<40x128xi32> to vector<1x40x128xi32>
      %reduce_min3A_82 = arith.constant dense<2147483647> : vector<1xi32>
      %reduce_min3A_83 = vector.multi_reduction <minsi>, %reduce_min3A, %reduce_min3A_82 [1, 2] : vector<1x40x128xi32> to vector<1xi32>
      %reduce_min3A_84 = vector.shape_cast %reduce_min3A_83 : vector<1xi32> to vector<1x1x1xi32>
      %reduce_min3A_85 = vector.extract %reduce_min3A_84[0, 0, 0] : i32 from vector<1x1x1xi32>
      scf.yield %min3A, %reduce_min3A_85 : vector<40x128xf32>, i32
    }
    %scan3A_26 = arith.constant 256 : i32
    return
  }
}

module attributes {stable_mosaic.version = 14 : i64} {
  func.func @_layer_first_kernel(%arg0: i32, %arg1: memref<2048x3xf32, #tpu.memory_space<vmem>>, %arg2: memref<2048x128xf32, #tpu.memory_space<vmem>>, %arg3: memref<128x3xf32, #tpu.memory_space<vmem>>, %arg4: memref<128x128xf32, #tpu.memory_space<vmem>>, %arg5: memref<1x128xf32, #tpu.memory_space<vmem>>, %arg6: memref<2048x128xf32, #tpu.memory_space<vmem>>, %arg7: memref<1x128xf32, #tpu.memory_space<vmem>>, %arg8: memref<1x128xf32, #tpu.memory_space<vmem>>) attributes {dimension_semantics = [#tpu.dimension_semantics<arbitrary>], iteration_bounds = array<i64: 625>, scalar_prefetch = 0 : i64, scratch_operands = 0 : i64, tpu.core_type = #tpu.core_type<tc>, window_params = [{transform_indices = @transform_0, window_bounds = array<i64: 2048, 3>}, {transform_indices = @transform_1, window_bounds = array<i64: 2048, 128>}, {pipeline_mode = #tpu.pipeline_mode<synchronous>, transform_indices = @transform_2, window_bounds = array<i64: 128, 3>}, {pipeline_mode = #tpu.pipeline_mode<synchronous>, transform_indices = @transform_3, window_bounds = array<i64: 128, 128>}, {pipeline_mode = #tpu.pipeline_mode<synchronous>, transform_indices = @transform_4, window_bounds = array<i64: 1, 128>}, {transform_indices = @transform_5, window_bounds = array<i64: 2048, 128>}, {pipeline_mode = #tpu.pipeline_mode<synchronous>, transform_indices = @transform_6, window_bounds = array<i64: 1, 128>}, {pipeline_mode = #tpu.pipeline_mode<synchronous>, transform_indices = @transform_7, window_bounds = array<i64: 1, 128>}]} {
    %get3A = arith.constant 0 : index
    %get3A_0 = arith.constant 0 : index
    %get3A_1 = vector.load %arg2[%get3A, %get3A_0] : memref<2048x128xf32, #tpu.memory_space<vmem>>, vector<2048x128xf32>
    %get3A_2 = arith.constant 0 : index
    %get3A_3 = arith.constant 0 : index
    %get3A_4 = vector.load %arg4[%get3A_2, %get3A_3] : memref<128x128xf32, #tpu.memory_space<vmem>>, vector<128x128xf32>
    %dot_general3A = arith.constant dense<0.000000e+00> : vector<2048x128xf32>
    %dot_general3A_5 = tpu.matmul %get3A_1, %get3A_4, %dot_general3A {dimension_numbers = #tpu.dot_dimension_numbers<[1], [1], [0], [0], [0, 0, 1, 0], [], []>, transpose_lhs_hint = false} : vector<2048x128xf32>, vector<128x128xf32>, vector<2048x128xf32> -> vector<2048x128xf32>
    %get3A_6 = arith.constant 0 : index
    %get3A_7 = arith.constant 0 : index
    %get3A_8 = vector.load %arg1[%get3A_6, %get3A_7] : memref<2048x3xf32, #tpu.memory_space<vmem>>, vector<2048x3xf32>
    %get3A_9 = arith.constant 0 : index
    %get3A_10 = arith.constant 0 : index
    %get3A_11 = vector.load %arg3[%get3A_9, %get3A_10] : memref<128x3xf32, #tpu.memory_space<vmem>>, vector<128x3xf32>
    %dot_general3A_12 = arith.constant dense<0.000000e+00> : vector<2048x128xf32>
    %dot_general3A_13 = tpu.matmul %get3A_8, %get3A_11, %dot_general3A_12 {dimension_numbers = #tpu.dot_dimension_numbers<[1], [1], [0], [0], [0, 0, 1, 0], [], []>, transpose_lhs_hint = false} : vector<2048x3xf32>, vector<128x3xf32>, vector<2048x128xf32> -> vector<2048x128xf32>
    %add3A = arith.addf %dot_general3A_5, %dot_general3A_13 : vector<2048x128xf32>
    %get3A_14 = arith.constant 0 : index
    %get3A_15 = arith.constant 0 : index
    %get3A_16 = vector.load %arg5[%get3A_14, %get3A_15] : memref<1x128xf32, #tpu.memory_space<vmem>>, vector<1x128xf32>
    %add3A_17 = vector.broadcast %get3A_16 : vector<1x128xf32> to vector<2048x128xf32>
    %add3A_18 = arith.addf %add3A, %add3A_17 : vector<2048x128xf32>
    %swap3A = arith.constant 0 : index
    %swap3A_19 = arith.constant 0 : index
    %swap3A_20 = vector.load %arg6[%swap3A, %swap3A_19] : memref<2048x128xf32, #tpu.memory_space<vmem>>, vector<2048x128xf32>
    tpu.vector_store %arg6[%swap3A, %swap3A_19], %add3A_18 {strides = array<i32>} : memref<2048x128xf32, #tpu.memory_space<vmem>>, vector<2048x128xf32>,
    %eq3A = arith.constant 0 : i32
    %eq3A_21 = arith.cmpi eq, %arg0, %eq3A : i32
    %convert_element_type3A = arith.extui %eq3A_21 : i1 to i32
    %cond3A = arith.constant 0 : i32
    %cond3A_22 = arith.cmpi ne, %convert_element_type3A, %cond3A : i32
    scf.if %cond3A_22 {
      %broadcast_in_dim3A_41 = arith.constant 0.000000e+00 : f32
      %broadcast_in_dim3A_42 = vector.broadcast %broadcast_in_dim3A_41 : f32 to vector<1x128xf32>
      %swap3A_43 = arith.constant 0 : index
      %swap3A_44 = arith.constant 0 : index
      %swap3A_45 = vector.load %arg7[%swap3A_43, %swap3A_44] : memref<1x128xf32, #tpu.memory_space<vmem>>, vector<1x128xf32>
      tpu.vector_store %arg7[%swap3A_43, %swap3A_44], %broadcast_in_dim3A_42 {strides = array<i32>} : memref<1x128xf32, #tpu.memory_space<vmem>>, vector<1x128xf32>,
      %broadcast_in_dim3A_46 = arith.constant 0.000000e+00 : f32
      %broadcast_in_dim3A_47 = vector.broadcast %broadcast_in_dim3A_46 : f32 to vector<1x128xf32>
      %swap3A_48 = arith.constant 0 : index
      %swap3A_49 = arith.constant 0 : index
      %swap3A_50 = vector.load %arg8[%swap3A_48, %swap3A_49] : memref<1x128xf32, #tpu.memory_space<vmem>>, vector<1x128xf32>
      tpu.vector_store %arg8[%swap3A_48, %swap3A_49], %broadcast_in_dim3A_47 {strides = array<i32>} : memref<1x128xf32, #tpu.memory_space<vmem>>, vector<1x128xf32>,
    } else {
    }
    %get3A_23 = arith.constant 0 : index
    %get3A_24 = arith.constant 0 : index
    %get3A_25 = vector.load %arg7[%get3A_23, %get3A_24] : memref<1x128xf32, #tpu.memory_space<vmem>>, vector<1x128xf32>
    %reduce_sum3A = arith.constant dense<0.000000e+00> : vector<128xf32>
    %reduce_sum3A_26 = vector.multi_reduction <add>, %add3A_18, %reduce_sum3A [0] : vector<2048x128xf32> to vector<128xf32>
    %broadcast_in_dim3A = vector.shape_cast %reduce_sum3A_26 : vector<128xf32> to vector<1x128xf32>
    %add3A_27 = arith.addf %get3A_25, %broadcast_in_dim3A : vector<1x128xf32>
    %swap3A_28 = arith.constant 0 : index
    %swap3A_29 = arith.constant 0 : index
    %swap3A_30 = vector.load %arg7[%swap3A_28, %swap3A_29] : memref<1x128xf32, #tpu.memory_space<vmem>>, vector<1x128xf32>
    tpu.vector_store %arg7[%swap3A_28, %swap3A_29], %add3A_27 {strides = array<i32>} : memref<1x128xf32, #tpu.memory_space<vmem>>, vector<1x128xf32>,
    %get3A_31 = arith.constant 0 : index
    %get3A_32 = arith.constant 0 : index
    %get3A_33 = vector.load %arg8[%get3A_31, %get3A_32] : memref<1x128xf32, #tpu.memory_space<vmem>>, vector<1x128xf32>
    %mul3A = arith.mulf %add3A_18, %add3A_18 : vector<2048x128xf32>
    %reduce_sum3A_34 = arith.constant dense<0.000000e+00> : vector<128xf32>
    %reduce_sum3A_35 = vector.multi_reduction <add>, %mul3A, %reduce_sum3A_34 [0] : vector<2048x128xf32> to vector<128xf32>
    %broadcast_in_dim3A_36 = vector.shape_cast %reduce_sum3A_35 : vector<128xf32> to vector<1x128xf32>
    %add3A_37 = arith.addf %get3A_33, %broadcast_in_dim3A_36 : vector<1x128xf32>
    %swap3A_38 = arith.constant 0 : index
    %swap3A_39 = arith.constant 0 : index
    %swap3A_40 = vector.load %arg8[%swap3A_38, %swap3A_39] : memref<1x128xf32, #tpu.memory_space<vmem>>, vector<1x128xf32>
    tpu.vector_store %arg8[%swap3A_38, %swap3A_39], %add3A_37 {strides = array<i32>} : memref<1x128xf32, #tpu.memory_space<vmem>>, vector<1x128xf32>,
    return
  }
  func.func @transform_0(%arg0: i32) -> (i32, i32) {
    %c0_i32 = arith.constant 0 : i32
    %c0_i32_0 = arith.constant 0 : i32
    return %arg0, %c0_i32 : i32, i32
  }
  func.func @transform_1(%arg0: i32) -> (i32, i32) {
    %c0_i32 = arith.constant 0 : i32
    %c0_i32_0 = arith.constant 0 : i32
    return %arg0, %c0_i32 : i32, i32
  }
  func.func @transform_2(%arg0: i32) -> (i32, i32) {
    %c0_i32 = arith.constant 0 : i32
    %c0_i32_0 = arith.constant 0 : i32
    %c0_i32_1 = arith.constant 0 : i32
    return %c0_i32, %c0_i32_0 : i32, i32
  }
  func.func @transform_3(%arg0: i32) -> (i32, i32) {
    %c0_i32 = arith.constant 0 : i32
    %c0_i32_0 = arith.constant 0 : i32
    %c0_i32_1 = arith.constant 0 : i32
    return %c0_i32, %c0_i32_0 : i32, i32
  }
  func.func @transform_4(%arg0: i32) -> (i32, i32) {
    %c0_i32 = arith.constant 0 : i32
    %c0_i32_0 = arith.constant 0 : i32
    %c0_i32_1 = arith.constant 0 : i32
    return %c0_i32, %c0_i32_0 : i32, i32
  }
  func.func @transform_5(%arg0: i32) -> (i32, i32) {
    %c0_i32 = arith.constant 0 : i32
    %c0_i32_0 = arith.constant 0 : i32
    return %arg0, %c0_i32 : i32, i32
  }
  func.func @transform_6(%arg0: i32) -> (i32, i32) {
    %c0_i32 = arith.constant 0 : i32
    %c0_i32_0 = arith.constant 0 : i32
    %c0_i32_1 = arith.constant 0 : i32
    return %c0_i32, %c0_i32_0 : i32, i32
  }
  func.func @transform_7(%arg0: i32) -> (i32, i32) {
    %c0_i32 = arith.constant 0 : i32
    %c0_i32_0 = arith.constant 0 : i32
    %c0_i32_1 = arith.constant 0 : i32
    return %c0_i32, %c0_i32_0 : i32, i32
  }
}

module attributes {stable_mosaic.version = 14 : i64} {
  func.func @_layer_mid_kernel(%arg0: i32, %arg1: memref<2048x128xf32, #tpu.memory_space<vmem>>, %arg2: memref<128x128xf32, #tpu.memory_space<vmem>>, %arg3: memref<1x128xf32, #tpu.memory_space<vmem>>, %arg4: memref<1x128xf32, #tpu.memory_space<vmem>>, %arg5: memref<1x128xf32, #tpu.memory_space<vmem>>, %arg6: memref<2048x128xf32, #tpu.memory_space<vmem>>, %arg7: memref<1x128xf32, #tpu.memory_space<vmem>>, %arg8: memref<1x128xf32, #tpu.memory_space<vmem>>) attributes {dimension_semantics = [#tpu.dimension_semantics<arbitrary>], iteration_bounds = array<i64: 625>, scalar_prefetch = 0 : i64, scratch_operands = 0 : i64, tpu.core_type = #tpu.core_type<tc>, window_params = [{transform_indices = @transform_0, window_bounds = array<i64: 2048, 128>}, {pipeline_mode = #tpu.pipeline_mode<synchronous>, transform_indices = @transform_1, window_bounds = array<i64: 128, 128>}, {pipeline_mode = #tpu.pipeline_mode<synchronous>, transform_indices = @transform_2, window_bounds = array<i64: 1, 128>}, {pipeline_mode = #tpu.pipeline_mode<synchronous>, transform_indices = @transform_3, window_bounds = array<i64: 1, 128>}, {pipeline_mode = #tpu.pipeline_mode<synchronous>, transform_indices = @transform_4, window_bounds = array<i64: 1, 128>}, {transform_indices = @transform_5, window_bounds = array<i64: 2048, 128>}, {pipeline_mode = #tpu.pipeline_mode<synchronous>, transform_indices = @transform_6, window_bounds = array<i64: 1, 128>}, {pipeline_mode = #tpu.pipeline_mode<synchronous>, transform_indices = @transform_7, window_bounds = array<i64: 1, 128>}]} {
    %get3A = arith.constant 0 : index
    %get3A_0 = arith.constant 0 : index
    %get3A_1 = vector.load %arg1[%get3A, %get3A_0] : memref<2048x128xf32, #tpu.memory_space<vmem>>, vector<2048x128xf32>
    %get3A_2 = arith.constant 0 : index
    %get3A_3 = arith.constant 0 : index
    %get3A_4 = vector.load %arg4[%get3A_2, %get3A_3] : memref<1x128xf32, #tpu.memory_space<vmem>>, vector<1x128xf32>
    %mul3A = vector.broadcast %get3A_4 : vector<1x128xf32> to vector<2048x128xf32>
    %mul3A_5 = arith.mulf %get3A_1, %mul3A : vector<2048x128xf32>
    %get3A_6 = arith.constant 0 : index
    %get3A_7 = arith.constant 0 : index
    %get3A_8 = vector.load %arg5[%get3A_6, %get3A_7] : memref<1x128xf32, #tpu.memory_space<vmem>>, vector<1x128xf32>
    %add3A = vector.broadcast %get3A_8 : vector<1x128xf32> to vector<2048x128xf32>
    %add3A_9 = arith.addf %mul3A_5, %add3A : vector<2048x128xf32>
    %max3A = arith.constant 0.000000e+00 : f32
    %max3A_10 = vector.broadcast %max3A : f32 to vector<2048x128xf32>
    %max3A_11 = arith.maximumf %add3A_9, %max3A_10 : vector<2048x128xf32>
    %get3A_12 = arith.constant 0 : index
    %get3A_13 = arith.constant 0 : index
    %get3A_14 = vector.load %arg2[%get3A_12, %get3A_13] : memref<128x128xf32, #tpu.memory_space<vmem>>, vector<128x128xf32>
    %dot_general3A = arith.constant dense<0.000000e+00> : vector<2048x128xf32>
    %dot_general3A_15 = tpu.matmul %max3A_11, %get3A_14, %dot_general3A {dimension_numbers = #tpu.dot_dimension_numbers<[1], [1], [0], [0], [0, 0, 1, 0], [], []>, transpose_lhs_hint = false} : vector<2048x128xf32>, vector<128x128xf32>, vector<2048x128xf32> -> vector<2048x128xf32>
    %get3A_16 = arith.constant 0 : index
    %get3A_17 = arith.constant 0 : index
    %get3A_18 = vector.load %arg3[%get3A_16, %get3A_17] : memref<1x128xf32, #tpu.memory_space<vmem>>, vector<1x128xf32>
    %add3A_19 = vector.broadcast %get3A_18 : vector<1x128xf32> to vector<2048x128xf32>
    %add3A_20 = arith.addf %dot_general3A_15, %add3A_19 : vector<2048x128xf32>
    %swap3A = arith.constant 0 : index
    %swap3A_21 = arith.constant 0 : index
    %swap3A_22 = vector.load %arg6[%swap3A, %swap3A_21] : memref<2048x128xf32, #tpu.memory_space<vmem>>, vector<2048x128xf32>
    tpu.vector_store %arg6[%swap3A, %swap3A_21], %add3A_20 {strides = array<i32>} : memref<2048x128xf32, #tpu.memory_space<vmem>>, vector<2048x128xf32>,
    %eq3A = arith.constant 0 : i32
    %eq3A_23 = arith.cmpi eq, %arg0, %eq3A : i32
    %convert_element_type3A = arith.extui %eq3A_23 : i1 to i32
    %cond3A = arith.constant 0 : i32
    %cond3A_24 = arith.cmpi ne, %convert_element_type3A, %cond3A : i32
    scf.if %cond3A_24 {
      %broadcast_in_dim3A_44 = arith.constant 0.000000e+00 : f32
      %broadcast_in_dim3A_45 = vector.broadcast %broadcast_in_dim3A_44 : f32 to vector<1x128xf32>
      %swap3A_46 = arith.constant 0 : index
      %swap3A_47 = arith.constant 0 : index
      %swap3A_48 = vector.load %arg7[%swap3A_46, %swap3A_47] : memref<1x128xf32, #tpu.memory_space<vmem>>, vector<1x128xf32>
      tpu.vector_store %arg7[%swap3A_46, %swap3A_47], %broadcast_in_dim3A_45 {strides = array<i32>} : memref<1x128xf32, #tpu.memory_space<vmem>>, vector<1x128xf32>,
      %broadcast_in_dim3A_49 = arith.constant 0.000000e+00 : f32
      %broadcast_in_dim3A_50 = vector.broadcast %broadcast_in_dim3A_49 : f32 to vector<1x128xf32>
      %swap3A_51 = arith.constant 0 : index
      %swap3A_52 = arith.constant 0 : index
      %swap3A_53 = vector.load %arg8[%swap3A_51, %swap3A_52] : memref<1x128xf32, #tpu.memory_space<vmem>>, vector<1x128xf32>
      tpu.vector_store %arg8[%swap3A_51, %swap3A_52], %broadcast_in_dim3A_50 {strides = array<i32>} : memref<1x128xf32, #tpu.memory_space<vmem>>, vector<1x128xf32>,
    } else {
    }
    %get3A_25 = arith.constant 0 : index
    %get3A_26 = arith.constant 0 : index
    %get3A_27 = vector.load %arg7[%get3A_25, %get3A_26] : memref<1x128xf32, #tpu.memory_space<vmem>>, vector<1x128xf32>
    %reduce_sum3A = arith.constant dense<0.000000e+00> : vector<128xf32>
    %reduce_sum3A_28 = vector.multi_reduction <add>, %add3A_20, %reduce_sum3A [0] : vector<2048x128xf32> to vector<128xf32>
    %broadcast_in_dim3A = vector.shape_cast %reduce_sum3A_28 : vector<128xf32> to vector<1x128xf32>
    %add3A_29 = arith.addf %get3A_27, %broadcast_in_dim3A : vector<1x128xf32>
    %swap3A_30 = arith.constant 0 : index
    %swap3A_31 = arith.constant 0 : index
    %swap3A_32 = vector.load %arg7[%swap3A_30, %swap3A_31] : memref<1x128xf32, #tpu.memory_space<vmem>>, vector<1x128xf32>
    tpu.vector_store %arg7[%swap3A_30, %swap3A_31], %add3A_29 {strides = array<i32>} : memref<1x128xf32, #tpu.memory_space<vmem>>, vector<1x128xf32>,
    %get3A_33 = arith.constant 0 : index
    %get3A_34 = arith.constant 0 : index
    %get3A_35 = vector.load %arg8[%get3A_33, %get3A_34] : memref<1x128xf32, #tpu.memory_space<vmem>>, vector<1x128xf32>
    %mul3A_36 = arith.mulf %add3A_20, %add3A_20 : vector<2048x128xf32>
    %reduce_sum3A_37 = arith.constant dense<0.000000e+00> : vector<128xf32>
    %reduce_sum3A_38 = vector.multi_reduction <add>, %mul3A_36, %reduce_sum3A_37 [0] : vector<2048x128xf32> to vector<128xf32>
    %broadcast_in_dim3A_39 = vector.shape_cast %reduce_sum3A_38 : vector<128xf32> to vector<1x128xf32>
    %add3A_40 = arith.addf %get3A_35, %broadcast_in_dim3A_39 : vector<1x128xf32>
    %swap3A_41 = arith.constant 0 : index
    %swap3A_42 = arith.constant 0 : index
    %swap3A_43 = vector.load %arg8[%swap3A_41, %swap3A_42] : memref<1x128xf32, #tpu.memory_space<vmem>>, vector<1x128xf32>
    tpu.vector_store %arg8[%swap3A_41, %swap3A_42], %add3A_40 {strides = array<i32>} : memref<1x128xf32, #tpu.memory_space<vmem>>, vector<1x128xf32>,
    return
  }
  func.func @transform_0(%arg0: i32) -> (i32, i32) {
    %c0_i32 = arith.constant 0 : i32
    %c0_i32_0 = arith.constant 0 : i32
    return %arg0, %c0_i32 : i32, i32
  }
  func.func @transform_1(%arg0: i32) -> (i32, i32) {
    %c0_i32 = arith.constant 0 : i32
    %c0_i32_0 = arith.constant 0 : i32
    %c0_i32_1 = arith.constant 0 : i32
    return %c0_i32, %c0_i32_0 : i32, i32
  }
  func.func @transform_2(%arg0: i32) -> (i32, i32) {
    %c0_i32 = arith.constant 0 : i32
    %c0_i32_0 = arith.constant 0 : i32
    %c0_i32_1 = arith.constant 0 : i32
    return %c0_i32, %c0_i32_0 : i32, i32
  }
  func.func @transform_3(%arg0: i32) -> (i32, i32) {
    %c0_i32 = arith.constant 0 : i32
    %c0_i32_0 = arith.constant 0 : i32
    %c0_i32_1 = arith.constant 0 : i32
    return %c0_i32, %c0_i32_0 : i32, i32
  }
  func.func @transform_4(%arg0: i32) -> (i32, i32) {
    %c0_i32 = arith.constant 0 : i32
    %c0_i32_0 = arith.constant 0 : i32
    %c0_i32_1 = arith.constant 0 : i32
    return %c0_i32, %c0_i32_0 : i32, i32
  }
  func.func @transform_5(%arg0: i32) -> (i32, i32) {
    %c0_i32 = arith.constant 0 : i32
    %c0_i32_0 = arith.constant 0 : i32
    return %arg0, %c0_i32 : i32, i32
  }
  func.func @transform_6(%arg0: i32) -> (i32, i32) {
    %c0_i32 = arith.constant 0 : i32
    %c0_i32_0 = arith.constant 0 : i32
    %c0_i32_1 = arith.constant 0 : i32
    return %c0_i32, %c0_i32_0 : i32, i32
  }
  func.func @transform_7(%arg0: i32) -> (i32, i32) {
    %c0_i32 = arith.constant 0 : i32
    %c0_i32_0 = arith.constant 0 : i32
    %c0_i32_1 = arith.constant 0 : i32
    return %c0_i32, %c0_i32_0 : i32, i32
  }
}

module attributes {stable_mosaic.version = 14 : i64} {
  func.func @_layer_last_kernel(%arg0: i32, %arg1: memref<2048x128xf32, #tpu.memory_space<vmem>>, %arg2: memref<256x128xf32, #tpu.memory_space<vmem>>, %arg3: memref<1x256xf32, #tpu.memory_space<vmem>>, %arg4: memref<1x128xf32, #tpu.memory_space<vmem>>, %arg5: memref<1x128xf32, #tpu.memory_space<vmem>>, %arg6: memref<8x256xf32, #tpu.memory_space<vmem>>, %arg7: memref<8x256xf32, #tpu.memory_space<vmem>>, %arg8: memref<1x256xf32, #tpu.memory_space<vmem>>, %arg9: memref<1x256xf32, #tpu.memory_space<vmem>>) attributes {dimension_semantics = [#tpu.dimension_semantics<arbitrary>], iteration_bounds = array<i64: 625>, scalar_prefetch = 0 : i64, scratch_operands = 0 : i64, tpu.core_type = #tpu.core_type<tc>, window_params = [{transform_indices = @transform_0, window_bounds = array<i64: 2048, 128>}, {pipeline_mode = #tpu.pipeline_mode<synchronous>, transform_indices = @transform_1, window_bounds = array<i64: 256, 128>}, {pipeline_mode = #tpu.pipeline_mode<synchronous>, transform_indices = @transform_2, window_bounds = array<i64: 1, 256>}, {pipeline_mode = #tpu.pipeline_mode<synchronous>, transform_indices = @transform_3, window_bounds = array<i64: 1, 128>}, {pipeline_mode = #tpu.pipeline_mode<synchronous>, transform_indices = @transform_4, window_bounds = array<i64: 1, 128>}, {transform_indices = @transform_5, window_bounds = array<i64: 8, 256>}, {transform_indices = @transform_6, window_bounds = array<i64: 8, 256>}, {pipeline_mode = #tpu.pipeline_mode<synchronous>, transform_indices = @transform_7, window_bounds = array<i64: 1, 256>}, {pipeline_mode = #tpu.pipeline_mode<synchronous>, transform_indices = @transform_8, window_bounds = array<i64: 1, 256>}]} {
    %get3A = arith.constant 0 : index
    %get3A_0 = arith.constant 0 : index
    %get3A_1 = vector.load %arg1[%get3A, %get3A_0] : memref<2048x128xf32, #tpu.memory_space<vmem>>, vector<2048x128xf32>
    %get3A_2 = arith.constant 0 : index
    %get3A_3 = arith.constant 0 : index
    %get3A_4 = vector.load %arg4[%get3A_2, %get3A_3] : memref<1x128xf32, #tpu.memory_space<vmem>>, vector<1x128xf32>
    %mul3A = vector.broadcast %get3A_4 : vector<1x128xf32> to vector<2048x128xf32>
    %mul3A_5 = arith.mulf %get3A_1, %mul3A : vector<2048x128xf32>
    %get3A_6 = arith.constant 0 : index
    %get3A_7 = arith.constant 0 : index
    %get3A_8 = vector.load %arg5[%get3A_6, %get3A_7] : memref<1x128xf32, #tpu.memory_space<vmem>>, vector<1x128xf32>
    %add3A = vector.broadcast %get3A_8 : vector<1x128xf32> to vector<2048x128xf32>
    %add3A_9 = arith.addf %mul3A_5, %add3A : vector<2048x128xf32>
    %max3A = arith.constant 0.000000e+00 : f32
    %max3A_10 = vector.broadcast %max3A : f32 to vector<2048x128xf32>
    %max3A_11 = arith.maximumf %add3A_9, %max3A_10 : vector<2048x128xf32>
    %get3A_12 = arith.constant 0 : index
    %get3A_13 = arith.constant 0 : index
    %get3A_14 = vector.load %arg2[%get3A_12, %get3A_13] : memref<256x128xf32, #tpu.memory_space<vmem>>, vector<256x128xf32>
    %dot_general3A = arith.constant dense<0.000000e+00> : vector<2048x256xf32>
    %dot_general3A_15 = tpu.matmul %max3A_11, %get3A_14, %dot_general3A {dimension_numbers = #tpu.dot_dimension_numbers<[1], [1], [0], [0], [0, 0, 1, 0], [], []>, transpose_lhs_hint = false} : vector<2048x128xf32>, vector<256x128xf32>, vector<2048x256xf32> -> vector<2048x256xf32>
    %get3A_16 = arith.constant 0 : index
    %get3A_17 = arith.constant 0 : index
    %get3A_18 = vector.load %arg3[%get3A_16, %get3A_17] : memref<1x256xf32, #tpu.memory_space<vmem>>, vector<1x256xf32>
    %add3A_19 = vector.broadcast %get3A_18 : vector<1x256xf32> to vector<2048x256xf32>
    %add3A_20 = arith.addf %dot_general3A_15, %add3A_19 : vector<2048x256xf32>
    %reshape3A = vector.shape_cast %add3A_20 : vector<2048x256xf32> to vector<8x256x256xf32>
    %reduce_max3A = arith.constant dense<0xFF800000> : vector<8x256xf32>
    %reduce_max3A_21 = vector.multi_reduction <maximumf>, %reshape3A, %reduce_max3A [1] : vector<8x256x256xf32> to vector<8x256xf32>
    %swap3A = arith.constant 0 : index
    %swap3A_22 = arith.constant 0 : index
    %swap3A_23 = vector.load %arg6[%swap3A, %swap3A_22] : memref<8x256xf32, #tpu.memory_space<vmem>>, vector<8x256xf32>
    tpu.vector_store %arg6[%swap3A, %swap3A_22], %reduce_max3A_21 {strides = array<i32>} : memref<8x256xf32, #tpu.memory_space<vmem>>, vector<8x256xf32>,
    %reduce_min3A = arith.constant dense<0x7F800000> : vector<8x256xf32>
    %reduce_min3A_24 = vector.multi_reduction <minimumf>, %reshape3A, %reduce_min3A [1] : vector<8x256x256xf32> to vector<8x256xf32>
    %swap3A_25 = arith.constant 0 : index
    %swap3A_26 = arith.constant 0 : index
    %swap3A_27 = vector.load %arg7[%swap3A_25, %swap3A_26] : memref<8x256xf32, #tpu.memory_space<vmem>>, vector<8x256xf32>
    tpu.vector_store %arg7[%swap3A_25, %swap3A_26], %reduce_min3A_24 {strides = array<i32>} : memref<8x256xf32, #tpu.memory_space<vmem>>, vector<8x256xf32>,
    %eq3A = arith.constant 0 : i32
    %eq3A_28 = arith.cmpi eq, %arg0, %eq3A : i32
    %convert_element_type3A = arith.extui %eq3A_28 : i1 to i32
    %cond3A = arith.constant 0 : i32
    %cond3A_29 = arith.cmpi ne, %convert_element_type3A, %cond3A : i32
    scf.if %cond3A_29 {
      %broadcast_in_dim3A_49 = arith.constant 0.000000e+00 : f32
      %broadcast_in_dim3A_50 = vector.broadcast %broadcast_in_dim3A_49 : f32 to vector<1x256xf32>
      %swap3A_51 = arith.constant 0 : index
      %swap3A_52 = arith.constant 0 : index
      %swap3A_53 = vector.load %arg8[%swap3A_51, %swap3A_52] : memref<1x256xf32, #tpu.memory_space<vmem>>, vector<1x256xf32>
      tpu.vector_store %arg8[%swap3A_51, %swap3A_52], %broadcast_in_dim3A_50 {strides = array<i32>} : memref<1x256xf32, #tpu.memory_space<vmem>>, vector<1x256xf32>,
      %broadcast_in_dim3A_54 = arith.constant 0.000000e+00 : f32
      %broadcast_in_dim3A_55 = vector.broadcast %broadcast_in_dim3A_54 : f32 to vector<1x256xf32>
      %swap3A_56 = arith.constant 0 : index
      %swap3A_57 = arith.constant 0 : index
      %swap3A_58 = vector.load %arg9[%swap3A_56, %swap3A_57] : memref<1x256xf32, #tpu.memory_space<vmem>>, vector<1x256xf32>
      tpu.vector_store %arg9[%swap3A_56, %swap3A_57], %broadcast_in_dim3A_55 {strides = array<i32>} : memref<1x256xf32, #tpu.memory_space<vmem>>, vector<1x256xf32>,
    } else {
    }
    %get3A_30 = arith.constant 0 : index
    %get3A_31 = arith.constant 0 : index
    %get3A_32 = vector.load %arg8[%get3A_30, %get3A_31] : memref<1x256xf32, #tpu.memory_space<vmem>>, vector<1x256xf32>
    %reduce_sum3A = arith.constant dense<0.000000e+00> : vector<256xf32>
    %reduce_sum3A_33 = vector.multi_reduction <add>, %add3A_20, %reduce_sum3A [0] : vector<2048x256xf32> to vector<256xf32>
    %broadcast_in_dim3A = vector.shape_cast %reduce_sum3A_33 : vector<256xf32> to vector<1x256xf32>
    %add3A_34 = arith.addf %get3A_32, %broadcast_in_dim3A : vector<1x256xf32>
    %swap3A_35 = arith.constant 0 : index
    %swap3A_36 = arith.constant 0 : index
    %swap3A_37 = vector.load %arg8[%swap3A_35, %swap3A_36] : memref<1x256xf32, #tpu.memory_space<vmem>>, vector<1x256xf32>
    tpu.vector_store %arg8[%swap3A_35, %swap3A_36], %add3A_34 {strides = array<i32>} : memref<1x256xf32, #tpu.memory_space<vmem>>, vector<1x256xf32>,
    %get3A_38 = arith.constant 0 : index
    %get3A_39 = arith.constant 0 : index
    %get3A_40 = vector.load %arg9[%get3A_38, %get3A_39] : memref<1x256xf32, #tpu.memory_space<vmem>>, vector<1x256xf32>
    %mul3A_41 = arith.mulf %add3A_20, %add3A_20 : vector<2048x256xf32>
    %reduce_sum3A_42 = arith.constant dense<0.000000e+00> : vector<256xf32>
    %reduce_sum3A_43 = vector.multi_reduction <add>, %mul3A_41, %reduce_sum3A_42 [0] : vector<2048x256xf32> to vector<256xf32>
    %broadcast_in_dim3A_44 = vector.shape_cast %reduce_sum3A_43 : vector<256xf32> to vector<1x256xf32>
    %add3A_45 = arith.addf %get3A_40, %broadcast_in_dim3A_44 : vector<1x256xf32>
    %swap3A_46 = arith.constant 0 : index
    %swap3A_47 = arith.constant 0 : index
    %swap3A_48 = vector.load %arg9[%swap3A_46, %swap3A_47] : memref<1x256xf32, #tpu.memory_space<vmem>>, vector<1x256xf32>
    tpu.vector_store %arg9[%swap3A_46, %swap3A_47], %add3A_45 {strides = array<i32>} : memref<1x256xf32, #tpu.memory_space<vmem>>, vector<1x256xf32>,
    return
  }
  func.func @transform_0(%arg0: i32) -> (i32, i32) {
    %c0_i32 = arith.constant 0 : i32
    %c0_i32_0 = arith.constant 0 : i32
    return %arg0, %c0_i32 : i32, i32
  }
  func.func @transform_1(%arg0: i32) -> (i32, i32) {
    %c0_i32 = arith.constant 0 : i32
    %c0_i32_0 = arith.constant 0 : i32
    %c0_i32_1 = arith.constant 0 : i32
    return %c0_i32, %c0_i32_0 : i32, i32
  }
  func.func @transform_2(%arg0: i32) -> (i32, i32) {
    %c0_i32 = arith.constant 0 : i32
    %c0_i32_0 = arith.constant 0 : i32
    %c0_i32_1 = arith.constant 0 : i32
    return %c0_i32, %c0_i32_0 : i32, i32
  }
  func.func @transform_3(%arg0: i32) -> (i32, i32) {
    %c0_i32 = arith.constant 0 : i32
    %c0_i32_0 = arith.constant 0 : i32
    %c0_i32_1 = arith.constant 0 : i32
    return %c0_i32, %c0_i32_0 : i32, i32
  }
  func.func @transform_4(%arg0: i32) -> (i32, i32) {
    %c0_i32 = arith.constant 0 : i32
    %c0_i32_0 = arith.constant 0 : i32
    %c0_i32_1 = arith.constant 0 : i32
    return %c0_i32, %c0_i32_0 : i32, i32
  }
  func.func @transform_5(%arg0: i32) -> (i32, i32) {
    %c0_i32 = arith.constant 0 : i32
    %c0_i32_0 = arith.constant 0 : i32
    return %arg0, %c0_i32 : i32, i32
  }
  func.func @transform_6(%arg0: i32) -> (i32, i32) {
    %c0_i32 = arith.constant 0 : i32
    %c0_i32_0 = arith.constant 0 : i32
    return %arg0, %c0_i32 : i32, i32
  }
  func.func @transform_7(%arg0: i32) -> (i32, i32) {
    %c0_i32 = arith.constant 0 : i32
    %c0_i32_0 = arith.constant 0 : i32
    %c0_i32_1 = arith.constant 0 : i32
    return %c0_i32, %c0_i32_0 : i32, i32
  }
  func.func @transform_8(%arg0: i32) -> (i32, i32) {
    %c0_i32 = arith.constant 0 : i32
    %c0_i32_0 = arith.constant 0 : i32
    %c0_i32_1 = arith.constant 0 : i32
    return %c0_i32, %c0_i32_0 : i32, i32
  }
}

module attributes {stable_mosaic.version = 14 : i64} {
  func.func @_layer_first_kernel(%arg0: i32, %arg1: memref<2048x3xf32, #tpu.memory_space<vmem>>, %arg2: memref<2048x256xf32, #tpu.memory_space<vmem>>, %arg3: memref<256x3xf32, #tpu.memory_space<vmem>>, %arg4: memref<256x256xf32, #tpu.memory_space<vmem>>, %arg5: memref<1x256xf32, #tpu.memory_space<vmem>>, %arg6: memref<2048x256xf32, #tpu.memory_space<vmem>>, %arg7: memref<1x256xf32, #tpu.memory_space<vmem>>, %arg8: memref<1x256xf32, #tpu.memory_space<vmem>>) attributes {dimension_semantics = [#tpu.dimension_semantics<arbitrary>], iteration_bounds = array<i64: 16>, scalar_prefetch = 0 : i64, scratch_operands = 0 : i64, tpu.core_type = #tpu.core_type<tc>, window_params = [{transform_indices = @transform_0, window_bounds = array<i64: 2048, 3>}, {transform_indices = @transform_1, window_bounds = array<i64: 2048, 256>}, {pipeline_mode = #tpu.pipeline_mode<synchronous>, transform_indices = @transform_2, window_bounds = array<i64: 256, 3>}, {pipeline_mode = #tpu.pipeline_mode<synchronous>, transform_indices = @transform_3, window_bounds = array<i64: 256, 256>}, {pipeline_mode = #tpu.pipeline_mode<synchronous>, transform_indices = @transform_4, window_bounds = array<i64: 1, 256>}, {transform_indices = @transform_5, window_bounds = array<i64: 2048, 256>}, {pipeline_mode = #tpu.pipeline_mode<synchronous>, transform_indices = @transform_6, window_bounds = array<i64: 1, 256>}, {pipeline_mode = #tpu.pipeline_mode<synchronous>, transform_indices = @transform_7, window_bounds = array<i64: 1, 256>}]} {
    %get3A = arith.constant 0 : index
    %get3A_0 = arith.constant 0 : index
    %get3A_1 = vector.load %arg2[%get3A, %get3A_0] : memref<2048x256xf32, #tpu.memory_space<vmem>>, vector<2048x256xf32>
    %get3A_2 = arith.constant 0 : index
    %get3A_3 = arith.constant 0 : index
    %get3A_4 = vector.load %arg4[%get3A_2, %get3A_3] : memref<256x256xf32, #tpu.memory_space<vmem>>, vector<256x256xf32>
    %dot_general3A = arith.constant dense<0.000000e+00> : vector<2048x256xf32>
    %dot_general3A_5 = tpu.matmul %get3A_1, %get3A_4, %dot_general3A {dimension_numbers = #tpu.dot_dimension_numbers<[1], [1], [0], [0], [0, 0, 1, 0], [], []>, transpose_lhs_hint = false} : vector<2048x256xf32>, vector<256x256xf32>, vector<2048x256xf32> -> vector<2048x256xf32>
    %get3A_6 = arith.constant 0 : index
    %get3A_7 = arith.constant 0 : index
    %get3A_8 = vector.load %arg1[%get3A_6, %get3A_7] : memref<2048x3xf32, #tpu.memory_space<vmem>>, vector<2048x3xf32>
    %get3A_9 = arith.constant 0 : index
    %get3A_10 = arith.constant 0 : index
    %get3A_11 = vector.load %arg3[%get3A_9, %get3A_10] : memref<256x3xf32, #tpu.memory_space<vmem>>, vector<256x3xf32>
    %dot_general3A_12 = arith.constant dense<0.000000e+00> : vector<2048x256xf32>
    %dot_general3A_13 = tpu.matmul %get3A_8, %get3A_11, %dot_general3A_12 {dimension_numbers = #tpu.dot_dimension_numbers<[1], [1], [0], [0], [0, 0, 1, 0], [], []>, transpose_lhs_hint = false} : vector<2048x3xf32>, vector<256x3xf32>, vector<2048x256xf32> -> vector<2048x256xf32>
    %add3A = arith.addf %dot_general3A_5, %dot_general3A_13 : vector<2048x256xf32>
    %get3A_14 = arith.constant 0 : index
    %get3A_15 = arith.constant 0 : index
    %get3A_16 = vector.load %arg5[%get3A_14, %get3A_15] : memref<1x256xf32, #tpu.memory_space<vmem>>, vector<1x256xf32>
    %add3A_17 = vector.broadcast %get3A_16 : vector<1x256xf32> to vector<2048x256xf32>
    %add3A_18 = arith.addf %add3A, %add3A_17 : vector<2048x256xf32>
    %swap3A = arith.constant 0 : index
    %swap3A_19 = arith.constant 0 : index
    %swap3A_20 = vector.load %arg6[%swap3A, %swap3A_19] : memref<2048x256xf32, #tpu.memory_space<vmem>>, vector<2048x256xf32>
    tpu.vector_store %arg6[%swap3A, %swap3A_19], %add3A_18 {strides = array<i32>} : memref<2048x256xf32, #tpu.memory_space<vmem>>, vector<2048x256xf32>,
    %eq3A = arith.constant 0 : i32
    %eq3A_21 = arith.cmpi eq, %arg0, %eq3A : i32
    %convert_element_type3A = arith.extui %eq3A_21 : i1 to i32
    %cond3A = arith.constant 0 : i32
    %cond3A_22 = arith.cmpi ne, %convert_element_type3A, %cond3A : i32
    scf.if %cond3A_22 {
      %broadcast_in_dim3A_41 = arith.constant 0.000000e+00 : f32
      %broadcast_in_dim3A_42 = vector.broadcast %broadcast_in_dim3A_41 : f32 to vector<1x256xf32>
      %swap3A_43 = arith.constant 0 : index
      %swap3A_44 = arith.constant 0 : index
      %swap3A_45 = vector.load %arg7[%swap3A_43, %swap3A_44] : memref<1x256xf32, #tpu.memory_space<vmem>>, vector<1x256xf32>
      tpu.vector_store %arg7[%swap3A_43, %swap3A_44], %broadcast_in_dim3A_42 {strides = array<i32>} : memref<1x256xf32, #tpu.memory_space<vmem>>, vector<1x256xf32>,
      %broadcast_in_dim3A_46 = arith.constant 0.000000e+00 : f32
      %broadcast_in_dim3A_47 = vector.broadcast %broadcast_in_dim3A_46 : f32 to vector<1x256xf32>
      %swap3A_48 = arith.constant 0 : index
      %swap3A_49 = arith.constant 0 : index
      %swap3A_50 = vector.load %arg8[%swap3A_48, %swap3A_49] : memref<1x256xf32, #tpu.memory_space<vmem>>, vector<1x256xf32>
      tpu.vector_store %arg8[%swap3A_48, %swap3A_49], %broadcast_in_dim3A_47 {strides = array<i32>} : memref<1x256xf32, #tpu.memory_space<vmem>>, vector<1x256xf32>,
    } else {
    }
    %get3A_23 = arith.constant 0 : index
    %get3A_24 = arith.constant 0 : index
    %get3A_25 = vector.load %arg7[%get3A_23, %get3A_24] : memref<1x256xf32, #tpu.memory_space<vmem>>, vector<1x256xf32>
    %reduce_sum3A = arith.constant dense<0.000000e+00> : vector<256xf32>
    %reduce_sum3A_26 = vector.multi_reduction <add>, %add3A_18, %reduce_sum3A [0] : vector<2048x256xf32> to vector<256xf32>
    %broadcast_in_dim3A = vector.shape_cast %reduce_sum3A_26 : vector<256xf32> to vector<1x256xf32>
    %add3A_27 = arith.addf %get3A_25, %broadcast_in_dim3A : vector<1x256xf32>
    %swap3A_28 = arith.constant 0 : index
    %swap3A_29 = arith.constant 0 : index
    %swap3A_30 = vector.load %arg7[%swap3A_28, %swap3A_29] : memref<1x256xf32, #tpu.memory_space<vmem>>, vector<1x256xf32>
    tpu.vector_store %arg7[%swap3A_28, %swap3A_29], %add3A_27 {strides = array<i32>} : memref<1x256xf32, #tpu.memory_space<vmem>>, vector<1x256xf32>,
    %get3A_31 = arith.constant 0 : index
    %get3A_32 = arith.constant 0 : index
    %get3A_33 = vector.load %arg8[%get3A_31, %get3A_32] : memref<1x256xf32, #tpu.memory_space<vmem>>, vector<1x256xf32>
    %mul3A = arith.mulf %add3A_18, %add3A_18 : vector<2048x256xf32>
    %reduce_sum3A_34 = arith.constant dense<0.000000e+00> : vector<256xf32>
    %reduce_sum3A_35 = vector.multi_reduction <add>, %mul3A, %reduce_sum3A_34 [0] : vector<2048x256xf32> to vector<256xf32>
    %broadcast_in_dim3A_36 = vector.shape_cast %reduce_sum3A_35 : vector<256xf32> to vector<1x256xf32>
    %add3A_37 = arith.addf %get3A_33, %broadcast_in_dim3A_36 : vector<1x256xf32>
    %swap3A_38 = arith.constant 0 : index
    %swap3A_39 = arith.constant 0 : index
    %swap3A_40 = vector.load %arg8[%swap3A_38, %swap3A_39] : memref<1x256xf32, #tpu.memory_space<vmem>>, vector<1x256xf32>
    tpu.vector_store %arg8[%swap3A_38, %swap3A_39], %add3A_37 {strides = array<i32>} : memref<1x256xf32, #tpu.memory_space<vmem>>, vector<1x256xf32>,
    return
  }
  func.func @transform_0(%arg0: i32) -> (i32, i32) {
    %c0_i32 = arith.constant 0 : i32
    %c0_i32_0 = arith.constant 0 : i32
    return %arg0, %c0_i32 : i32, i32
  }
  func.func @transform_1(%arg0: i32) -> (i32, i32) {
    %c0_i32 = arith.constant 0 : i32
    %c0_i32_0 = arith.constant 0 : i32
    return %arg0, %c0_i32 : i32, i32
  }
  func.func @transform_2(%arg0: i32) -> (i32, i32) {
    %c0_i32 = arith.constant 0 : i32
    %c0_i32_0 = arith.constant 0 : i32
    %c0_i32_1 = arith.constant 0 : i32
    return %c0_i32, %c0_i32_0 : i32, i32
  }
  func.func @transform_3(%arg0: i32) -> (i32, i32) {
    %c0_i32 = arith.constant 0 : i32
    %c0_i32_0 = arith.constant 0 : i32
    %c0_i32_1 = arith.constant 0 : i32
    return %c0_i32, %c0_i32_0 : i32, i32
  }
  func.func @transform_4(%arg0: i32) -> (i32, i32) {
    %c0_i32 = arith.constant 0 : i32
    %c0_i32_0 = arith.constant 0 : i32
    %c0_i32_1 = arith.constant 0 : i32
    return %c0_i32, %c0_i32_0 : i32, i32
  }
  func.func @transform_5(%arg0: i32) -> (i32, i32) {
    %c0_i32 = arith.constant 0 : i32
    %c0_i32_0 = arith.constant 0 : i32
    return %arg0, %c0_i32 : i32, i32
  }
  func.func @transform_6(%arg0: i32) -> (i32, i32) {
    %c0_i32 = arith.constant 0 : i32
    %c0_i32_0 = arith.constant 0 : i32
    %c0_i32_1 = arith.constant 0 : i32
    return %c0_i32, %c0_i32_0 : i32, i32
  }
  func.func @transform_7(%arg0: i32) -> (i32, i32) {
    %c0_i32 = arith.constant 0 : i32
    %c0_i32_0 = arith.constant 0 : i32
    %c0_i32_1 = arith.constant 0 : i32
    return %c0_i32, %c0_i32_0 : i32, i32
  }
}

module attributes {stable_mosaic.version = 14 : i64} {
  func.func @_layer_mid_kernel(%arg0: i32, %arg1: memref<2048x256xf32, #tpu.memory_space<vmem>>, %arg2: memref<256x256xf32, #tpu.memory_space<vmem>>, %arg3: memref<1x256xf32, #tpu.memory_space<vmem>>, %arg4: memref<1x256xf32, #tpu.memory_space<vmem>>, %arg5: memref<1x256xf32, #tpu.memory_space<vmem>>, %arg6: memref<2048x256xf32, #tpu.memory_space<vmem>>, %arg7: memref<1x256xf32, #tpu.memory_space<vmem>>, %arg8: memref<1x256xf32, #tpu.memory_space<vmem>>) attributes {dimension_semantics = [#tpu.dimension_semantics<arbitrary>], iteration_bounds = array<i64: 16>, scalar_prefetch = 0 : i64, scratch_operands = 0 : i64, tpu.core_type = #tpu.core_type<tc>, window_params = [{transform_indices = @transform_0, window_bounds = array<i64: 2048, 256>}, {pipeline_mode = #tpu.pipeline_mode<synchronous>, transform_indices = @transform_1, window_bounds = array<i64: 256, 256>}, {pipeline_mode = #tpu.pipeline_mode<synchronous>, transform_indices = @transform_2, window_bounds = array<i64: 1, 256>}, {pipeline_mode = #tpu.pipeline_mode<synchronous>, transform_indices = @transform_3, window_bounds = array<i64: 1, 256>}, {pipeline_mode = #tpu.pipeline_mode<synchronous>, transform_indices = @transform_4, window_bounds = array<i64: 1, 256>}, {transform_indices = @transform_5, window_bounds = array<i64: 2048, 256>}, {pipeline_mode = #tpu.pipeline_mode<synchronous>, transform_indices = @transform_6, window_bounds = array<i64: 1, 256>}, {pipeline_mode = #tpu.pipeline_mode<synchronous>, transform_indices = @transform_7, window_bounds = array<i64: 1, 256>}]} {
    %get3A = arith.constant 0 : index
    %get3A_0 = arith.constant 0 : index
    %get3A_1 = vector.load %arg1[%get3A, %get3A_0] : memref<2048x256xf32, #tpu.memory_space<vmem>>, vector<2048x256xf32>
    %get3A_2 = arith.constant 0 : index
    %get3A_3 = arith.constant 0 : index
    %get3A_4 = vector.load %arg4[%get3A_2, %get3A_3] : memref<1x256xf32, #tpu.memory_space<vmem>>, vector<1x256xf32>
    %mul3A = vector.broadcast %get3A_4 : vector<1x256xf32> to vector<2048x256xf32>
    %mul3A_5 = arith.mulf %get3A_1, %mul3A : vector<2048x256xf32>
    %get3A_6 = arith.constant 0 : index
    %get3A_7 = arith.constant 0 : index
    %get3A_8 = vector.load %arg5[%get3A_6, %get3A_7] : memref<1x256xf32, #tpu.memory_space<vmem>>, vector<1x256xf32>
    %add3A = vector.broadcast %get3A_8 : vector<1x256xf32> to vector<2048x256xf32>
    %add3A_9 = arith.addf %mul3A_5, %add3A : vector<2048x256xf32>
    %max3A = arith.constant 0.000000e+00 : f32
    %max3A_10 = vector.broadcast %max3A : f32 to vector<2048x256xf32>
    %max3A_11 = arith.maximumf %add3A_9, %max3A_10 : vector<2048x256xf32>
    %get3A_12 = arith.constant 0 : index
    %get3A_13 = arith.constant 0 : index
    %get3A_14 = vector.load %arg2[%get3A_12, %get3A_13] : memref<256x256xf32, #tpu.memory_space<vmem>>, vector<256x256xf32>
    %dot_general3A = arith.constant dense<0.000000e+00> : vector<2048x256xf32>
    %dot_general3A_15 = tpu.matmul %max3A_11, %get3A_14, %dot_general3A {dimension_numbers = #tpu.dot_dimension_numbers<[1], [1], [0], [0], [0, 0, 1, 0], [], []>, transpose_lhs_hint = false} : vector<2048x256xf32>, vector<256x256xf32>, vector<2048x256xf32> -> vector<2048x256xf32>
    %get3A_16 = arith.constant 0 : index
    %get3A_17 = arith.constant 0 : index
    %get3A_18 = vector.load %arg3[%get3A_16, %get3A_17] : memref<1x256xf32, #tpu.memory_space<vmem>>, vector<1x256xf32>
    %add3A_19 = vector.broadcast %get3A_18 : vector<1x256xf32> to vector<2048x256xf32>
    %add3A_20 = arith.addf %dot_general3A_15, %add3A_19 : vector<2048x256xf32>
    %swap3A = arith.constant 0 : index
    %swap3A_21 = arith.constant 0 : index
    %swap3A_22 = vector.load %arg6[%swap3A, %swap3A_21] : memref<2048x256xf32, #tpu.memory_space<vmem>>, vector<2048x256xf32>
    tpu.vector_store %arg6[%swap3A, %swap3A_21], %add3A_20 {strides = array<i32>} : memref<2048x256xf32, #tpu.memory_space<vmem>>, vector<2048x256xf32>,
    %eq3A = arith.constant 0 : i32
    %eq3A_23 = arith.cmpi eq, %arg0, %eq3A : i32
    %convert_element_type3A = arith.extui %eq3A_23 : i1 to i32
    %cond3A = arith.constant 0 : i32
    %cond3A_24 = arith.cmpi ne, %convert_element_type3A, %cond3A : i32
    scf.if %cond3A_24 {
      %broadcast_in_dim3A_44 = arith.constant 0.000000e+00 : f32
      %broadcast_in_dim3A_45 = vector.broadcast %broadcast_in_dim3A_44 : f32 to vector<1x256xf32>
      %swap3A_46 = arith.constant 0 : index
      %swap3A_47 = arith.constant 0 : index
      %swap3A_48 = vector.load %arg7[%swap3A_46, %swap3A_47] : memref<1x256xf32, #tpu.memory_space<vmem>>, vector<1x256xf32>
      tpu.vector_store %arg7[%swap3A_46, %swap3A_47], %broadcast_in_dim3A_45 {strides = array<i32>} : memref<1x256xf32, #tpu.memory_space<vmem>>, vector<1x256xf32>,
      %broadcast_in_dim3A_49 = arith.constant 0.000000e+00 : f32
      %broadcast_in_dim3A_50 = vector.broadcast %broadcast_in_dim3A_49 : f32 to vector<1x256xf32>
      %swap3A_51 = arith.constant 0 : index
      %swap3A_52 = arith.constant 0 : index
      %swap3A_53 = vector.load %arg8[%swap3A_51, %swap3A_52] : memref<1x256xf32, #tpu.memory_space<vmem>>, vector<1x256xf32>
      tpu.vector_store %arg8[%swap3A_51, %swap3A_52], %broadcast_in_dim3A_50 {strides = array<i32>} : memref<1x256xf32, #tpu.memory_space<vmem>>, vector<1x256xf32>,
    } else {
    }
    %get3A_25 = arith.constant 0 : index
    %get3A_26 = arith.constant 0 : index
    %get3A_27 = vector.load %arg7[%get3A_25, %get3A_26] : memref<1x256xf32, #tpu.memory_space<vmem>>, vector<1x256xf32>
    %reduce_sum3A = arith.constant dense<0.000000e+00> : vector<256xf32>
    %reduce_sum3A_28 = vector.multi_reduction <add>, %add3A_20, %reduce_sum3A [0] : vector<2048x256xf32> to vector<256xf32>
    %broadcast_in_dim3A = vector.shape_cast %reduce_sum3A_28 : vector<256xf32> to vector<1x256xf32>
    %add3A_29 = arith.addf %get3A_27, %broadcast_in_dim3A : vector<1x256xf32>
    %swap3A_30 = arith.constant 0 : index
    %swap3A_31 = arith.constant 0 : index
    %swap3A_32 = vector.load %arg7[%swap3A_30, %swap3A_31] : memref<1x256xf32, #tpu.memory_space<vmem>>, vector<1x256xf32>
    tpu.vector_store %arg7[%swap3A_30, %swap3A_31], %add3A_29 {strides = array<i32>} : memref<1x256xf32, #tpu.memory_space<vmem>>, vector<1x256xf32>,
    %get3A_33 = arith.constant 0 : index
    %get3A_34 = arith.constant 0 : index
    %get3A_35 = vector.load %arg8[%get3A_33, %get3A_34] : memref<1x256xf32, #tpu.memory_space<vmem>>, vector<1x256xf32>
    %mul3A_36 = arith.mulf %add3A_20, %add3A_20 : vector<2048x256xf32>
    %reduce_sum3A_37 = arith.constant dense<0.000000e+00> : vector<256xf32>
    %reduce_sum3A_38 = vector.multi_reduction <add>, %mul3A_36, %reduce_sum3A_37 [0] : vector<2048x256xf32> to vector<256xf32>
    %broadcast_in_dim3A_39 = vector.shape_cast %reduce_sum3A_38 : vector<256xf32> to vector<1x256xf32>
    %add3A_40 = arith.addf %get3A_35, %broadcast_in_dim3A_39 : vector<1x256xf32>
    %swap3A_41 = arith.constant 0 : index
    %swap3A_42 = arith.constant 0 : index
    %swap3A_43 = vector.load %arg8[%swap3A_41, %swap3A_42] : memref<1x256xf32, #tpu.memory_space<vmem>>, vector<1x256xf32>
    tpu.vector_store %arg8[%swap3A_41, %swap3A_42], %add3A_40 {strides = array<i32>} : memref<1x256xf32, #tpu.memory_space<vmem>>, vector<1x256xf32>,
    return
  }
  func.func @transform_0(%arg0: i32) -> (i32, i32) {
    %c0_i32 = arith.constant 0 : i32
    %c0_i32_0 = arith.constant 0 : i32
    return %arg0, %c0_i32 : i32, i32
  }
  func.func @transform_1(%arg0: i32) -> (i32, i32) {
    %c0_i32 = arith.constant 0 : i32
    %c0_i32_0 = arith.constant 0 : i32
    %c0_i32_1 = arith.constant 0 : i32
    return %c0_i32, %c0_i32_0 : i32, i32
  }
  func.func @transform_2(%arg0: i32) -> (i32, i32) {
    %c0_i32 = arith.constant 0 : i32
    %c0_i32_0 = arith.constant 0 : i32
    %c0_i32_1 = arith.constant 0 : i32
    return %c0_i32, %c0_i32_0 : i32, i32
  }
  func.func @transform_3(%arg0: i32) -> (i32, i32) {
    %c0_i32 = arith.constant 0 : i32
    %c0_i32_0 = arith.constant 0 : i32
    %c0_i32_1 = arith.constant 0 : i32
    return %c0_i32, %c0_i32_0 : i32, i32
  }
  func.func @transform_4(%arg0: i32) -> (i32, i32) {
    %c0_i32 = arith.constant 0 : i32
    %c0_i32_0 = arith.constant 0 : i32
    %c0_i32_1 = arith.constant 0 : i32
    return %c0_i32, %c0_i32_0 : i32, i32
  }
  func.func @transform_5(%arg0: i32) -> (i32, i32) {
    %c0_i32 = arith.constant 0 : i32
    %c0_i32_0 = arith.constant 0 : i32
    return %arg0, %c0_i32 : i32, i32
  }
  func.func @transform_6(%arg0: i32) -> (i32, i32) {
    %c0_i32 = arith.constant 0 : i32
    %c0_i32_0 = arith.constant 0 : i32
    %c0_i32_1 = arith.constant 0 : i32
    return %c0_i32, %c0_i32_0 : i32, i32
  }
  func.func @transform_7(%arg0: i32) -> (i32, i32) {
    %c0_i32 = arith.constant 0 : i32
    %c0_i32_0 = arith.constant 0 : i32
    %c0_i32_1 = arith.constant 0 : i32
    return %c0_i32, %c0_i32_0 : i32, i32
  }
}

module attributes {stable_mosaic.version = 14 : i64} {
  func.func @_layer_last_kernel(%arg0: i32, %arg1: memref<1024x256xf32, #tpu.memory_space<vmem>>, %arg2: memref<256x256xf32, #tpu.memory_space<vmem>>, %arg3: memref<1x256xf32, #tpu.memory_space<vmem>>, %arg4: memref<1x256xf32, #tpu.memory_space<vmem>>, %arg5: memref<1x256xf32, #tpu.memory_space<vmem>>, %arg6: memref<8x256xf32, #tpu.memory_space<vmem>>, %arg7: memref<8x256xf32, #tpu.memory_space<vmem>>, %arg8: memref<1x256xf32, #tpu.memory_space<vmem>>, %arg9: memref<1x256xf32, #tpu.memory_space<vmem>>) attributes {dimension_semantics = [#tpu.dimension_semantics<arbitrary>], iteration_bounds = array<i64: 32>, scalar_prefetch = 0 : i64, scratch_operands = 0 : i64, tpu.core_type = #tpu.core_type<tc>, window_params = [{transform_indices = @transform_0, window_bounds = array<i64: 1024, 256>}, {pipeline_mode = #tpu.pipeline_mode<synchronous>, transform_indices = @transform_1, window_bounds = array<i64: 256, 256>}, {pipeline_mode = #tpu.pipeline_mode<synchronous>, transform_indices = @transform_2, window_bounds = array<i64: 1, 256>}, {pipeline_mode = #tpu.pipeline_mode<synchronous>, transform_indices = @transform_3, window_bounds = array<i64: 1, 256>}, {pipeline_mode = #tpu.pipeline_mode<synchronous>, transform_indices = @transform_4, window_bounds = array<i64: 1, 256>}, {transform_indices = @transform_5, window_bounds = array<i64: 8, 256>}, {transform_indices = @transform_6, window_bounds = array<i64: 8, 256>}, {pipeline_mode = #tpu.pipeline_mode<synchronous>, transform_indices = @transform_7, window_bounds = array<i64: 1, 256>}, {pipeline_mode = #tpu.pipeline_mode<synchronous>, transform_indices = @transform_8, window_bounds = array<i64: 1, 256>}]} {
    %get3A = arith.constant 0 : index
    %get3A_0 = arith.constant 0 : index
    %get3A_1 = vector.load %arg1[%get3A, %get3A_0] : memref<1024x256xf32, #tpu.memory_space<vmem>>, vector<1024x256xf32>
    %get3A_2 = arith.constant 0 : index
    %get3A_3 = arith.constant 0 : index
    %get3A_4 = vector.load %arg4[%get3A_2, %get3A_3] : memref<1x256xf32, #tpu.memory_space<vmem>>, vector<1x256xf32>
    %mul3A = vector.broadcast %get3A_4 : vector<1x256xf32> to vector<1024x256xf32>
    %mul3A_5 = arith.mulf %get3A_1, %mul3A : vector<1024x256xf32>
    %get3A_6 = arith.constant 0 : index
    %get3A_7 = arith.constant 0 : index
    %get3A_8 = vector.load %arg5[%get3A_6, %get3A_7] : memref<1x256xf32, #tpu.memory_space<vmem>>, vector<1x256xf32>
    %add3A = vector.broadcast %get3A_8 : vector<1x256xf32> to vector<1024x256xf32>
    %add3A_9 = arith.addf %mul3A_5, %add3A : vector<1024x256xf32>
    %max3A = arith.constant 0.000000e+00 : f32
    %max3A_10 = vector.broadcast %max3A : f32 to vector<1024x256xf32>
    %max3A_11 = arith.maximumf %add3A_9, %max3A_10 : vector<1024x256xf32>
    %get3A_12 = arith.constant 0 : index
    %get3A_13 = arith.constant 0 : index
    %get3A_14 = vector.load %arg2[%get3A_12, %get3A_13] : memref<256x256xf32, #tpu.memory_space<vmem>>, vector<256x256xf32>
    %dot_general3A = arith.constant dense<0.000000e+00> : vector<1024x256xf32>
    %dot_general3A_15 = tpu.matmul %max3A_11, %get3A_14, %dot_general3A {dimension_numbers = #tpu.dot_dimension_numbers<[1], [1], [0], [0], [0, 0, 1, 0], [], []>, transpose_lhs_hint = false} : vector<1024x256xf32>, vector<256x256xf32>, vector<1024x256xf32> -> vector<1024x256xf32>
    %get3A_16 = arith.constant 0 : index
    %get3A_17 = arith.constant 0 : index
    %get3A_18 = vector.load %arg3[%get3A_16, %get3A_17] : memref<1x256xf32, #tpu.memory_space<vmem>>, vector<1x256xf32>
    %add3A_19 = vector.broadcast %get3A_18 : vector<1x256xf32> to vector<1024x256xf32>
    %add3A_20 = arith.addf %dot_general3A_15, %add3A_19 : vector<1024x256xf32>
    %reshape3A = vector.shape_cast %add3A_20 : vector<1024x256xf32> to vector<8x128x256xf32>
    %reduce_max3A = arith.constant dense<0xFF800000> : vector<8x256xf32>
    %reduce_max3A_21 = vector.multi_reduction <maximumf>, %reshape3A, %reduce_max3A [1] : vector<8x128x256xf32> to vector<8x256xf32>
    %swap3A = arith.constant 0 : index
    %swap3A_22 = arith.constant 0 : index
    %swap3A_23 = vector.load %arg6[%swap3A, %swap3A_22] : memref<8x256xf32, #tpu.memory_space<vmem>>, vector<8x256xf32>
    tpu.vector_store %arg6[%swap3A, %swap3A_22], %reduce_max3A_21 {strides = array<i32>} : memref<8x256xf32, #tpu.memory_space<vmem>>, vector<8x256xf32>,
    %reduce_min3A = arith.constant dense<0x7F800000> : vector<8x256xf32>
    %reduce_min3A_24 = vector.multi_reduction <minimumf>, %reshape3A, %reduce_min3A [1] : vector<8x128x256xf32> to vector<8x256xf32>
    %swap3A_25 = arith.constant 0 : index
    %swap3A_26 = arith.constant 0 : index
    %swap3A_27 = vector.load %arg7[%swap3A_25, %swap3A_26] : memref<8x256xf32, #tpu.memory_space<vmem>>, vector<8x256xf32>
    tpu.vector_store %arg7[%swap3A_25, %swap3A_26], %reduce_min3A_24 {strides = array<i32>} : memref<8x256xf32, #tpu.memory_space<vmem>>, vector<8x256xf32>,
    %eq3A = arith.constant 0 : i32
    %eq3A_28 = arith.cmpi eq, %arg0, %eq3A : i32
    %convert_element_type3A = arith.extui %eq3A_28 : i1 to i32
    %cond3A = arith.constant 0 : i32
    %cond3A_29 = arith.cmpi ne, %convert_element_type3A, %cond3A : i32
    scf.if %cond3A_29 {
      %broadcast_in_dim3A_49 = arith.constant 0.000000e+00 : f32
      %broadcast_in_dim3A_50 = vector.broadcast %broadcast_in_dim3A_49 : f32 to vector<1x256xf32>
      %swap3A_51 = arith.constant 0 : index
      %swap3A_52 = arith.constant 0 : index
      %swap3A_53 = vector.load %arg8[%swap3A_51, %swap3A_52] : memref<1x256xf32, #tpu.memory_space<vmem>>, vector<1x256xf32>
      tpu.vector_store %arg8[%swap3A_51, %swap3A_52], %broadcast_in_dim3A_50 {strides = array<i32>} : memref<1x256xf32, #tpu.memory_space<vmem>>, vector<1x256xf32>,
      %broadcast_in_dim3A_54 = arith.constant 0.000000e+00 : f32
      %broadcast_in_dim3A_55 = vector.broadcast %broadcast_in_dim3A_54 : f32 to vector<1x256xf32>
      %swap3A_56 = arith.constant 0 : index
      %swap3A_57 = arith.constant 0 : index
      %swap3A_58 = vector.load %arg9[%swap3A_56, %swap3A_57] : memref<1x256xf32, #tpu.memory_space<vmem>>, vector<1x256xf32>
      tpu.vector_store %arg9[%swap3A_56, %swap3A_57], %broadcast_in_dim3A_55 {strides = array<i32>} : memref<1x256xf32, #tpu.memory_space<vmem>>, vector<1x256xf32>,
    } else {
    }
    %get3A_30 = arith.constant 0 : index
    %get3A_31 = arith.constant 0 : index
    %get3A_32 = vector.load %arg8[%get3A_30, %get3A_31] : memref<1x256xf32, #tpu.memory_space<vmem>>, vector<1x256xf32>
    %reduce_sum3A = arith.constant dense<0.000000e+00> : vector<256xf32>
    %reduce_sum3A_33 = vector.multi_reduction <add>, %add3A_20, %reduce_sum3A [0] : vector<1024x256xf32> to vector<256xf32>
    %broadcast_in_dim3A = vector.shape_cast %reduce_sum3A_33 : vector<256xf32> to vector<1x256xf32>
    %add3A_34 = arith.addf %get3A_32, %broadcast_in_dim3A : vector<1x256xf32>
    %swap3A_35 = arith.constant 0 : index
    %swap3A_36 = arith.constant 0 : index
    %swap3A_37 = vector.load %arg8[%swap3A_35, %swap3A_36] : memref<1x256xf32, #tpu.memory_space<vmem>>, vector<1x256xf32>
    tpu.vector_store %arg8[%swap3A_35, %swap3A_36], %add3A_34 {strides = array<i32>} : memref<1x256xf32, #tpu.memory_space<vmem>>, vector<1x256xf32>,
    %get3A_38 = arith.constant 0 : index
    %get3A_39 = arith.constant 0 : index
    %get3A_40 = vector.load %arg9[%get3A_38, %get3A_39] : memref<1x256xf32, #tpu.memory_space<vmem>>, vector<1x256xf32>
    %mul3A_41 = arith.mulf %add3A_20, %add3A_20 : vector<1024x256xf32>
    %reduce_sum3A_42 = arith.constant dense<0.000000e+00> : vector<256xf32>
    %reduce_sum3A_43 = vector.multi_reduction <add>, %mul3A_41, %reduce_sum3A_42 [0] : vector<1024x256xf32> to vector<256xf32>
    %broadcast_in_dim3A_44 = vector.shape_cast %reduce_sum3A_43 : vector<256xf32> to vector<1x256xf32>
    %add3A_45 = arith.addf %get3A_40, %broadcast_in_dim3A_44 : vector<1x256xf32>
    %swap3A_46 = arith.constant 0 : index
    %swap3A_47 = arith.constant 0 : index
    %swap3A_48 = vector.load %arg9[%swap3A_46, %swap3A_47] : memref<1x256xf32, #tpu.memory_space<vmem>>, vector<1x256xf32>
    tpu.vector_store %arg9[%swap3A_46, %swap3A_47], %add3A_45 {strides = array<i32>} : memref<1x256xf32, #tpu.memory_space<vmem>>, vector<1x256xf32>,
    return
  }
  func.func @transform_0(%arg0: i32) -> (i32, i32) {
    %c0_i32 = arith.constant 0 : i32
    %c0_i32_0 = arith.constant 0 : i32
    return %arg0, %c0_i32 : i32, i32
  }
  func.func @transform_1(%arg0: i32) -> (i32, i32) {
    %c0_i32 = arith.constant 0 : i32
    %c0_i32_0 = arith.constant 0 : i32
    %c0_i32_1 = arith.constant 0 : i32
    return %c0_i32, %c0_i32_0 : i32, i32
  }
  func.func @transform_2(%arg0: i32) -> (i32, i32) {
    %c0_i32 = arith.constant 0 : i32
    %c0_i32_0 = arith.constant 0 : i32
    %c0_i32_1 = arith.constant 0 : i32
    return %c0_i32, %c0_i32_0 : i32, i32
  }
  func.func @transform_3(%arg0: i32) -> (i32, i32) {
    %c0_i32 = arith.constant 0 : i32
    %c0_i32_0 = arith.constant 0 : i32
    %c0_i32_1 = arith.constant 0 : i32
    return %c0_i32, %c0_i32_0 : i32, i32
  }
  func.func @transform_4(%arg0: i32) -> (i32, i32) {
    %c0_i32 = arith.constant 0 : i32
    %c0_i32_0 = arith.constant 0 : i32
    %c0_i32_1 = arith.constant 0 : i32
    return %c0_i32, %c0_i32_0 : i32, i32
  }
  func.func @transform_5(%arg0: i32) -> (i32, i32) {
    %c0_i32 = arith.constant 0 : i32
    %c0_i32_0 = arith.constant 0 : i32
    return %arg0, %c0_i32 : i32, i32
  }
  func.func @transform_6(%arg0: i32) -> (i32, i32) {
    %c0_i32 = arith.constant 0 : i32
    %c0_i32_0 = arith.constant 0 : i32
    return %arg0, %c0_i32 : i32, i32
  }
  func.func @transform_7(%arg0: i32) -> (i32, i32) {
    %c0_i32 = arith.constant 0 : i32
    %c0_i32_0 = arith.constant 0 : i32
    %c0_i32_1 = arith.constant 0 : i32
    return %c0_i32, %c0_i32_0 : i32, i32
  }
  func.func @transform_8(%arg0: i32) -> (i32, i32) {
    %c0_i32 = arith.constant 0 : i32
    %c0_i32_0 = arith.constant 0 : i32
    %c0_i32_1 = arith.constant 0 : i32
    return %c0_i32, %c0_i32_0 : i32, i32
  }
}

</mosaic_0001>

<sc_bundles>
// kernel: gather_offload_async_start.1
scs
__scs_entry_jumppad:
0x0: {  	(pc) =	sbr.rel $0x88, $3  }
0x1: {  	(tag) =	ssettag $0x0;
	lr =	simm.s32 $0x1  }
0x2: {  	[smem:$0x3F85] =	sst lr;
	_ =	strace $0xD0000000  }
0x3: {  	_ = 	snop  }
0x4: {  	_ = 	snop  }
0x5: {  	_ = 	snop  }
0x6: {  	_ = 	snop  }
0x7: {  	_ = 	snop  }
__scs_overlays_trampoline_lowered:
0x8: {  	[smem:$0x3F94] =	sst s0  }
0x9: {  	[smem:$0x3F95] =	sst s1  }
0xa: {  	[smem:$0x3F96] =	sst s2  }
0xb: {  	[smem:$0x3F97] =	sst s3  }
0xc: {  	[smem:$0x3F98] =	sst s4  }
0xd: {  	[smem:$0x3F99] =	sst s5  }
0xe: {  	[smem:$0x3F9A] =	sst s6  }
0xf: {  	[smem:$0x3F9B] =	sst s7  }
0x10: {  	[smem:$0x3F9C] =	sst s8  }
0x11: {  	[smem:$0x3F9D] =	sst s9;
	s0 =	simm.s32 @!p0 $0x0  }
0x12: {  	s1 =	sld [smem:$0x3F83];
	s0 =	simm.s32 @p0 $0x1  }
0x13: {  	[smem:$0x3F9E] =	sst s0;
	s0 =	simm.s32 @!p1 $0x0  }
0x14: {  	s2 =	sld [smem:$0x3F82];
	s0 =	simm.s32 @p1 $0x1  }
0x15: {  	[smem:$0x3F9F] =	sst s0;
	s0 =	simm.s32 @!p2 $0x0  }
0x16: {  	s3 =	sld [smem:$0x3FDB];
	s0 =	simm.s32 @p2 $0x1  }
0x17: {  	s4 =	simm.s32 $0x1BF5;
	[smem:$0x3FA1] =	sst s0  }
0x18: {  	s0 =	sld [smem:$0x3F84];
	_ =	swait.ge [sflag:s4], $0x0  }
0x19: {  	s7 =	sld [smem:$0x3F85]  }
0x1a: {  	s8 =	sadd.s32 $0xFFFFE003, lr  }
0x1b: {  	s9 =	sadd.s32 $0xFFFFFEF7, lr;
	s5 =	simm.s32 $0xFFFFFFFF;
	p2 =	slt.u32 s8, $0xFFFFF086  }
0x1c: {  	p1 =	slt.u32 s9, $0xF7A;
	s5 =	simm.s32 @!p2 $0x0  }
0x1d: {  	s5 =	simm.s32 @p1 $0x1;
	p0 =	seq.s32 s7, s2  }
0x1e: {  	s7 =	smul.u32 @!p0 $0xF7A, s2;
	p2 =	seq.s32 @!p0 s5, $0x0  }
0x1f: {  	s9 =	smul.u32 $0xF7A, s1;
	s8 =	simm.s32 @!p0 $0x1BF5;
	p2 =	por !p2, p0  }
0x20: {  	[sflag:s8] =	ssyncset.s32 @!p0 $0xFFFFF086;
	s6 =	sadd.s32 @!p0 s3, s7;
	s7 =	simm.s32 @!p0 $0x108  }
0x21: {  	s3 =	sadd.s32 s3, s9;
	s6 =	sadd.s32 @!p0 $0x88, s6;
	s7 =	simm.s32 @p2 $0x1082  }
0x22: {  	[simem:s7], [sflag:s8] =	dma.local @!p0 [hbm:s6], $0xF7A  }
0x23: {  	s9 =	sor.u32 $0xD0000000, s2;
	s6 =	simm.s32 $0x108;
	_ =	swait.ge @!p0 [sflag:s8], $0x0  }
0x24: {  	s3 =	sadd.s32 $0x88, s3;
	s6 =	simm.s32 @!p1 $0x1082;
	[sflag:s4] =	ssyncset.s32 $0xFFFFF086  }
0x25: {  	[simem:s6], [sflag:s4] =	dma.local [hbm:s3], $0xF7A  }
0x26: {  	[smem:$0x3F85] =	sst s1;
	(tag) =	ssettag s2;
	_ =	strace s9  }
0x27: {  	s1 =	sld [smem:$0x3F95]  }
0x28: {  	s2 =	sld [smem:$0x3F96]  }
0x29: {  	s4 =	sld [smem:$0x3F98]  }
0x2a: {  	p0 =	seq.s32 s5, $0x0;
	s5 =	sld [smem:$0x3F99]  }
0x2b: {  	s6 =	sld [smem:$0x3F9A]  }
0x2c: {  	s7 =	sld [smem:$0x3F9B]  }
0x2d: {  	s3 =	simm.s32 $0x108;
	s8 =	sld [smem:$0x3F9C]  }
0x2e: {  	s3 =	simm.s32 @!p0 $0x1082;
	s9 =	sld [smem:$0x3F9D]  }
0x2f: {  	lr =	sadd.s32 s0, s3;
	s0 =	sld [smem:$0x3F94]  }
0x30: {  	s3 =	sld [smem:$0x3F97]  }
0x31: {  	[smem:$0x3FA0] =	sst s10  }
0x32: {  	s10 =	sld [smem:$0x3F9E];
	_ =	sdelay $0x3  }
0x33: {  	p0 =	seq.s32 s10, $0x1;
	s10 =	sld [smem:$0x3FA0];
	_ =	sdelay $0x3  }
0x34: {  	[smem:$0x3FA0] =	sst s10  }
0x35: {  	s10 =	sld [smem:$0x3F9F];
	_ =	sdelay $0x3  }
0x36: {  	p1 =	seq.s32 s10, $0x1;
	s10 =	sld [smem:$0x3FA0];
	_ =	sdelay $0x3  }
0x37: {  	[smem:$0x3FA0] =	sst s10  }
0x38: {  	s10 =	sld [smem:$0x3FA1]  }
0x39: {  	_ = 	snop;
	(pc) =	sbr.ind lr, $3  }
0x3a: {  	_ = 	snop  }
0x3b: {  	_ = 	snop  }
0x3c: {  	p2 =	seq.s32 s10, $0x1;
	s10 =	sld [smem:$0x3FA0]  }
0x3d: {  	_ =	shalt  }
0x3e: {  	_ =	shalt  }
0x3f: {  	_ =	shalt  }
0x40: {  	_ =	shalt  }
0x41: {  	_ =	shalt  }
0x42: {  	_ =	shalt  }
0x43: {  	_ =	shalt  }
0x44: {  	_ =	shalt  }
0x45: {  	_ =	shalt  }
0x46: {  	_ =	shalt  }
0x47: {  	_ =	shalt  }
0x48: {  	_ =	shalt  }
0x49: {  	_ =	shalt  }
0x4a: {  	_ =	shalt  }
0x4b: {  	_ =	shalt  }
0x4c: {  	_ =	shalt  }
0x4d: {  	_ =	shalt  }
0x4e: {  	_ =	shalt  }
0x4f: {  	_ =	shalt  }
0x50: {  	_ =	shalt  }
0x51: {  	_ =	shalt  }
0x52: {  	_ =	shalt  }
0x53: {  	_ =	shalt  }
0x54: {  	_ =	shalt  }
0x55: {  	_ =	shalt  }
0x56: {  	_ =	shalt  }
0x57: {  	_ =	shalt  }
0x58: {  	_ =	shalt  }
0x59: {  	_ =	shalt  }
0x5a: {  	_ =	shalt  }
0x5b: {  	_ =	shalt  }
0x5c: {  	_ =	shalt  }
0x5d: {  	_ =	shalt  }
0x5e: {  	_ =	shalt  }
0x5f: {  	_ =	shalt  }
0x60: {  	_ =	shalt  }
0x61: {  	_ =	shalt  }
0x62: {  	_ =	shalt  }
0x63: {  	_ =	shalt  }
0x64: {  	_ =	shalt  }
0x65: {  	_ =	shalt  }
0x66: {  	_ =	shalt  }
0x67: {  	_ =	shalt  }
0x68: {  	_ =	shalt  }
0x69: {  	_ =	shalt  }
0x6a: {  	_ =	shalt  }
0x6b: {  	_ =	shalt  }
0x6c: {  	_ =	shalt  }
0x6d: {  	_ =	shalt  }
0x6e: {  	_ =	shalt  }
0x6f: {  	_ =	shalt  }
0x70: {  	_ =	shalt  }
0x71: {  	_ =	shalt  }
0x72: {  	_ =	shalt  }
0x73: {  	_ =	shalt  }
0x74: {  	_ =	shalt  }
0x75: {  	_ =	shalt  }
0x76: {  	_ =	shalt  }
0x77: {  	_ =	shalt  }
0x78: {  	_ =	shalt  }
0x79: {  	_ =	shalt  }
0x7a: {  	_ =	shalt  }
0x7b: {  	_ =	shalt  }
0x7c: {  	_ =	shalt  }
0x7d: {  	_ =	shalt  }
0x7e: {  	_ =	shalt  }
0x7f: {  	_ =	shalt  }
0x80: {  	_ =	shalt  }
0x81: {  	_ =	shalt  }
0x82: {  	_ =	shalt  }
0x83: {  	_ =	shalt  }
0x84: {  	_ =	shalt  }
0x85: {  	_ =	shalt  }
0x86: {  	_ =	shalt  }
0x87: {  	_ =	shalt  }
.Lfunc_end0:
.L_simem_size_0:
called_computation.4_lowered:
.L_overlay_start_0:
0x88: {  	s2 =	sld [smem:$0x3FD9]  }
0x89: {  	s3 =	sld [smem:$0x3FFE];
	_ =	sdelay $0x1  }
0x8a: {  	s1 =	srdreg.scid  }
0x8b: {  	s0 =	sand.u32 $0x1, s1  }
0x8c: {  	s16 =	sshll.u32 s0, $0xA;
	s2 =	sadd.s32 s3, s2  }
0x8d: {  	s2 =	sadd.s32 s2, s16  }
0x8e: {  	[smem:$0x3FAC] =	sst s2  }
0x8f: {  	_ = 	snop  }
0x90: {  	(tm) =	ssettm $0x1  }
0x91: {  	s17 =	sld [smem:$0x3FFB];
	_ =	sdelay $0x3  }
0x92: {  	_ =	strace s17  }
0x93: {  	s2 =	sld [smem:$0x3FFC];
	_ =	sdelay $0x3  }
0x94: {  	_ =	strace s2  }
0x95: {  	s2 =	sld [smem:$0x3FFD];
	_ =	sdelay $0x3  }
0x96: {  	_ =	strace s2  }
0x97: {  	_ =	strace $0x8FFFFFFF  }
0x98: {  	s18 =	sld [smem:$0x3FDB];
	_ =	sdelay $0x1  }
0x99: {  	s19 =	simm.s32 $_scs_section_size  }
0x9a: {  	s4 =	simm.s32 $_size__tile_overlayer_lowered;
	s5 =	simm.s32 $_tile_overlayer_lowered  }
0x9b: {  	s22 =	simm.s32 $0x1BFF;
	s21 =	sshll.u32 s5, $0x1;
	s2 =	sadd.s32 s19, s18  }
0x9c: {  	s6 =	simm.s32 $0x0;
	s20 =	sshll.u32 s4, $0x1;
	s4 =	sadd.s32 s21, s2  }
0x9d: {  	[timem:s6], [sflag:s22] =	dma.local [hbm:s4], s20  }
0x9e: {  	_ =	swait.ge [sflag:s22], s20  }
0x9f: {  	s3 =	ssub.s32 $0x0, s20;
	[sflag:s22] =	ssyncset.done $0x0  }
0xa0: {  	[sflag:s22] =	ssyncadd.s32 s3;
	_ =	sdelay $0x1  }
0xa1: {  	s23 =	simm.s32 $0x1B8B  }
0xa2: {  	_ =	swait.ge [sflag:s23], $0x1  }
0xa3: {  	[sflag:s23] =	ssyncset.done $0x0  }
0xa4: {  	s25 =	simm.s32 $0x1B8E;
	s24 =	sld [smem:$0x3FFE];
	[sflag:s23] =	ssyncadd.s32 $0xFFFFFFFF  }
0xa5: {  	s26 =	simm.s32 $execute0_lowered;
	[smem:$0x3FD2] =	sst s25  }
0xa6: {  	s4 =	sshll.u32 s26, $0x1;
	_ =	strace $0x80000055;
	[dreg:$0x1] =	wrdreg $0xFFFFFFFF  }
0xa7: {  	s28 =	simm.s32 $_size_execute0_lowered;
	s2 =	sadd.s32 s2, s4;
	[dreg:$0x0] =	wrdreg $0x0  }
0xa8: {  	s4 =	sshll.u32 s28, $0x1;
	[dreg:$0x2] =	wrdreg s2  }
0xa9: {  	[dreg:$0x3] =	wrdreg s4  }
0xaa: {  	[dreg:$0x4] =	wrdreg $0xC0  }
0xab: {  	_ =	task [dreg:s6], $0x5FFFF  }
0xac: {  	[dreg:$0x1] =	wrdreg $0xFFFFFFFF  }
0xad: {  	[dreg:$0x0] =	wrdreg $0x60  }
0xae: {  	[dreg:$0x2] =	wrdreg s24  }
0xaf: {  	[dreg:$0x3] =	wrdreg $0x9  }
0xb0: {  	_ =	task.clear_ibuf [dreg:s6], $0x4FFFF;
	_ =	strace $0x90000055  }
0xb1: {  	s29 =	simm.s32 $0x9;
	_ =	strace $0x80000057  }
0xb2: {  	_ =	swait.ge [sflag:s29], $0x1  }
0xb3: {  	[sflag:s29] =	ssyncadd.s32 $0xFFFFFFFF  }
0xb4: {  	_ =	strace $0x90000057  }
0xb5: {  	_ =	sfence  }
0xb6: {  	s30 =	sld [smem:$0x0];
	_ =	sdelay $0x2  }
0xb7: {  	s31 =	sshll.u32 s1, $0xD;
	s1 =	sshrl.u32 s1, $0x2  }
0xb8: {  	s3 =	sand.u32 $0x4000, s31;
	s1 =	sadd.s32 s1, s30  }
0xb9: {  	s0 =	sor.u32 s3, s0;
	s1 =	sshll.u32 s1, $0x11  }
0xba: {  	s0 =	sor.u32 s1, s0  }
0xbb: {  	s0 =	sadd.s32 $0x8F2B, s0  }
0xbc: {  	[sflag:s0] =	ssyncadd.remote.s32 $0x1  }
0xbd: {  	_ =	sfence.sel $0xFFFF  }
0xbe: {  	[dreg:$0x0] =	wrdreg $0xFFFFFFFF;
	(pc) =	sbr.abs _section_cstart, $3  }
0xbf: {  	[dreg:$0x1] =	wrdreg $0xFFFFFFFF  }
0xc0: {  	_ =	task.clear_ibuf [dreg:s6], $0x2FFFF;
	_ =	strace $0x9FFFFFFF  }
0xc1: {  	(tm) =	ssettm $0x7FFFFFFF  }
tec
execute0_lowered:
.L_overlay_start_1:
0x0: {  	(tag) =	ssettag $0x1  }
0x1: {  	s8 =	rddreg [dreg:$0x0]  }
0x2: {  	s0 =	rddreg [dreg:$0x1];
	_ =	strace $0x80000056;
	s1 =	stileid.u32  }
0x3: {  	s3 =	srdreg.scid;
	s4 =	simm.s32 $0x1;
	s7 =	simm.s32 $0x1  }
0x4: {  	s9 =	simm.s32 $0x1;
	s10 =	simm.s32 $0x3;
	s13 =	simm.s32 $0x0  }
0x5: {  	s12 =	simm.s32 $0x0;
	s5 =	sand.u32 $0x1, s3;
	s6 =	sshll.u32 s1, $0x1  }
0x6: {  	s2 =	sadd.s32 $0x81A000, s8;
	s3 =	sadd.s32 $0xDA200, s8;
	s5 =	sor.u32 s6, s5  }
.Ltmp0:
0x7: {  	[sflag:s4] =	ssyncpa.u1 $0x0;
	p0 =	slt.u32 s5, $0x9;
	(pc) =	sbr.rel .LBB2_1-.Ltmp0, $4  }
0x8: {  	s6 =	simm.s32 $0x2;
	s7 =	simm.s32 @!p0 $0x0;
	p0 =	sne.s32 s5, $0x8  }
0x9: {  	[sflag:s6] =	ssyncpa.u1 $0x0;
	s5 =	smul.u32 $0x7D00, s5;
	s9 =	simm.s32 @!p0 $0x0  }
0xa: {  	s8 =	sadd.s32 $0x101400, s8;
	[sflag:s10] =	ssyncpa.u1 $0x0;
	s7 =	sadd.s32 s9, s7  }
0xb: {  	vm0 =	vmmov $0xffff;
	s10 =	simm.s32 $0x0;
	s11 =	smov.u32 s5;
	s9 =	sadd.s32 $0x1, s7  }
.LBB2_4:
0xc: {  	vm1 =	veq.s32 v4, $0x80000000;
	v56 =	vand.u32 $0x1FFF, v4;
	v6 =	vand.u32 $0x1FFF, v6  }
0xd: {  	v2 =	vor.u32 v2, v5;
	v59 =	vshrl.u32 v1, $0xD;
	v60 =	vand.u32 $0x1FFF, v1  }
0xe: {  	v4 =	vsel vm1, $0xFFFFFFFF, v56;
	v6 =	vsel vm1, $0xFFFFFFFF, v6;
	v2 =	vor.u32 v3, v2  }
0xf: {  	vm1 =	veq.s32 v1, $0x80000000;
	v5 =	vand.u32 $0x1FFF, v59;
	v7 =	vshrl.u32 v4, $0x3  }
0x10: {  	v57 =	vshll.u32 v6, $0x3;
	v4 =	vshll.u32 v4, $0x7;
	v1 =	vsel vm1, $0xFFFFFFFF, v60  }
0x11: {  	v5 =	vsel vm1, $0xFFFFFFFF, v5;
	v6 =	vand.u32 $0x7F, v6;
	v7 =	vmul.u32 $0xBC00, v7  }
0x12: {  	v58 =	vand.u32 $0xFFFFFC00, v57;
	v4 =	vand.u32 $0x380, v4;
	v61 =	vshrl.u32 v1, $0x3  }
0x13: {  	v62 =	vshll.u32 v5, $0x3;
	v3 =	vadd.s32 v7, v58;
	v7 =	vmul.u32 $0xBC00, v61  }
0x14: {  	v1 =	vshll.u32 v1, $0x7;
	v3 =	vor.u32 v4, v3;
	v4 =	vand.u32 $0xFFFFFC00, v62  }
0x15: {  	v1 =	vand.u32 $0x380, v1;
	v3 =	vor.u32 v6, v3;
	v4 =	vadd.s32 v7, v4  }
0x16: {  	[tilespmem:s16], [sflag:$0x1] =	stream.indirect_vreg.gather [hbm4b:s2+s10], $0x1, v0, vm0, $0x4038;
	v63 =	vand.u32 $0x7F, v5;
	v1 =	vor.u32 v1, v4;
	[tilespmem:$0x1F400] =	vst v63  }
0x17: {  	s15 =	sadd.s32 $0x10, s15;
	(ifvalue) =	ssetifvalue $0x7FFFFFFF;
	v0 =	vor.u32 v63, v1  }
0x18: {  	[tilespmem:s15], [sflag:$0x1] =	stream.indirect_vreg.gather [hbm4b:s2+s10], $0x1, v2, vm0, $0x4038;
	[tilespmem:$0x1F400] =	vst v63  }
0x19: {  	s15 =	sadd.s32 $0x10, s15;
	(ifvalue) =	ssetifvalue $0x7FFFFFFF  }
0x1a: {  	[tilespmem:s15], [sflag:$0x1] =	stream.indirect_vreg.gather [hbm4b:s2+s10], $0x1, v3, vm0, $0x4038;
	[tilespmem:$0x1F400] =	vst v63  }
0x1b: {  	s15 =	sadd.s32 $0x10, s15;
	(ifvalue) =	ssetifvalue $0x7FFFFFFF  }
0x1c: {  	[tilespmem:s15], [sflag:$0x1] =	stream.indirect_vreg.gather [hbm4b:s2+s10], $0x1, v0, vm0, $0x4038;
	[tilespmem:$0x1F400] =	vst v63  }
0x1d: {  	_ =	swait.ge [sflag:s4], $0x7D00  }
0x1e: {  	s30 =	sshrl.u32 s13, $0x3;
	[sflag:s4] =	ssyncset.done $0x0  }
0x1f: {  	s31 =	sand.u32 $0x7, s13;
	s15 =	sadd.s32 s8, s30;
	[sflag:s4] =	ssyncadd.s32 $0xFFFF8300  }
0x20: {  	[hbm4b:s15+s31] =	stream.linear.scatter [tilespmem:s14], [sflag:$0x3], $0x7D00, $0x38;
	[tilespmem:$0x1F400] =	vst v63  }
.LBB2_5:
0x21: {  	s15 =	sadd.s32 $0xFA000, s11  }
0x22: {  	p1 =	sgt.s32 s15, $0x1387FF  }
0x23: {  	s15 =	smov.u32 @p1 s5;
	p1 =	sne.s32 s12, s9  }
.Ltmp1:
0x24: {  	p0 =	slt.u32 s12, $0x2;
	(pc) =	sbr.rel @!p1 .LBB2_6-.Ltmp1, $4  }
0x25: {  	s14 =	simm.s32 @!p0 $0x3  }
0x26: {  	_ =	swait.ge @!p0 [sflag:s14], $0x7D00  }
0x27: {  	s16 =	sadd.s32 $0x1, s12;
	s13 =	smov.u32 s11;
	[sflag:s14] =	ssyncset.done @!p0 $0x0  }
0x28: {  	s12 =	smov.u32 s16;
	s11 =	smov.u32 s15;
	[sflag:s14] =	ssyncadd.s32 @!p0 $0xFFFF8300  }
.LBB2_1:
0x29: {  	p0 =	sge.u32 s12, s7  }
0x2a: {  	s14 =	sxor.u32 @!p0 $0x1, s12  }
0x2b: {  	s14 =	smul.u32 @!p0 $0x1F400, s14  }
0x2c: {  	s31 =	sadd.s32 $0xFFFFFFFF, s12;
	s15 =	sshrl.u32 @!p0 s11, $0x3  }
0x2d: {  	s16 =	sand.u32 @!p0 $0x7, s11;
	s15 =	sadd.s32 @!p0 s3, s15;
	s14 =	sshra.s32 @!p0 s14, $0x2  }
0x2e: {  	[tilespmem:s14], [sflag:$0x2] =	stream.linear.gather @!p0 [hbm4b:s15+s16], $0x7D00, $0x38;
	[tilespmem:$0x1F400] =	vst v63  }
0x2f: {  	p0 =	sge.u32 s31, s7  }
.Ltmp2:
0x30: {  	_ = 	snop;
	(pc) =	sbr.rel @p0 .LBB2_5-.Ltmp2, $1  }
0x31: {  	_ =	sdelay $0x3  }
0x32: {  	s14 =	sand.u32 $0x1, s12  }
0x33: {  	_ =	swait.ge [sflag:s6], $0x7D00;
	p0 =	seq.s32 s14, $0x1;
	s14 =	simm.s32 $0x7D00  }
0x34: {  	[sflag:s6] =	ssyncset.done $0x0;
	s14 =	simm.s32 @!p0 $0x0  }
0x35: {  	[sflag:s6] =	ssyncadd.s32 $0xFFFF8300;
	(ifvalue) =	ssetifvalue $0x7FFFFFFF;
	v0 =	vld.msk [tilespmem:s14+$0x0 ss:$0x1], $0xffff  }
0x36: {  	s15 =	sadd.s32 $0x10, s14  }
0x37: {  	v1 =	vld.msk [tilespmem:s15+$0x0 ss:$0x1], $0xffff;
	_ =	sdelay $0x2  }
0x38: {  	v2 =	vshrl.u32 v0, $0xD  }
0x39: {  	vm1 =	veq.s32 v0, $0x80000000;
	v0 =	vand.u32 $0x1FFF, v0;
	v2 =	vand.u32 $0x1FFF, v2  }
0x3a: {  	v0 =	vsel vm1, $0xFFFFFFFF, v0;
	v6 =	vshrl.u32 v1, $0xD;
	v2 =	vsel vm1, $0xFFFFFFFF, v2  }
0x3b: {  	v3 =	vshrl.u32 v0, $0x3;
	v0 =	vshll.u32 v0, $0x7;
	vm1 =	veq.s32 v1, $0x80000000  }
0x3c: {  	s15 =	sadd.s32 $0x10, s15;
	v1 =	vand.u32 $0x1FFF, v1;
	v4 =	vshll.u32 v2, $0x3;
	v3 =	vmul.u32 $0xBC00, v3  }
0x3d: {  	v0 =	vand.u32 $0x380, v0;
	v7 =	vand.u32 $0x7F, v2;
	v5 =	vand.u32 $0xFFFFFC00, v4;
	v4 =	vld.msk [tilespmem:s15+$0x0 ss:$0x1], $0xffff  }
0x3e: {  	v1 =	vsel vm1, $0xFFFFFFFF, v1;
	v2 =	vadd.s32 v3, v5;
	v3 =	vand.u32 $0x1FFF, v6  }
0x3f: {  	v3 =	vsel vm1, $0xFFFFFFFF, v3;
	v0 =	vor.u32 v0, v2;
	v2 =	vshrl.u32 v1, $0x3  }
0x40: {  	v1 =	vshll.u32 v1, $0x7;
	v5 =	vshll.u32 v3, $0x3;
	v8 =	vmul.u32 $0xBC00, v2  }
0x41: {  	s18 =	simm.s32 $0x30;
	s14 =	sadd.s32 $0xFA00, s14;
	s17 =	sadd.s32 $0x10, s15;
	v2 =	vand.u32 $0x380, v1;
	v0 =	vor.u32 v7, v0;
	v5 =	vand.u32 $0xFFFFFC00, v5  }
0x42: {  	s16 =	smov.u32 s14;
	s15 =	smov.u32 s14;
	v1 =	vld.msk [tilespmem:s17+$0x0 ss:$0x1], $0xffff;
	v3 =	vand.u32 $0x7F, v3;
	(ifvalue) =	ssetifvalue $0x7FFFFFFF;
	v6 =	vshrl.u32 v4, $0xD;
	v5 =	vadd.s32 v8, v5  }
.LBB2_3:
0x43: {  	s18 =	sadd.s32 $0x10, s18  }
0x44: {  	vm1 =	veq.s32 v4, $0x80000000;
	v4 =	vand.u32 $0x1FFF, v4;
	v6 =	vand.u32 $0x1FFF, v6;
	s15 =	sadd.s32 $0x10, s15;
	p0 =	slt.u32 s18, $0x7CF0  }
.Ltmp3:
0x45: {  	v5 =	vor.u32 v2, v5;
	v4 =	vsel vm1, $0xFFFFFFFF, v4;
	v7 =	vsel vm1, $0xFFFFFFFF, v6;
	(pc) =	sbr.rel @p0 .LBB2_3-.Ltmp3, $4  }
0x46: {  	v2 =	vshrl.u32 v4, $0x3;
	v6 =	vshll.u32 v7, $0x3;
	v4 =	vshll.u32 v4, $0x7;
	[tilespmem:s16], [sflag:$0x1] =	stream.indirect_vreg.gather [hbm4b:s2+s10], $0x1, v0, vm0, $0x4038;
	[tilespmem:$0x1F400] =	vst v63  }
0x47: {  	v0 =	vor.u32 v3, v5;
	s16 =	smov.u32 s15;
	v8 =	vmul.u32 $0xBC00, v2;
	v2 =	vand.u32 $0x380, v4  }
0x48: {  	s17 =	sadd.s32 $0x10, s17;
	v9 =	vand.u32 $0xFFFFFC00, v6  }
0x49: {  	v3 =	vand.u32 $0x7F, v7;
	v6 =	vshrl.u32 v1, $0xD;
	v5 =	vadd.s32 v8, v9;
	(ifvalue) =	ssetifvalue $0x7FFFFFFF;
	v4 =	vmovc v1;
	v1 =	vld.msk [tilespmem:s17+$0x0 ss:$0x1], $0xffff  }
.Ltmp4:
0x4a: {  	_ = 	snop;
	(pc) =	sbr.rel .LBB2_4-.Ltmp4, $1  }
0x4b: {  	_ =	sdelay $0x3  }
.LBB2_6:
0x4c: {  	_ =	sfence.sel $0x180000  }
0x4d: {  	s2 =	simm.s32 $0x2;
	[bflag:$0x0] =	sbarrier.arrive $0xFFFF  }
0x4e: {  	s30 =	simm.s32 $0x3;
	[sflag:s2] =	ssyncpa.u1 $0x1  }
0x4f: {  	s31 =	simm.s32 $0x1;
	[sflag:s30] =	ssyncpa.u1 $0x1  }
0x50: {  	[sflag:s31] =	ssyncpa.u1 $0x1  }
0x51: {  	p0 =	sne.s32 s1, $0x0;
	_ =	strace $0x90000056  }
0x52: {  	s0 =	sadd.s32 @!p0 $0x100000, s0;
	[bflag:$0x2] =	sbarrier.arrive $0xFFFF  }
0x53: {  	[sflag:s0] =	ssyncadd.tile.s32 @!p0 $0x1;
	_ =	shalt  }
.Lfunc_end2:
_tile_overlayer_lowered:
.L_overlay_start_2:
0x54: {  	(tag) =	ssettag $0x2  }
0x55: {  	s0 =	rddreg [dreg:$0x0];
	s2 =	stileid.u32  }
0x56: {  	s1 =	rddreg [dreg:$0x1];
	p0 =	sne.s32 s2, $0x0  }
0x57: {  	s3 =	rddreg [dreg:$0x2];
	[bflag:$0x3] =	sbarrier.arrive $0xFFFF;
	s2 =	simm.s32 @!p0 $0x1C01  }
0x58: {  	[timem:s3], [sflag:s2] =	dma.local @!p0 [hbm:s0], s1  }
0x59: {  	s0 =	simm.s32 @!p0 $0x1  }
0x5a: {  	_ =	swait.ge @!p0 [sflag:s0], s1  }
0x5b: {  	s1 =	ssub.s32 @!p0 $0x0, s1;
	[sflag:s0] =	ssyncset.done @!p0 $0x0  }
0x5c: {  	[sflag:s0] =	ssyncadd.s32 @!p0 s1  }
0x5d: {  	[bflag:$0x3] =	sbarrier.arrive $0xFFFF  }
0x5e: {  	_ =	shalt  }

// kernel: gather_offload_async_start.2
scs
__scs_entry_jumppad:
0x0: {  	(pc) =	sbr.rel $0x88, $3  }
0x1: {  	(tag) =	ssettag $0x0;
	lr =	simm.s32 $0x1  }
0x2: {  	[smem:$0x3F85] =	sst lr;
	_ =	strace $0xD0000000  }
0x3: {  	_ = 	snop  }
0x4: {  	_ = 	snop  }
0x5: {  	_ = 	snop  }
0x6: {  	_ = 	snop  }
0x7: {  	_ = 	snop  }
__scs_overlays_trampoline_lowered:
0x8: {  	[smem:$0x3F94] =	sst s0  }
0x9: {  	[smem:$0x3F95] =	sst s1  }
0xa: {  	[smem:$0x3F96] =	sst s2  }
0xb: {  	[smem:$0x3F97] =	sst s3  }
0xc: {  	[smem:$0x3F98] =	sst s4  }
0xd: {  	[smem:$0x3F99] =	sst s5  }
0xe: {  	[smem:$0x3F9A] =	sst s6  }
0xf: {  	[smem:$0x3F9B] =	sst s7  }
0x10: {  	[smem:$0x3F9C] =	sst s8  }
0x11: {  	[smem:$0x3F9D] =	sst s9;
	s0 =	simm.s32 @!p0 $0x0  }
0x12: {  	s1 =	sld [smem:$0x3F83];
	s0 =	simm.s32 @p0 $0x1  }
0x13: {  	[smem:$0x3F9E] =	sst s0;
	s0 =	simm.s32 @!p1 $0x0  }
0x14: {  	s2 =	sld [smem:$0x3F82];
	s0 =	simm.s32 @p1 $0x1  }
0x15: {  	[smem:$0x3F9F] =	sst s0;
	s0 =	simm.s32 @!p2 $0x0  }
0x16: {  	s3 =	sld [smem:$0x3FDB];
	s0 =	simm.s32 @p2 $0x1  }
0x17: {  	s4 =	simm.s32 $0x1BF5;
	[smem:$0x3FA1] =	sst s0  }
0x18: {  	s0 =	sld [smem:$0x3F84];
	_ =	swait.ge [sflag:s4], $0x0  }
0x19: {  	s7 =	sld [smem:$0x3F85]  }
0x1a: {  	s8 =	sadd.s32 $0xFFFFE003, lr  }
0x1b: {  	s9 =	sadd.s32 $0xFFFFFEF7, lr;
	s5 =	simm.s32 $0xFFFFFFFF;
	p2 =	slt.u32 s8, $0xFFFFF086  }
0x1c: {  	p1 =	slt.u32 s9, $0xF7A;
	s5 =	simm.s32 @!p2 $0x0  }
0x1d: {  	s5 =	simm.s32 @p1 $0x1;
	p0 =	seq.s32 s7, s2  }
0x1e: {  	s7 =	smul.u32 @!p0 $0xF7A, s2;
	p2 =	seq.s32 @!p0 s5, $0x0  }
0x1f: {  	s9 =	smul.u32 $0xF7A, s1;
	s8 =	simm.s32 @!p0 $0x1BF5;
	p2 =	por !p2, p0  }
0x20: {  	[sflag:s8] =	ssyncset.s32 @!p0 $0xFFFFF086;
	s6 =	sadd.s32 @!p0 s3, s7;
	s7 =	simm.s32 @!p0 $0x108  }
0x21: {  	s3 =	sadd.s32 s3, s9;
	s6 =	sadd.s32 @!p0 $0x88, s6;
	s7 =	simm.s32 @p2 $0x1082  }
0x22: {  	[simem:s7], [sflag:s8] =	dma.local @!p0 [hbm:s6], $0xF7A  }
0x23: {  	s9 =	sor.u32 $0xD0000000, s2;
	s6 =	simm.s32 $0x108;
	_ =	swait.ge @!p0 [sflag:s8], $0x0  }
0x24: {  	s3 =	sadd.s32 $0x88, s3;
	s6 =	simm.s32 @!p1 $0x1082;
	[sflag:s4] =	ssyncset.s32 $0xFFFFF086  }
0x25: {  	[simem:s6], [sflag:s4] =	dma.local [hbm:s3], $0xF7A  }
0x26: {  	[smem:$0x3F85] =	sst s1;
	(tag) =	ssettag s2;
	_ =	strace s9  }
0x27: {  	s1 =	sld [smem:$0x3F95]  }
0x28: {  	s2 =	sld [smem:$0x3F96]  }
0x29: {  	s4 =	sld [smem:$0x3F98]  }
0x2a: {  	p0 =	seq.s32 s5, $0x0;
	s5 =	sld [smem:$0x3F99]  }
0x2b: {  	s6 =	sld [smem:$0x3F9A]  }
0x2c: {  	s7 =	sld [smem:$0x3F9B]  }
0x2d: {  	s3 =	simm.s32 $0x108;
	s8 =	sld [smem:$0x3F9C]  }
0x2e: {  	s3 =	simm.s32 @!p0 $0x1082;
	s9 =	sld [smem:$0x3F9D]  }
0x2f: {  	lr =	sadd.s32 s0, s3;
	s0 =	sld [smem:$0x3F94]  }
0x30: {  	s3 =	sld [smem:$0x3F97]  }
0x31: {  	[smem:$0x3FA0] =	sst s10  }
0x32: {  	s10 =	sld [smem:$0x3F9E];
	_ =	sdelay $0x3  }
0x33: {  	p0 =	seq.s32 s10, $0x1;
	s10 =	sld [smem:$0x3FA0];
	_ =	sdelay $0x3  }
0x34: {  	[smem:$0x3FA0] =	sst s10  }
0x35: {  	s10 =	sld [smem:$0x3F9F];
	_ =	sdelay $0x3  }
0x36: {  	p1 =	seq.s32 s10, $0x1;
	s10 =	sld [smem:$0x3FA0];
	_ =	sdelay $0x3  }
0x37: {  	[smem:$0x3FA0] =	sst s10  }
0x38: {  	s10 =	sld [smem:$0x3FA1]  }
0x39: {  	_ = 	snop;
	(pc) =	sbr.ind lr, $3  }
0x3a: {  	_ = 	snop  }
0x3b: {  	_ = 	snop  }
0x3c: {  	p2 =	seq.s32 s10, $0x1;
	s10 =	sld [smem:$0x3FA0]  }
0x3d: {  	_ =	shalt  }
0x3e: {  	_ =	shalt  }
0x3f: {  	_ =	shalt  }
0x40: {  	_ =	shalt  }
0x41: {  	_ =	shalt  }
0x42: {  	_ =	shalt  }
0x43: {  	_ =	shalt  }
0x44: {  	_ =	shalt  }
0x45: {  	_ =	shalt  }
0x46: {  	_ =	shalt  }
0x47: {  	_ =	shalt  }
0x48: {  	_ =	shalt  }
0x49: {  	_ =	shalt  }
0x4a: {  	_ =	shalt  }
0x4b: {  	_ =	shalt  }
0x4c: {  	_ =	shalt  }
0x4d: {  	_ =	shalt  }
0x4e: {  	_ =	shalt  }
0x4f: {  	_ =	shalt  }
0x50: {  	_ =	shalt  }
0x51: {  	_ =	shalt  }
0x52: {  	_ =	shalt  }
0x53: {  	_ =	shalt  }
0x54: {  	_ =	shalt  }
0x55: {  	_ =	shalt  }
0x56: {  	_ =	shalt  }
0x57: {  	_ =	shalt  }
0x58: {  	_ =	shalt  }
0x59: {  	_ =	shalt  }
0x5a: {  	_ =	shalt  }
0x5b: {  	_ =	shalt  }
0x5c: {  	_ =	shalt  }
0x5d: {  	_ =	shalt  }
0x5e: {  	_ =	shalt  }
0x5f: {  	_ =	shalt  }
0x60: {  	_ =	shalt  }
0x61: {  	_ =	shalt  }
0x62: {  	_ =	shalt  }
0x63: {  	_ =	shalt  }
0x64: {  	_ =	shalt  }
0x65: {  	_ =	shalt  }
0x66: {  	_ =	shalt  }
0x67: {  	_ =	shalt  }
0x68: {  	_ =	shalt  }
0x69: {  	_ =	shalt  }
0x6a: {  	_ =	shalt  }
0x6b: {  	_ =	shalt  }
0x6c: {  	_ =	shalt  }
0x6d: {  	_ =	shalt  }
0x6e: {  	_ =	shalt  }
0x6f: {  	_ =	shalt  }
0x70: {  	_ =	shalt  }
0x71: {  	_ =	shalt  }
0x72: {  	_ =	shalt  }
0x73: {  	_ =	shalt  }
0x74: {  	_ =	shalt  }
0x75: {  	_ =	shalt  }
0x76: {  	_ =	shalt  }
0x77: {  	_ =	shalt  }
0x78: {  	_ =	shalt  }
0x79: {  	_ =	shalt  }
0x7a: {  	_ =	shalt  }
0x7b: {  	_ =	shalt  }
0x7c: {  	_ =	shalt  }
0x7d: {  	_ =	shalt  }
0x7e: {  	_ =	shalt  }
0x7f: {  	_ =	shalt  }
0x80: {  	_ =	shalt  }
0x81: {  	_ =	shalt  }
0x82: {  	_ =	shalt  }
0x83: {  	_ =	shalt  }
0x84: {  	_ =	shalt  }
0x85: {  	_ =	shalt  }
0x86: {  	_ =	shalt  }
0x87: {  	_ =	shalt  }
.Lfunc_end0:
.L_simem_size_0:
called_computation.5_lowered:
.L_overlay_start_0:
0x88: {  	s0 =	sld [smem:$0x3FD9]  }
0x89: {  	s1 =	sld [smem:$0x3FFE];
	_ =	sdelay $0x3  }
0x8a: {  	s0 =	sadd.s32 s1, s0  }
0x8b: {  	[smem:$0x3FAC] =	sst s0  }
0x8c: {  	_ = 	snop  }
0x8d: {  	s0 =	sld [smem:$0x3FD0];
	_ =	sdelay $0x2  }
0x8e: {  	s13 =	simm.s32 $0xA;
	s2 =	simm.s32 $0x10  }
0x8f: {  	[smem:s2], [sflag:s13] =	dma.local [hbm:s0], $0x1  }
0x90: {  	_ =	swait.eq [sflag:s13], $0x1  }
0x91: {  	[sflag:s13] =	ssyncset.done $0x0  }
0x92: {  	[sflag:s13] =	ssyncadd.s32 $0xFFFFFFFF  }
0x93: {  	s14 =	sld [smem:$0x12];
	(tm) =	ssettm $0x1  }
0x94: {  	s15 =	sld [smem:$0x3FFB];
	_ =	sdelay $0x3  }
0x95: {  	_ =	strace s15  }
0x96: {  	s1 =	sld [smem:$0x3FFC];
	_ =	sdelay $0x3  }
0x97: {  	_ =	strace s1  }
0x98: {  	s1 =	sld [smem:$0x3FFD];
	_ =	sdelay $0x3  }
0x99: {  	_ =	strace s1  }
0x9a: {  	_ =	strace $0x8FFFFFFF  }
0x9b: {  	s16 =	sld [smem:$0x3FDB];
	_ =	sdelay $0x1  }
0x9c: {  	s17 =	simm.s32 $_scs_section_size  }
0x9d: {  	s3 =	simm.s32 $_size__tile_overlayer_lowered;
	s4 =	simm.s32 $_tile_overlayer_lowered  }
0x9e: {  	s20 =	simm.s32 $0x1BFF;
	s19 =	sshll.u32 s4, $0x1;
	s1 =	sadd.s32 s17, s16  }
0x9f: {  	s5 =	simm.s32 $0x0;
	s18 =	sshll.u32 s3, $0x1;
	s3 =	sadd.s32 s19, s1  }
0xa0: {  	[timem:s5], [sflag:s20] =	dma.local [hbm:s3], s18  }
0xa1: {  	_ =	swait.ge [sflag:s20], s18  }
0xa2: {  	s2 =	ssub.s32 $0x0, s18;
	[sflag:s20] =	ssyncset.done $0x0  }
0xa3: {  	[sflag:s20] =	ssyncadd.s32 s2;
	_ =	sdelay $0x1  }
0xa4: {  	s21 =	simm.s32 $0x1B8B  }
0xa5: {  	_ =	swait.ge [sflag:s21], $0x1  }
0xa6: {  	[sflag:s21] =	ssyncset.done $0x0  }
0xa7: {  	s23 =	simm.s32 $0x1B8E;
	s22 =	sld [smem:$0x3FFE];
	[sflag:s21] =	ssyncadd.s32 $0xFFFFFFFF  }
0xa8: {  	s24 =	simm.s32 $execute0_lowered;
	[smem:$0x3FD2] =	sst s23  }
0xa9: {  	s3 =	sshll.u32 s24, $0x1;
	_ =	strace $0x80000046;
	[dreg:$0x1] =	wrdreg $0xFFFFFFFF  }
0xaa: {  	s25 =	simm.s32 $_size_execute0_lowered;
	s1 =	sadd.s32 s1, s3;
	[dreg:$0x0] =	wrdreg $0x0  }
0xab: {  	s3 =	sshll.u32 s25, $0x1;
	[dreg:$0x2] =	wrdreg s1  }
0xac: {  	[dreg:$0x3] =	wrdreg s3  }
0xad: {  	[dreg:$0x4] =	wrdreg $0xC0  }
0xae: {  	_ =	task [dreg:s5], $0x5FFFF  }
0xaf: {  	[dreg:$0x1] =	wrdreg $0xFFFFFFFF  }
0xb0: {  	[dreg:$0x0] =	wrdreg $0x60  }
0xb1: {  	[dreg:$0x2] =	wrdreg s22  }
0xb2: {  	[dreg:$0x3] =	wrdreg s14  }
0xb3: {  	[dreg:$0x4] =	wrdreg $0x9  }
0xb4: {  	_ =	task.clear_ibuf [dreg:s5], $0x5FFFF;
	_ =	strace $0x90000046  }
0xb5: {  	s26 =	simm.s32 $0x9;
	_ =	strace $0x80000048  }
0xb6: {  	_ =	swait.ge [sflag:s26], $0x1  }
0xb7: {  	[sflag:s26] =	ssyncadd.s32 $0xFFFFFFFF  }
0xb8: {  	_ =	strace $0x90000048  }
0xb9: {  	_ =	sfence  }
0xba: {  	s28 =	sld [smem:$0x0];
	_ =	sdelay $0x1  }
0xbb: {  	s29 =	srdreg.scid  }
0xbc: {  	s30 =	sshll.u32 s29, $0xD;
	s31 =	sshrl.u32 s29, $0x2  }
0xbd: {  	s2 =	sand.u32 $0x4000, s30;
	s1 =	sand.u32 $0x1, s29;
	s0 =	sadd.s32 s31, s28  }
0xbe: {  	s1 =	sor.u32 s2, s1;
	s0 =	sshll.u32 s0, $0x11  }
0xbf: {  	s0 =	sor.u32 s0, s1  }
0xc0: {  	s0 =	sadd.s32 $0x8F2B, s0  }
0xc1: {  	[sflag:s0] =	ssyncadd.remote.s32 $0x1  }
0xc2: {  	_ =	sfence.sel $0xFFFF  }
0xc3: {  	[dreg:$0x0] =	wrdreg $0xFFFFFFFF;
	(pc) =	sbr.abs _section_cstart, $3  }
0xc4: {  	[dreg:$0x1] =	wrdreg $0xFFFFFFFF  }
0xc5: {  	_ =	task.clear_ibuf [dreg:s5], $0x2FFFF;
	_ =	strace $0x9FFFFFFF  }
0xc6: {  	(tm) =	ssettm $0x7FFFFFFF  }
0xc7: {  	_ =	shalt  }
tec
execute0_lowered:
.L_overlay_start_1:
0x0: {  	(tag) =	ssettag $0x1  }
0x1: {  	s0 =	stileid.u32  }
0x2: {  	s1 =	smin.u32 s0, $0x9  }
0x3: {  	s1 =	sadd.s32 s0, s1  }
0x4: {  	s2 =	simm.s32 $0x190;
	p0 =	slt.u32 s0, $0x9;
	s1 =	smul.u32 $0xC8, s1  }
0x5: {  	s2 =	simm.s32 @!p0 $0xC8  }
0x6: {  	s2 =	sadd.s32 s2, s1  }
0x7: {  	s3 =	smin.u32 s2, $0x1388  }
0x8: {  	s7 =	ssub.s32 s3, s1  }
0x9: {  	p0 =	sgt.s32 s7, $0x0  }
0xa: {  	s7 =	simm.s32 @!p0 $0x0  }
0xb: {  	s31 =	sand.u32 $0xFFF8, s7  }
0xc: {  	s2 =	sshrl.u32 s31, $0x3  }
0xd: {  	s9 =	rddreg [dreg:$0x0];
	s2 =	smul.u32 $0x147B, s2  }
0xe: {  	s4 =	rddreg [dreg:$0x1];
	s6 =	simm.s32 $0x1  }
0xf: {  	s11 =	simm.s32 $0x3;
	s13 =	simm.s32 $0x0;
	s8 =	sshrl.u32 s2, $0x11  }
0x10: {  	s12 =	simm.s32 $0x0;
	s5 =	sadd.s32 $0x7A00, s9;
	s10 =	smul.u32 $0xC8, s8  }
.Ltmp0:
0x11: {  	s9 =	sadd.s32 $0x1F600, s9;
	s2 =	rddreg [dreg:$0x2];
	(pc) =	sbr.rel .LBB2_1-.Ltmp0, $4  }
0x12: {  	_ =	strace $0x80000047;
	p0 =	sne.s32 s7, s10;
	s10 =	simm.s32 $0x1  }
0x13: {  	[sflag:s6] =	ssyncpa.u1 $0x0;
	s7 =	simm.s32 $0x2;
	s10 =	simm.s32 @!p0 $0x0  }
0x14: {  	[sflag:s7] =	ssyncpa.u1 $0x0;
	p0 =	por $0x0, $0x0;
	s8 =	sadd.s32 s8, s10  }
0x15: {  	vm0 =	vmmov $0xff;
	vm1 =	vcmask $0x3F20;
	[sflag:s11] =	ssyncpa.u1 $0x0;
	s11 =	smov.u32 s1;
	s10 =	sadd.s32 $0x1, s8  }
.LBB2_6:
0x16: {  	[hbm:s17] =	stream.linear.scatter [tilespmem:s14], [sflag:$0x3], $0x400, $0x38;
	[tilespmem:$0xC990] =	vst v63  }
.LBB2_7:
0x17: {  	s13 =	sadd.s32 $0xC8, s11  }
0x18: {  	s15 =	smov.u32 s1;
	p2 =	slt.s32 s13, s3  }
0x19: {  	s15 =	smov.u32 @p2 s13;
	p2 =	sne.s32 s12, s10  }
.Ltmp1:
0x1a: {  	p1 =	slt.u32 s12, $0x2;
	(pc) =	sbr.rel @!p2 .LBB2_8-.Ltmp1, $4  }
0x1b: {  	s14 =	simm.s32 @!p1 $0x3  }
0x1c: {  	s16 =	sadd.s32 $0x1, s12;
	_ =	swait.ge @!p1 [sflag:s14], $0x6400  }
0x1d: {  	p0 =	por !p0, !p0;
	s13 =	smov.u32 s11;
	[sflag:s14] =	ssyncset.done @!p1 $0x0  }
0x1e: {  	s12 =	smov.u32 s16;
	s11 =	smov.u32 s15;
	[sflag:s14] =	ssyncadd.s32 @!p1 $0xFFFF9C00  }
.LBB2_1:
0x1f: {  	p1 =	sge.u32 s12, s8  }
0x20: {  	s14 =	sxor.u32 @!p1 $0xFFFFFFFF, s12  }
0x21: {  	s14 =	sand.u32 @!p1 $0x1, s14  }
0x22: {  	s14 =	smul.u32 @!p1 $0x320, s14  }
0x23: {  	s31 =	sadd.s32 $0xFFFFFFFF, s12;
	s15 =	sshrl.u32 @!p1 s11, $0x3  }
0x24: {  	s16 =	sand.u32 @!p1 $0x7, s11;
	s15 =	sadd.s32 @!p1 s4, s15;
	s14 =	sshrl.u32 @!p1 s14, $0x2  }
0x25: {  	[tilespmem:s14], [sflag:$0x2] =	stream.linear.gather @!p1 [hbm4b:s15+s16], $0xC8, $0x38;
	[tilespmem:$0xC990] =	vst v63  }
0x26: {  	p1 =	sge.u32 s31, s8  }
.Ltmp2:
0x27: {  	_ = 	snop;
	(pc) =	sbr.rel @p1 .LBB2_7-.Ltmp2, $1  }
0x28: {  	_ =	sdelay $0x3  }
0x29: {  	s14 =	simm.s32 $0x1  }
0x2a: {  	s14 =	simm.s32 @!p0 $0x0  }
0x2b: {  	s15 =	smul.u32 $0x320, s14  }
0x2c: {  	_ =	swait.ge [sflag:s7], $0xC8  }
0x2d: {  	[sflag:s7] =	ssyncset.done $0x0;
	s16 =	sshrl.u32 s15, $0x2  }
0x2e: {  	[sflag:s7] =	ssyncadd.s32 $0xFFFFFF38;
	s15 =	sadd.s32 $0x0, s16  }
0x2f: {  	v0 =	vld.msk [tilespmem:s15+$0x0 ss:$0x1], $0xffff;
	_ =	sdelay $0x4  }
0x30: {  	vm2 =	vgt.s32 v0, $0x0  }
0x31: {  	v0 =	vnsel vm2, $0x0, v0  }
0x32: {  	v0 =	vmin.u32 v0, $0x176F  }
0x33: {  	v0 =	vshll.u32 v0, $0x4  }
0x34: {  	s14 =	smul.u32 $0x19000, s14  }
0x35: {  	s31 =	sand.u32 $0x1, s12  }
0x36: {  	s17 =	smul.u32 $0x320, s31;
	s14 =	sshrl.u32 s14, $0x2  }
0x37: {  	s19 =	smul.u32 $0x19000, s31;
	s14 =	sor.u32 $0x190, s14  }
0x38: {  	[tilespmem:s14], [sflag:$0x1] =	stream.indirect_vreg.gather [hbm:s5], $0x80, v0, vm0, $0x38;
	[tilespmem:$0xC990] =	vst v63  }
0x39: {  	s18 =	sshrl.u32 s17, $0x2;
	s20 =	sadd.s32 $0x10, s16;
	s15 =	sadd.s32 $0x400, s14  }
0x3a: {  	[tilespmem:s15], [sflag:$0x1] =	stream.indirect_vreg.gather [hbm:s5], $0x80, v0, vm1, $0x38;
	[tilespmem:$0xC990] =	vst v63  }
0x3b: {  	s17 =	sshrl.u32 s19, $0x2;
	s19 =	smov.u32 s14;
	v0 =	vld.msk [tilespmem:s20+$0x0 ss:$0x1], $0xffff;
	s20 =	simm.s32 $0x80  }
.LBB2_3:
0x3c: {  	p1 =	sne.s32 s20, $0x2C0;
	_ =	sdelay $0x4  }
0x3d: {  	vm2 =	vgt.s32 v0, $0x0  }
0x3e: {  	v0 =	vnsel vm2, $0x0, v0  }
0x3f: {  	v0 =	vmin.u32 v0, $0x176F  }
0x40: {  	v0 =	vshll.u32 v0, $0x4;
	_ =	sdelay $0x3  }
.Ltmp3:
0x41: {  	s21 =	sshra.s32 s20, $0x2;
	s19 =	sadd.s32 $0x800, s19;
	(pc) =	sbr.rel @p1 .LBB2_3-.Ltmp3, $4  }
0x42: {  	[tilespmem:s19], [sflag:$0x1] =	stream.indirect_vreg.gather [hbm:s5], $0x80, v0, vm0, $0x38;
	[tilespmem:$0xC990] =	vst v63  }
0x43: {  	s21 =	sadd.s32 s21, s16;
	s22 =	sadd.s32 $0x400, s19  }
0x44: {  	[tilespmem:s22], [sflag:$0x1] =	stream.indirect_vreg.gather [hbm:s5], $0x80, v0, vm1, $0x38;
	[tilespmem:$0xC990] =	vst v63  }
0x45: {  	s20 =	sadd.s32 $0x40, s20;
	v0 =	vld.msk [tilespmem:s21+$0x0 ss:$0x1], $0xffff  }
0x46: {  	_ =	sdelay $0x3  }
0x47: {  	vm2 =	vgt.s32 v0, $0x0  }
0x48: {  	v0 =	vnsel vm2, $0x0, v0  }
0x49: {  	v0 =	vmin.u32 v0, $0x176F  }
0x4a: {  	v0 =	vshll.u32 v0, $0x4;
	_ =	sdelay $0x3  }
0x4b: {  	s16 =	sadd.s32 $0x800, s19  }
0x4c: {  	[tilespmem:s16], [sflag:$0x1] =	stream.indirect_vreg.gather [hbm:s5], $0x80, v0, vm0, $0x38;
	[tilespmem:$0xC990] =	vst v63  }
0x4d: {  	s16 =	sadd.s32 $0x400, s16  }
0x4e: {  	[tilespmem:s16], [sflag:$0x1] =	stream.indirect_vreg.gather [hbm:s5], $0x80, v0, vm1, $0x38;
	[tilespmem:$0xC990] =	vst v63  }
0x4f: {  	v0 =	vld.msk [tilespmem:s18+$0xC0 ss:$0x1], $0xff;
	_ =	sdelay $0x4  }
0x50: {  	vm2 =	vgt.s32 v0, $0x0  }
0x51: {  	v0 =	vnsel vm2, $0x0, v0  }
0x52: {  	v0 =	vmin.u32 v0, $0x176F  }
0x53: {  	v0 =	vshll.u32 v0, $0x4;
	_ =	sdelay $0x3  }
0x54: {  	s31 =	sadd.s32 $0x6190, s17  }
0x55: {  	[tilespmem:s31], [sflag:$0x1] =	stream.indirect_vreg.gather [hbm:s5], $0x80, v0, vm0, $0x38;
	[tilespmem:$0xC990] =	vst v63  }
0x56: {  	s13 =	sshll.u32 s13, $0x4;
	_ =	swait.ge [sflag:s6], $0x6400  }
0x57: {  	s13 =	sadd.s32 s13, s9;
	[sflag:s6] =	ssyncset.done $0x0  }
0x58: {  	s17 =	sadd.s32 $0x0, s13;
	s16 =	simm.s32 $0x80;
	[sflag:s6] =	ssyncadd.s32 $0xFFFF9C00  }
.LBB2_5:
0x59: {  	[hbm:s17] =	stream.linear.scatter [tilespmem:s14], [sflag:$0x3], $0x400, $0x38;
	[tilespmem:$0xC990] =	vst v63  }
0x5a: {  	s17 =	smov.u32 s16;
	s14 =	smov.u32 s15;
	p1 =	sne.s32 s16, $0xC00  }
.Ltmp4:
0x5b: {  	s16 =	sadd.s32 $0x80, s16;
	(pc) =	sbr.rel @p1 .LBB2_5-.Ltmp4, $2  }
0x5c: {  	_ =	sdelay $0x2  }
0x5d: {  	s15 =	sadd.s32 $0x400, s15;
	s17 =	sadd.s32 s17, s13  }
.Ltmp5:
0x5e: {  	_ = 	snop;
	(pc) =	sbr.rel .LBB2_6-.Ltmp5, $1  }
0x5f: {  	_ =	sdelay $0x3  }
.LBB2_8:
0x60: {  	_ =	sfence.sel $0x180000  }
0x61: {  	s1 =	simm.s32 $0x2;
	[bflag:$0x0] =	sbarrier.arrive $0xFFFF  }
0x62: {  	s30 =	simm.s32 $0x3;
	[sflag:s1] =	ssyncpa.u1 $0x1  }
0x63: {  	s31 =	simm.s32 $0x1;
	[sflag:s30] =	ssyncpa.u1 $0x1  }
0x64: {  	[sflag:s31] =	ssyncpa.u1 $0x1  }
0x65: {  	p0 =	sne.s32 s0, $0x0;
	_ =	strace $0x90000047  }
0x66: {  	s0 =	sadd.s32 @!p0 $0x100000, s2;
	[bflag:$0x2] =	sbarrier.arrive $0xFFFF  }
0x67: {  	[sflag:s0] =	ssyncadd.tile.s32 @!p0 $0x1;
	_ =	shalt  }
.Lfunc_end2:
_tile_overlayer_lowered:
.L_overlay_start_2:
0x68: {  	(tag) =	ssettag $0x2  }
0x69: {  	s0 =	rddreg [dreg:$0x0];
	s2 =	stileid.u32  }
0x6a: {  	s1 =	rddreg [dreg:$0x1];
	p0 =	sne.s32 s2, $0x0  }
0x6b: {  	s3 =	rddreg [dreg:$0x2];
	[bflag:$0x3] =	sbarrier.arrive $0xFFFF;
	s2 =	simm.s32 @!p0 $0x1C01  }
0x6c: {  	[timem:s3], [sflag:s2] =	dma.local @!p0 [hbm:s0], s1  }
0x6d: {  	s0 =	simm.s32 @!p0 $0x1  }
0x6e: {  	_ =	swait.ge @!p0 [sflag:s0], s1  }
0x6f: {  	s1 =	ssub.s32 @!p0 $0x0, s1;
	[sflag:s0] =	ssyncset.done @!p0 $0x0  }
0x70: {  	[sflag:s0] =	ssyncadd.s32 @!p0 s1  }
0x71: {  	[bflag:$0x3] =	sbarrier.arrive $0xFFFF  }
0x72: {  	_ =	shalt  }

// kernel: gather_offload_async_start
scs
__scs_entry_jumppad:
0x0: {  	(pc) =	sbr.rel $0x88, $3  }
0x1: {  	(tag) =	ssettag $0x0;
	lr =	simm.s32 $0x1  }
0x2: {  	[smem:$0x3F85] =	sst lr;
	_ =	strace $0xD0000000  }
0x3: {  	_ = 	snop  }
0x4: {  	_ = 	snop  }
0x5: {  	_ = 	snop  }
0x6: {  	_ = 	snop  }
0x7: {  	_ = 	snop  }
__scs_overlays_trampoline_lowered:
0x8: {  	[smem:$0x3F94] =	sst s0  }
0x9: {  	[smem:$0x3F95] =	sst s1  }
0xa: {  	[smem:$0x3F96] =	sst s2  }
0xb: {  	[smem:$0x3F97] =	sst s3  }
0xc: {  	[smem:$0x3F98] =	sst s4  }
0xd: {  	[smem:$0x3F99] =	sst s5  }
0xe: {  	[smem:$0x3F9A] =	sst s6  }
0xf: {  	[smem:$0x3F9B] =	sst s7  }
0x10: {  	[smem:$0x3F9C] =	sst s8  }
0x11: {  	[smem:$0x3F9D] =	sst s9;
	s0 =	simm.s32 @!p0 $0x0  }
0x12: {  	s1 =	sld [smem:$0x3F83];
	s0 =	simm.s32 @p0 $0x1  }
0x13: {  	[smem:$0x3F9E] =	sst s0;
	s0 =	simm.s32 @!p1 $0x0  }
0x14: {  	s2 =	sld [smem:$0x3F82];
	s0 =	simm.s32 @p1 $0x1  }
0x15: {  	[smem:$0x3F9F] =	sst s0;
	s0 =	simm.s32 @!p2 $0x0  }
0x16: {  	s3 =	sld [smem:$0x3FDB];
	s0 =	simm.s32 @p2 $0x1  }
0x17: {  	s4 =	simm.s32 $0x1BF5;
	[smem:$0x3FA1] =	sst s0  }
0x18: {  	s0 =	sld [smem:$0x3F84];
	_ =	swait.ge [sflag:s4], $0x0  }
0x19: {  	s7 =	sld [smem:$0x3F85]  }
0x1a: {  	s8 =	sadd.s32 $0xFFFFE003, lr  }
0x1b: {  	s9 =	sadd.s32 $0xFFFFFEF7, lr;
	s5 =	simm.s32 $0xFFFFFFFF;
	p2 =	slt.u32 s8, $0xFFFFF086  }
0x1c: {  	p1 =	slt.u32 s9, $0xF7A;
	s5 =	simm.s32 @!p2 $0x0  }
0x1d: {  	s5 =	simm.s32 @p1 $0x1;
	p0 =	seq.s32 s7, s2  }
0x1e: {  	s7 =	smul.u32 @!p0 $0xF7A, s2;
	p2 =	seq.s32 @!p0 s5, $0x0  }
0x1f: {  	s9 =	smul.u32 $0xF7A, s1;
	s8 =	simm.s32 @!p0 $0x1BF5;
	p2 =	por !p2, p0  }
0x20: {  	[sflag:s8] =	ssyncset.s32 @!p0 $0xFFFFF086;
	s6 =	sadd.s32 @!p0 s3, s7;
	s7 =	simm.s32 @!p0 $0x108  }
0x21: {  	s3 =	sadd.s32 s3, s9;
	s6 =	sadd.s32 @!p0 $0x88, s6;
	s7 =	simm.s32 @p2 $0x1082  }
0x22: {  	[simem:s7], [sflag:s8] =	dma.local @!p0 [hbm:s6], $0xF7A  }
0x23: {  	s9 =	sor.u32 $0xD0000000, s2;
	s6 =	simm.s32 $0x108;
	_ =	swait.ge @!p0 [sflag:s8], $0x0  }
0x24: {  	s3 =	sadd.s32 $0x88, s3;
	s6 =	simm.s32 @!p1 $0x1082;
	[sflag:s4] =	ssyncset.s32 $0xFFFFF086  }
0x25: {  	[simem:s6], [sflag:s4] =	dma.local [hbm:s3], $0xF7A  }
0x26: {  	[smem:$0x3F85] =	sst s1;
	(tag) =	ssettag s2;
	_ =	strace s9  }
0x27: {  	s1 =	sld [smem:$0x3F95]  }
0x28: {  	s2 =	sld [smem:$0x3F96]  }
0x29: {  	s4 =	sld [smem:$0x3F98]  }
0x2a: {  	p0 =	seq.s32 s5, $0x0;
	s5 =	sld [smem:$0x3F99]  }
0x2b: {  	s6 =	sld [smem:$0x3F9A]  }
0x2c: {  	s7 =	sld [smem:$0x3F9B]  }
0x2d: {  	s3 =	simm.s32 $0x108;
	s8 =	sld [smem:$0x3F9C]  }
0x2e: {  	s3 =	simm.s32 @!p0 $0x1082;
	s9 =	sld [smem:$0x3F9D]  }
0x2f: {  	lr =	sadd.s32 s0, s3;
	s0 =	sld [smem:$0x3F94]  }
0x30: {  	s3 =	sld [smem:$0x3F97]  }
0x31: {  	[smem:$0x3FA0] =	sst s10  }
0x32: {  	s10 =	sld [smem:$0x3F9E];
	_ =	sdelay $0x3  }
0x33: {  	p0 =	seq.s32 s10, $0x1;
	s10 =	sld [smem:$0x3FA0];
	_ =	sdelay $0x3  }
0x34: {  	[smem:$0x3FA0] =	sst s10  }
0x35: {  	s10 =	sld [smem:$0x3F9F];
	_ =	sdelay $0x3  }
0x36: {  	p1 =	seq.s32 s10, $0x1;
	s10 =	sld [smem:$0x3FA0];
	_ =	sdelay $0x3  }
0x37: {  	[smem:$0x3FA0] =	sst s10  }
0x38: {  	s10 =	sld [smem:$0x3FA1]  }
0x39: {  	_ = 	snop;
	(pc) =	sbr.ind lr, $3  }
0x3a: {  	_ = 	snop  }
0x3b: {  	_ = 	snop  }
0x3c: {  	p2 =	seq.s32 s10, $0x1;
	s10 =	sld [smem:$0x3FA0]  }
0x3d: {  	_ =	shalt  }
0x3e: {  	_ =	shalt  }
0x3f: {  	_ =	shalt  }
0x40: {  	_ =	shalt  }
0x41: {  	_ =	shalt  }
0x42: {  	_ =	shalt  }
0x43: {  	_ =	shalt  }
0x44: {  	_ =	shalt  }
0x45: {  	_ =	shalt  }
0x46: {  	_ =	shalt  }
0x47: {  	_ =	shalt  }
0x48: {  	_ =	shalt  }
0x49: {  	_ =	shalt  }
0x4a: {  	_ =	shalt  }
0x4b: {  	_ =	shalt  }
0x4c: {  	_ =	shalt  }
0x4d: {  	_ =	shalt  }
0x4e: {  	_ =	shalt  }
0x4f: {  	_ =	shalt  }
0x50: {  	_ =	shalt  }
0x51: {  	_ =	shalt  }
0x52: {  	_ =	shalt  }
0x53: {  	_ =	shalt  }
0x54: {  	_ =	shalt  }
0x55: {  	_ =	shalt  }
0x56: {  	_ =	shalt  }
0x57: {  	_ =	shalt  }
0x58: {  	_ =	shalt  }
0x59: {  	_ =	shalt  }
0x5a: {  	_ =	shalt  }
0x5b: {  	_ =	shalt  }
0x5c: {  	_ =	shalt  }
0x5d: {  	_ =	shalt  }
0x5e: {  	_ =	shalt  }
0x5f: {  	_ =	shalt  }
0x60: {  	_ =	shalt  }
0x61: {  	_ =	shalt  }
0x62: {  	_ =	shalt  }
0x63: {  	_ =	shalt  }
0x64: {  	_ =	shalt  }
0x65: {  	_ =	shalt  }
0x66: {  	_ =	shalt  }
0x67: {  	_ =	shalt  }
0x68: {  	_ =	shalt  }
0x69: {  	_ =	shalt  }
0x6a: {  	_ =	shalt  }
0x6b: {  	_ =	shalt  }
0x6c: {  	_ =	shalt  }
0x6d: {  	_ =	shalt  }
0x6e: {  	_ =	shalt  }
0x6f: {  	_ =	shalt  }
0x70: {  	_ =	shalt  }
0x71: {  	_ =	shalt  }
0x72: {  	_ =	shalt  }
0x73: {  	_ =	shalt  }
0x74: {  	_ =	shalt  }
0x75: {  	_ =	shalt  }
0x76: {  	_ =	shalt  }
0x77: {  	_ =	shalt  }
0x78: {  	_ =	shalt  }
0x79: {  	_ =	shalt  }
0x7a: {  	_ =	shalt  }
0x7b: {  	_ =	shalt  }
0x7c: {  	_ =	shalt  }
0x7d: {  	_ =	shalt  }
0x7e: {  	_ =	shalt  }
0x7f: {  	_ =	shalt  }
0x80: {  	_ =	shalt  }
0x81: {  	_ =	shalt  }
0x82: {  	_ =	shalt  }
0x83: {  	_ =	shalt  }
0x84: {  	_ =	shalt  }
0x85: {  	_ =	shalt  }
0x86: {  	_ =	shalt  }
0x87: {  	_ =	shalt  }
.Lfunc_end0:
.L_simem_size_0:
called_computation.3_lowered:
.L_overlay_start_0:
0x88: {  	s2 =	sld [smem:$0x3FD9]  }
0x89: {  	s3 =	sld [smem:$0x3FFE];
	_ =	sdelay $0x1  }
0x8a: {  	s1 =	srdreg.scid  }
0x8b: {  	s0 =	sand.u32 $0x1, s1  }
0x8c: {  	s16 =	sshll.u32 s0, $0xA;
	s2 =	sadd.s32 s3, s2  }
0x8d: {  	s2 =	sadd.s32 s2, s16  }
0x8e: {  	[smem:$0x3FAC] =	sst s2  }
0x8f: {  	_ = 	snop  }
0x90: {  	(tm) =	ssettm $0x1  }
0x91: {  	s17 =	sld [smem:$0x3FFB];
	_ =	sdelay $0x3  }
0x92: {  	_ =	strace s17  }
0x93: {  	s2 =	sld [smem:$0x3FFC];
	_ =	sdelay $0x3  }
0x94: {  	_ =	strace s2  }
0x95: {  	s2 =	sld [smem:$0x3FFD];
	_ =	sdelay $0x3  }
0x96: {  	_ =	strace s2  }
0x97: {  	_ =	strace $0x8FFFFFFF  }
0x98: {  	s18 =	sld [smem:$0x3FDB];
	_ =	sdelay $0x1  }
0x99: {  	s19 =	simm.s32 $_scs_section_size  }
0x9a: {  	s4 =	simm.s32 $_size__tile_overlayer_lowered;
	s5 =	simm.s32 $_tile_overlayer_lowered  }
0x9b: {  	s22 =	simm.s32 $0x1BFF;
	s21 =	sshll.u32 s5, $0x1;
	s2 =	sadd.s32 s19, s18  }
0x9c: {  	s6 =	simm.s32 $0x0;
	s20 =	sshll.u32 s4, $0x1;
	s4 =	sadd.s32 s21, s2  }
0x9d: {  	[timem:s6], [sflag:s22] =	dma.local [hbm:s4], s20  }
0x9e: {  	_ =	swait.ge [sflag:s22], s20  }
0x9f: {  	s3 =	ssub.s32 $0x0, s20;
	[sflag:s22] =	ssyncset.done $0x0  }
0xa0: {  	[sflag:s22] =	ssyncadd.s32 s3;
	_ =	sdelay $0x1  }
0xa1: {  	s23 =	simm.s32 $0x1B8B  }
0xa2: {  	_ =	swait.ge [sflag:s23], $0x1  }
0xa3: {  	[sflag:s23] =	ssyncset.done $0x0  }
0xa4: {  	s25 =	simm.s32 $0x1B8E;
	s24 =	sld [smem:$0x3FFE];
	[sflag:s23] =	ssyncadd.s32 $0xFFFFFFFF  }
0xa5: {  	s26 =	simm.s32 $execute0_lowered;
	[smem:$0x3FD2] =	sst s25  }
0xa6: {  	s4 =	sshll.u32 s26, $0x1;
	_ =	strace $0x80000052;
	[dreg:$0x1] =	wrdreg $0xFFFFFFFF  }
0xa7: {  	s28 =	simm.s32 $_size_execute0_lowered;
	s2 =	sadd.s32 s2, s4;
	[dreg:$0x0] =	wrdreg $0x0  }
0xa8: {  	s4 =	sshll.u32 s28, $0x1;
	[dreg:$0x2] =	wrdreg s2  }
0xa9: {  	[dreg:$0x3] =	wrdreg s4  }
0xaa: {  	[dreg:$0x4] =	wrdreg $0xC0  }
0xab: {  	_ =	task [dreg:s6], $0x5FFFF  }
0xac: {  	[dreg:$0x1] =	wrdreg $0xFFFFFFFF  }
0xad: {  	[dreg:$0x0] =	wrdreg $0x60  }
0xae: {  	[dreg:$0x2] =	wrdreg s24  }
0xaf: {  	[dreg:$0x3] =	wrdreg $0x9  }
0xb0: {  	_ =	task.clear_ibuf [dreg:s6], $0x4FFFF;
	_ =	strace $0x90000052  }
0xb1: {  	s29 =	simm.s32 $0x9;
	_ =	strace $0x80000054  }
0xb2: {  	_ =	swait.ge [sflag:s29], $0x1  }
0xb3: {  	[sflag:s29] =	ssyncadd.s32 $0xFFFFFFFF  }
0xb4: {  	_ =	strace $0x90000054  }
0xb5: {  	_ =	sfence  }
0xb6: {  	s30 =	sld [smem:$0x0];
	_ =	sdelay $0x2  }
0xb7: {  	s31 =	sshll.u32 s1, $0xD;
	s1 =	sshrl.u32 s1, $0x2  }
0xb8: {  	s3 =	sand.u32 $0x4000, s31;
	s1 =	sadd.s32 s1, s30  }
0xb9: {  	s0 =	sor.u32 s3, s0;
	s1 =	sshll.u32 s1, $0x11  }
0xba: {  	s0 =	sor.u32 s1, s0  }
0xbb: {  	s0 =	sadd.s32 $0x8F2B, s0  }
0xbc: {  	[sflag:s0] =	ssyncadd.remote.s32 $0x1  }
0xbd: {  	_ =	sfence.sel $0xFFFF  }
0xbe: {  	[dreg:$0x0] =	wrdreg $0xFFFFFFFF;
	(pc) =	sbr.abs _section_cstart, $3  }
0xbf: {  	[dreg:$0x1] =	wrdreg $0xFFFFFFFF  }
0xc0: {  	_ =	task.clear_ibuf [dreg:s6], $0x2FFFF;
	_ =	strace $0x9FFFFFFF  }
0xc1: {  	(tm) =	ssettm $0x7FFFFFFF  }
tec
execute0_lowered:
.L_overlay_start_1:
0x0: {  	(tag) =	ssettag $0x1  }
0x1: {  	s0 =	srdreg.scid;
	s5 =	rddreg [dreg:$0x0]  }
0x2: {  	s1 =	stileid.u32;
	s6 =	simm.s32 $0x1;
	s9 =	simm.s32 $0x1  }
0x3: {  	s10 =	simm.s32 $0x3;
	s13 =	simm.s32 $0x0;
	s2 =	sshll.u32 s0, $0x9  }
0x4: {  	s12 =	simm.s32 $0x0;
	s3 =	sshll.u32 s1, $0xA;
	s2 =	sand.u32 $0x200, s2  }
0x5: {  	s0 =	rddreg [dreg:$0x1];
	_ =	strace $0x80000053;
	s2 =	sor.u32 s3, s2  }
0x6: {  	s4 =	sadd.s32 $0x7EDA00, s5;
	[sflag:s6] =	ssyncpa.u1 $0x0;
	s8 =	ssub.s32 $0x8000, s2  }
.Ltmp0:
0x7: {  	s3 =	sadd.s32 $0x7F2000, s5;
	s7 =	sand.u32 $0x3E00, s8;
	(pc) =	sbr.rel .LBB2_1-.Ltmp0, $4  }
0x8: {  	s5 =	sadd.s32 $0x7EEA00, s5;
	s11 =	smov.u32 s2;
	p0 =	sne.s32 s7, $0x0  }
0x9: {  	s8 =	sshrl.u32 s8, $0xE;
	s7 =	simm.s32 $0x2;
	s9 =	simm.s32 @!p0 $0x0  }
0xa: {  	[sflag:s7] =	ssyncpa.u1 $0x0;
	p0 =	por $0x0, $0x0;
	s8 =	sadd.s32 s9, s8  }
0xb: {  	vm0 =	vmmov $0xffff;
	[sflag:s10] =	ssyncpa.u1 $0x0;
	s10 =	simm.s32 $0x0;
	s9 =	sadd.s32 $0x1, s8  }
.LBB2_4:
0xc: {  	vm1 =	veq.s32 v4, $0x80000000;
	v56 =	vand.u32 $0xFF, v4;
	v6 =	vand.u32 $0x1FFF, v6  }
0xd: {  	v2 =	vor.u32 v2, v5;
	v59 =	vshrl.u32 v1, $0x8;
	v60 =	vand.u32 $0xFF, v1  }
0xe: {  	v4 =	vsel vm1, $0xFFFFFFFF, v56;
	v6 =	vsel vm1, $0xFFFFFFFF, v6;
	v2 =	vor.u32 v3, v2  }
0xf: {  	vm1 =	veq.s32 v1, $0x80000000;
	v5 =	vand.u32 $0x1FFF, v59;
	v7 =	vshrl.u32 v4, $0x3  }
0x10: {  	v57 =	vshll.u32 v6, $0x3;
	v4 =	vshll.u32 v4, $0x7;
	v1 =	vsel vm1, $0xFFFFFFFF, v60  }
0x11: {  	v5 =	vsel vm1, $0xFFFFFFFF, v5;
	v6 =	vand.u32 $0x7F, v6;
	v7 =	vmul.u32 $0xA000, v7  }
0x12: {  	v58 =	vand.u32 $0xFFFFFC00, v57;
	v4 =	vand.u32 $0x380, v4;
	v61 =	vshrl.u32 v1, $0x3  }
0x13: {  	v62 =	vshll.u32 v5, $0x3;
	v3 =	vadd.s32 v7, v58;
	v7 =	vmul.u32 $0xA000, v61  }
0x14: {  	v1 =	vshll.u32 v1, $0x7;
	v3 =	vor.u32 v4, v3;
	v4 =	vand.u32 $0xFFFFFC00, v62  }
0x15: {  	v1 =	vand.u32 $0x380, v1;
	v3 =	vor.u32 v6, v3;
	v4 =	vadd.s32 v7, v4  }
0x16: {  	[tilespmem:s16], [sflag:$0x1] =	stream.indirect_vreg.gather [hbm4b:s3+s10], $0x1, v0, vm0, $0x4038;
	v63 =	vand.u32 $0x7F, v5;
	v1 =	vor.u32 v1, v4;
	[tilespmem:$0x800] =	vst v63  }
0x17: {  	s15 =	sadd.s32 $0x10, s15;
	(ifvalue) =	ssetifvalue $0x7FFFFFFF;
	v0 =	vor.u32 v63, v1  }
0x18: {  	[tilespmem:s15], [sflag:$0x1] =	stream.indirect_vreg.gather [hbm4b:s3+s10], $0x1, v2, vm0, $0x4038;
	[tilespmem:$0x800] =	vst v63  }
0x19: {  	s15 =	sadd.s32 $0x10, s15;
	(ifvalue) =	ssetifvalue $0x7FFFFFFF  }
0x1a: {  	[tilespmem:s15], [sflag:$0x1] =	stream.indirect_vreg.gather [hbm4b:s3+s10], $0x1, v3, vm0, $0x4038;
	[tilespmem:$0x800] =	vst v63  }
0x1b: {  	s15 =	sadd.s32 $0x10, s15;
	(ifvalue) =	ssetifvalue $0x7FFFFFFF  }
0x1c: {  	[tilespmem:s15], [sflag:$0x1] =	stream.indirect_vreg.gather [hbm4b:s3+s10], $0x1, v0, vm0, $0x4038;
	[tilespmem:$0x800] =	vst v63  }
0x1d: {  	_ =	swait.ge [sflag:s6], $0x200  }
0x1e: {  	s30 =	sshrl.u32 s13, $0x3;
	[sflag:s6] =	ssyncset.done $0x0  }
0x1f: {  	s31 =	sand.u32 $0x7, s13;
	s15 =	sadd.s32 s5, s30;
	[sflag:s6] =	ssyncadd.s32 $0xFFFFFE00  }
0x20: {  	[hbm4b:s15+s31] =	stream.linear.scatter [tilespmem:s14], [sflag:$0x3], $0x200, $0x38;
	[tilespmem:$0x800] =	vst v63  }
.LBB2_5:
0x21: {  	s15 =	sadd.s32 $0x4000, s11  }
0x22: {  	p2 =	sgt.s32 s15, $0x7FFF  }
0x23: {  	s15 =	smov.u32 @p2 s2;
	p2 =	sne.s32 s12, s9  }
.Ltmp1:
0x24: {  	p1 =	slt.u32 s12, $0x2;
	(pc) =	sbr.rel @!p2 .LBB2_6-.Ltmp1, $4  }
0x25: {  	s14 =	simm.s32 @!p1 $0x3  }
0x26: {  	s16 =	sadd.s32 $0x1, s12;
	_ =	swait.ge @!p1 [sflag:s14], $0x200  }
0x27: {  	s13 =	smov.u32 s11;
	p0 =	por !p0, !p0;
	[sflag:s14] =	ssyncset.done @!p1 $0x0  }
0x28: {  	s12 =	smov.u32 s16;
	s11 =	smov.u32 s15;
	[sflag:s14] =	ssyncadd.s32 @!p1 $0xFFFFFE00  }
.LBB2_1:
0x29: {  	p1 =	sge.u32 s12, s8  }
0x2a: {  	s14 =	sxor.u32 @!p1 $0xFFFFFFFF, s12  }
0x2b: {  	s31 =	sadd.s32 $0xFFFFFFFF, s12;
	s15 =	sshrl.u32 @!p1 s11, $0x3;
	s14 =	sshll.u32 @!p1 s14, $0x9  }
0x2c: {  	s16 =	sand.u32 @!p1 $0x7, s11;
	s15 =	sadd.s32 @!p1 s4, s15;
	s14 =	sand.u32 @!p1 $0x200, s14  }
0x2d: {  	[tilespmem:s14], [sflag:$0x2] =	stream.linear.gather @!p1 [hbm4b:s15+s16], $0x200, $0x38;
	[tilespmem:$0x800] =	vst v63  }
0x2e: {  	p1 =	sge.u32 s31, s8  }
.Ltmp2:
0x2f: {  	_ = 	snop;
	(pc) =	sbr.rel @p1 .LBB2_5-.Ltmp2, $1  }
0x30: {  	_ =	sdelay $0x3  }
0x31: {  	s14 =	simm.s32 $0x1  }
0x32: {  	_ =	swait.ge [sflag:s7], $0x200;
	s14 =	simm.s32 @!p0 $0x0  }
0x33: {  	[sflag:s7] =	ssyncset.done $0x0;
	s14 =	sshll.u32 s14, $0x9  }
0x34: {  	[sflag:s7] =	ssyncadd.s32 $0xFFFFFE00;
	(ifvalue) =	ssetifvalue $0x7FFFFFFF;
	v0 =	vld.msk [tilespmem:s14+$0x0 ss:$0x1], $0xffff  }
0x35: {  	s15 =	sadd.s32 $0x10, s14  }
0x36: {  	v1 =	vld.msk [tilespmem:s15+$0x0 ss:$0x1], $0xffff;
	_ =	sdelay $0x2  }
0x37: {  	v2 =	vshrl.u32 v0, $0x8  }
0x38: {  	vm1 =	veq.s32 v0, $0x80000000;
	v0 =	vand.u32 $0xFF, v0;
	v2 =	vand.u32 $0x1FFF, v2  }
0x39: {  	v0 =	vsel vm1, $0xFFFFFFFF, v0;
	v6 =	vshrl.u32 v1, $0x8;
	v2 =	vsel vm1, $0xFFFFFFFF, v2  }
0x3a: {  	v3 =	vshrl.u32 v0, $0x3;
	v0 =	vshll.u32 v0, $0x7;
	vm1 =	veq.s32 v1, $0x80000000  }
0x3b: {  	s15 =	sadd.s32 $0x10, s15;
	v1 =	vand.u32 $0xFF, v1;
	v4 =	vshll.u32 v2, $0x3;
	v3 =	vmul.u32 $0xA000, v3  }
0x3c: {  	v0 =	vand.u32 $0x380, v0;
	v7 =	vand.u32 $0x7F, v2;
	v5 =	vand.u32 $0xFFFFFC00, v4;
	v4 =	vld.msk [tilespmem:s15+$0x0 ss:$0x1], $0xffff  }
0x3d: {  	v1 =	vsel vm1, $0xFFFFFFFF, v1;
	v2 =	vadd.s32 v3, v5;
	v3 =	vand.u32 $0x1FFF, v6  }
0x3e: {  	v3 =	vsel vm1, $0xFFFFFFFF, v3;
	v0 =	vor.u32 v0, v2;
	v2 =	vshrl.u32 v1, $0x3  }
0x3f: {  	s16 =	sshll.u32 s12, $0x9;
	s18 =	simm.s32 $0x30;
	v1 =	vshll.u32 v1, $0x7;
	v5 =	vshll.u32 v3, $0x3;
	v8 =	vmul.u32 $0xA000, v2  }
0x40: {  	s31 =	sand.u32 $0x200, s16;
	s17 =	sadd.s32 $0x10, s15;
	s15 =	sor.u32 $0x400, s14;
	v2 =	vand.u32 $0x380, v1;
	v0 =	vor.u32 v7, v0;
	v5 =	vand.u32 $0xFFFFFC00, v5  }
0x41: {  	s14 =	sor.u32 $0x400, s31;
	s16 =	smov.u32 s15;
	v1 =	vld.msk [tilespmem:s17+$0x0 ss:$0x1], $0xffff;
	v3 =	vand.u32 $0x7F, v3;
	(ifvalue) =	ssetifvalue $0x7FFFFFFF;
	v6 =	vshrl.u32 v4, $0x8;
	v5 =	vadd.s32 v8, v5  }
.LBB2_3:
0x42: {  	s18 =	sadd.s32 $0x10, s18  }
0x43: {  	vm1 =	veq.s32 v4, $0x80000000;
	v4 =	vand.u32 $0xFF, v4;
	v6 =	vand.u32 $0x1FFF, v6;
	s15 =	sadd.s32 $0x10, s15;
	p1 =	slt.u32 s18, $0x1F0  }
.Ltmp3:
0x44: {  	v5 =	vor.u32 v2, v5;
	v4 =	vsel vm1, $0xFFFFFFFF, v4;
	v7 =	vsel vm1, $0xFFFFFFFF, v6;
	(pc) =	sbr.rel @p1 .LBB2_3-.Ltmp3, $4  }
0x45: {  	v2 =	vshrl.u32 v4, $0x3;
	v6 =	vshll.u32 v7, $0x3;
	v4 =	vshll.u32 v4, $0x7;
	[tilespmem:s16], [sflag:$0x1] =	stream.indirect_vreg.gather [hbm4b:s3+s10], $0x1, v0, vm0, $0x4038;
	[tilespmem:$0x800] =	vst v63  }
0x46: {  	v0 =	vor.u32 v3, v5;
	s16 =	smov.u32 s15;
	v8 =	vmul.u32 $0xA000, v2;
	v2 =	vand.u32 $0x380, v4  }
0x47: {  	s17 =	sadd.s32 $0x10, s17;
	v9 =	vand.u32 $0xFFFFFC00, v6  }
0x48: {  	v3 =	vand.u32 $0x7F, v7;
	v6 =	vshrl.u32 v1, $0x8;
	v5 =	vadd.s32 v8, v9;
	(ifvalue) =	ssetifvalue $0x7FFFFFFF;
	v4 =	vmovc v1;
	v1 =	vld.msk [tilespmem:s17+$0x0 ss:$0x1], $0xffff  }
.Ltmp4:
0x49: {  	_ = 	snop;
	(pc) =	sbr.rel .LBB2_4-.Ltmp4, $1  }
0x4a: {  	_ =	sdelay $0x3  }
.LBB2_6:
0x4b: {  	_ =	sfence.sel $0x180000  }
0x4c: {  	s2 =	simm.s32 $0x2;
	[bflag:$0x0] =	sbarrier.arrive $0xFFFF  }
0x4d: {  	s30 =	simm.s32 $0x3;
	[sflag:s2] =	ssyncpa.u1 $0x1  }
0x4e: {  	s31 =	simm.s32 $0x1;
	[sflag:s30] =	ssyncpa.u1 $0x1  }
0x4f: {  	[sflag:s31] =	ssyncpa.u1 $0x1  }
0x50: {  	p0 =	sne.s32 s1, $0x0;
	_ =	strace $0x90000053  }
0x51: {  	s0 =	sadd.s32 @!p0 $0x100000, s0;
	[bflag:$0x2] =	sbarrier.arrive $0xFFFF  }
0x52: {  	[sflag:s0] =	ssyncadd.tile.s32 @!p0 $0x1;
	_ =	shalt  }
.Lfunc_end2:
_tile_overlayer_lowered:
.L_overlay_start_2:
0x53: {  	(tag) =	ssettag $0x2  }
0x54: {  	s0 =	rddreg [dreg:$0x0];
	s2 =	stileid.u32  }
0x55: {  	s1 =	rddreg [dreg:$0x1];
	p0 =	sne.s32 s2, $0x0  }
0x56: {  	s3 =	rddreg [dreg:$0x2];
	[bflag:$0x3] =	sbarrier.arrive $0xFFFF;
	s2 =	simm.s32 @!p0 $0x1C01  }
0x57: {  	[timem:s3], [sflag:s2] =	dma.local @!p0 [hbm:s0], s1  }
0x58: {  	s0 =	simm.s32 @!p0 $0x1  }
0x59: {  	_ =	swait.ge @!p0 [sflag:s0], s1  }
0x5a: {  	s1 =	ssub.s32 @!p0 $0x0, s1;
	[sflag:s0] =	ssyncset.done @!p0 $0x0  }
0x5b: {  	[sflag:s0] =	ssyncadd.s32 @!p0 s1  }
0x5c: {  	[bflag:$0x3] =	sbarrier.arrive $0xFFFF  }
0x5d: {  	_ =	shalt  }

// kernel: sparse-core-data-format-call.1.cloned.1.call-start
scs
called_computation.1_lowered:
.L_overlay_start_0:
0x0: {  	s1 =	sld [smem:$0x3FD9]  }
0x1: {  	s2 =	sld [smem:$0x3FFE];
	_ =	sdelay $0x1  }
0x2: {  	s3 =	srdreg.scid  }
0x3: {  	s0 =	sand.u32 $0x1, s3  }
0x4: {  	s17 =	sshll.u32 s0, $0xA;
	s1 =	sadd.s32 s2, s1  }
0x5: {  	s1 =	sadd.s32 s1, s17  }
0x6: {  	[smem:$0x3FAC] =	sst s1  }
0x7: {  	_ = 	snop  }
0x8: {  	(tm) =	ssettm $0x1  }
0x9: {  	s18 =	sld [smem:$0x3FFB];
	_ =	sdelay $0x3  }
0xa: {  	_ =	strace s18  }
0xb: {  	s1 =	sld [smem:$0x3FFC];
	_ =	sdelay $0x3  }
0xc: {  	_ =	strace s1  }
0xd: {  	s1 =	sld [smem:$0x3FFD];
	_ =	sdelay $0x3  }
0xe: {  	_ =	strace s1  }
0xf: {  	_ =	strace $0x8FFFFFFF  }
0x10: {  	s19 =	sld [smem:$0x3FDB];
	_ =	sdelay $0x1  }
0x11: {  	s20 =	simm.s32 $_scs_section_size  }
0x12: {  	s4 =	simm.s32 $_size__tile_overlayer_lowered;
	s5 =	simm.s32 $_tile_overlayer_lowered  }
0x13: {  	s23 =	simm.s32 $0x1BFF;
	s22 =	sshll.u32 s5, $0x1;
	s1 =	sadd.s32 s20, s19  }
0x14: {  	s6 =	simm.s32 $0x0;
	s21 =	sshll.u32 s4, $0x1;
	s4 =	sadd.s32 s22, s1  }
0x15: {  	[timem:s6], [sflag:s23] =	dma.local [hbm:s4], s21  }
0x16: {  	_ =	swait.ge [sflag:s23], s21  }
0x17: {  	s2 =	ssub.s32 $0x0, s21;
	[sflag:s23] =	ssyncset.done $0x0  }
0x18: {  	[sflag:s23] =	ssyncadd.s32 s2;
	_ =	sdelay $0x1  }
0x19: {  	s24 =	simm.s32 $0x1B8B  }
0x1a: {  	_ =	swait.ge [sflag:s24], $0x1  }
0x1b: {  	[sflag:s24] =	ssyncset.done $0x0  }
0x1c: {  	s26 =	simm.s32 $0x1B8E;
	s25 =	sld [smem:$0x3FFE];
	[sflag:s24] =	ssyncadd.s32 $0xFFFFFFFF  }
0x1d: {  	s27 =	simm.s32 $execute0_lowered;
	[smem:$0x3FD2] =	sst s26  }
0x1e: {  	s4 =	sshll.u32 s27, $0x1;
	_ =	strace $0x8000004C;
	[dreg:$0x1] =	wrdreg $0xFFFFFFFF  }
0x1f: {  	s28 =	simm.s32 $_size_execute0_lowered;
	s1 =	sadd.s32 s1, s4;
	[dreg:$0x0] =	wrdreg $0x0  }
0x20: {  	s4 =	sshll.u32 s28, $0x1;
	[dreg:$0x2] =	wrdreg s1  }
0x21: {  	[dreg:$0x3] =	wrdreg s4  }
0x22: {  	[dreg:$0x4] =	wrdreg $0xC0  }
0x23: {  	_ =	task [dreg:s6], $0x5FFFF  }
0x24: {  	[dreg:$0x1] =	wrdreg $0xFFFFFFFF  }
0x25: {  	[dreg:$0x0] =	wrdreg $0x60  }
0x26: {  	[dreg:$0x2] =	wrdreg s25  }
0x27: {  	[dreg:$0x3] =	wrdreg $0x9  }
0x28: {  	_ =	task.clear_ibuf [dreg:s6], $0x4FFFF;
	_ =	strace $0x9000004C  }
0x29: {  	s29 =	simm.s32 $0x9;
	_ =	strace $0x8000004E  }
0x2a: {  	_ =	swait.ge [sflag:s29], $0x1  }
0x2b: {  	[sflag:s29] =	ssyncadd.s32 $0xFFFFFFFF  }
0x2c: {  	_ =	strace $0x9000004E  }
0x2d: {  	_ =	sfence  }
0x2e: {  	s30 =	sld [smem:$0x0];
	_ =	sdelay $0x2  }
0x2f: {  	s31 =	sshll.u32 s3, $0xD;
	s3 =	sshrl.u32 s3, $0x2  }
0x30: {  	s2 =	sand.u32 $0x4000, s31;
	s1 =	sadd.s32 s3, s30  }
0x31: {  	s0 =	sor.u32 s2, s0;
	s1 =	sshll.u32 s1, $0x11  }
0x32: {  	s0 =	sor.u32 s1, s0  }
0x33: {  	s0 =	sadd.s32 $0x8F2B, s0  }
0x34: {  	[sflag:s0] =	ssyncadd.remote.s32 $0x1  }
0x35: {  	_ =	sfence.sel $0xFFFF  }
0x36: {  	[dreg:$0x0] =	wrdreg $0xFFFFFFFF;
	(pc) =	sbr.abs _section_cstart, $3  }
0x37: {  	[dreg:$0x1] =	wrdreg $0xFFFFFFFF  }
0x38: {  	_ =	task.clear_ibuf [dreg:s6], $0x2FFFF;
	_ =	strace $0x9FFFFFFF  }
0x39: {  	(tm) =	ssettm $0x7FFFFFFF  }
tec
execute0_lowered:
.L_overlay_start_1:
0x0: {  	(tag) =	ssettag $0x1  }
0x1: {  	s0 =	srdreg.scid  }
0x2: {  	s6 =	rddreg [dreg:$0x0];
	s3 =	simm.s32 $0x1;
	s7 =	simm.s32 $0x2  }
0x3: {  	s15 =	simm.s32 $0x0;
	s8 =	simm.s32 $0xA000;
	s1 =	sshll.u32 s0, $0x4  }
0x4: {  	s9 =	simm.s32 $0x0;
	s0 =	stileid.u32;
	s1 =	sand.u32 $0x10, s1  }
0x5: {  	s14 =	simm.s32 $0x0;
	s16 =	simm.s32 $0x0;
	s2 =	sor.u32 s0, s1  }
.Ltmp0:
0x6: {  	s10 =	simm.s32 $0x0;
	s4 =	ssub.s32 $0x4E, s2;
	(pc) =	sbr.rel .LBB1_1-.Ltmp0, $4  }
0x7: {  	s12 =	simm.s32 $0x0;
	s13 =	simm.s32 $0x0;
	s4 =	sshrl.u32 s4, $0x5  }
0x8: {  	s1 =	rddreg [dreg:$0x1];
	_ =	strace $0x8000004D;
	s4 =	smul.u32 $0x28, s4  }
0x9: {  	s5 =	sadd.s32 $0x33400, s6;
	s6 =	sadd.s32 $0x3F3400, s6;
	[sflag:s3] =	ssyncpa.u1 $0x0  }
0xa: {  	s11 =	smov.u32 s2;
	[sflag:s7] =	ssyncpa.u1 $0x0;
	s7 =	sor.u32 $0x1, s4  }
.LBB1_4:
0xb: {  	_ =	sdelay $0x3  }
0xc: {  	[tilespmem:v0+s19+$0xFFFFFFD0 ss:$0x1] =	vst.idx.msk $0xffff, v7;
	s20 =	sshrl.u32 s16, $0x3  }
0xd: {  	v56 =	vld.idx.msk [tilespmem:v1+s18+$0x0 ss:$0x1], $0xffff;
	[tilespmem:v0+s19+$0xFFFFFFE0 ss:$0x1] =	vst.idx.msk $0xffff, v6;
	s21 =	sshll.u32 s15, $0x3;
	s24 =	sshll.u32 s16, $0x7;
	s20 =	smul.u32 $0xA000, s20  }
0xe: {  	v57 =	vld.idx.msk [tilespmem:v1+s18+$0xFFFFFF90 ss:$0x1], $0xffff;
	[tilespmem:v0+s19+$0xFFFFFFF0 ss:$0x1] =	vst.idx.msk $0xffff, v4;
	s25 =	sand.u32 $0x7F, s15;
	s21 =	sand.u32 $0xFFFFFC00, s21;
	s16 =	sand.u32 $0x380, s24  }
0xf: {  	v58 =	vld.idx.msk [tilespmem:v1+s18+$0xFFFFFFA0 ss:$0x1], $0xffff;
	[tilespmem:v0+s19+$0x0 ss:$0x1] =	vst.idx.msk $0xffff, v2;
	s15 =	sor.u32 s16, s25;
	s20 =	sadd.s32 s20, s21  }
0x10: {  	v59 =	vld.idx.msk [tilespmem:v1+s18+$0xFFFFFFB0 ss:$0x1], $0xffff;
	[tilespmem:v0+s19+$0x10 ss:$0x1] =	vst.idx.msk $0xffff, v3;
	s15 =	sor.u32 s20, s15  }
0x11: {  	v60 =	vld.idx.msk [tilespmem:v1+s18+$0xFFFFFFC0 ss:$0x1], $0xffff;
	[tilespmem:v0+s19+$0x20 ss:$0x1] =	vst.idx.msk $0xffff, v5;
	s26 =	smulhi.u32 $0xCCCCCCCD, s15  }
0x12: {  	v61 =	vld.idx.msk [tilespmem:v1+s18+$0xFFFFFFD0 ss:$0x1], $0xffff;
	s27 =	smulhi.u32 $0xCCCCCCCD, s20;
	[tilespmem:v0+s18+$0x30 ss:$0x1] =	vst.idx.msk $0xffff, v56  }
0x13: {  	v62 =	vld.idx.msk [tilespmem:v1+s18+$0xFFFFFFE0 ss:$0x1], $0xffff;
	[tilespmem:v0+s18+$0xFFFFFFC0 ss:$0x1] =	vst.idx.msk $0xffff, v57;
	s16 =	sshrl.u32 s26, $0xC  }
0x14: {  	v63 =	vld.idx.msk [tilespmem:v1+s18+$0xFFFFFFF0 ss:$0x1], $0xffff;
	[tilespmem:v0+s18+$0xFFFFFFD0 ss:$0x1] =	vst.idx.msk $0xffff, v58;
	s19 =	sshrl.u32 s27, $0xC;
	s16 =	smul.u32 $0x1400, s16  }
0x15: {  	s14 =	smul.u32 $0x14000, s14;
	[tilespmem:v0+s18+$0xFFFFFFE0 ss:$0x1] =	vst.idx.msk $0xffff, v59;
	s19 =	sand.u32 $0x7F, s19  }
0x16: {  	[tilespmem:v0+s18+$0xFFFFFFF0 ss:$0x1] =	vst.idx.msk $0xffff, v60;
	s28 =	smul.u32 $0x280, s19;
	s15 =	ssub.s32 s15, s16  }
0x17: {  	s14 =	sadd.s32 s6, s14;
	[tilespmem:v0+s18+$0x0 ss:$0x1] =	vst.idx.msk $0xffff, v61;
	s29 =	sand.u32 $0x7, s15  }
0x18: {  	[tilespmem:v0+s18+$0x10 ss:$0x1] =	vst.idx.msk $0xffff, v62;
	s14 =	sadd.s32 s28, s14;
	s15 =	sshrl.u32 s15, $0x3;
	s30 =	sshll.u32 s29, $0x12  }
0x19: {  	[tilespmem:v0+s18+$0x20 ss:$0x1] =	vst.idx.msk $0xffff, v63;
	s14 =	sadd.s32 s15, s14;
	s31 =	sor.u32 $0x400, s30  }
0x1a: {  	[hbm4b:s14+s31] =	stream.strided.scatter [tilespmem:s17], [sflag:$0x2], $0x4000, s8, s31, $0x38;
	[tilespmem:$0x10000] =	vst v63  }
.LBB1_5:
0x1b: {  	s17 =	sadd.s32 $0x80, s10  }
0x1c: {  	s14 =	sadd.s32 $0x20, s11;
	s18 =	smov.u32 s11;
	p1 =	sgt.s32 s17, $0x1387  }
0x1d: {  	s18 =	smov.u32 @p1 s14  }
0x1e: {  	s20 =	smov.u32 s12;
	s14 =	sadd.s32 $0x80, s12;
	p2 =	sgt.s32 s18, $0x2E  }
0x1f: {  	s20 =	smov.u32 @p2 s14  }
0x20: {  	s17 =	simm.s32 @p1 $0x0;
	p1 =	sgt.s32 s20, $0x7F  }
0x21: {  	p0 =	slt.u32 s13, $0x2;
	s20 =	simm.s32 @p1 $0x0;
	p1 =	sne.s32 s13, s7  }
.Ltmp1:
0x22: {  	s19 =	simm.s32 @!p0 $0x2;
	(pc) =	sbr.rel @!p1 .LBB1_6-.Ltmp1, $4  }
0x23: {  	s15 =	smov.u32 s10;
	s16 =	smov.u32 s12;
	_ =	swait.ge @!p0 [sflag:s19], $0x4000  }
0x24: {  	s9 =	sadd.s32 $0x4000, s9;
	[sflag:s19] =	ssyncset.done @!p0 $0x0;
	s10 =	smov.u32 s17  }
0x25: {  	s18 =	smov.u32 @p2 s2;
	s14 =	smov.u32 s11;
	[sflag:s19] =	ssyncadd.s32 @!p0 $0xFFFFC000  }
0x26: {  	s11 =	smov.u32 s18;
	s13 =	sadd.s32 $0x1, s13;
	s12 =	smov.u32 s20  }
.LBB1_1:
0x27: {  	p0 =	sge.u32 s13, s4  }
0x28: {  	s17 =	sshrl.u32 @!p0 s11, $0x3  }
0x29: {  	s18 =	sshll.u32 @!p0 s10, $0x3;
	s17 =	smul.u32 @!p0 $0xA000, s17  }
0x2a: {  	s19 =	sshll.u32 @!p0 s11, $0x7;
	s18 =	sand.u32 @!p0 $0xFFFFFC00, s18  }
0x2b: {  	s20 =	sand.u32 @!p0 $0x7F, s10;
	s17 =	sadd.s32 @!p0 s17, s18;
	s18 =	sand.u32 @!p0 $0x380, s19  }
0x2c: {  	s18 =	sor.u32 @!p0 s20, s18;
	s19 =	smulhi.u32 @!p0 $0xCCCCCCCD, s17  }
0x2d: {  	s17 =	sor.u32 @!p0 s17, s18  }
0x2e: {  	s18 =	smulhi.u32 @!p0 $0xCCCCCCCD, s17;
	s19 =	sshrl.u32 @!p0 s19, $0xC  }
0x2f: {  	s20 =	smulhi.u32 @!p0 $0x5555556, s19;
	_ =	sdelay $0x1  }
0x30: {  	s18 =	sshrl.u32 @!p0 s18, $0xC;
	s20 =	smul.u32 @!p0 $0x30, s20  }
0x31: {  	s31 =	sadd.s32 $0xFFFFFFFF, s13;
	s18 =	smul.u32 @!p0 $0x1400, s18  }
0x32: {  	s21 =	sxor.u32 @!p0 $0xFFFFFFFF, s13;
	s19 =	ssub.s32 @!p0 s19, s20;
	s20 =	smul.u32 @!p0 $0x7800, s12  }
0x33: {  	s21 =	sshll.u32 @!p0 s21, $0xE;
	s17 =	ssub.s32 @!p0 s17, s18;
	s18 =	smul.u32 @!p0 $0x280, s19  }
0x34: {  	s19 =	sand.u32 @!p0 $0x4000, s21;
	s21 =	sand.u32 @!p0 $0x7, s17;
	s20 =	sadd.s32 @!p0 s5, s20  }
0x35: {  	s17 =	sshrl.u32 @!p0 s17, $0x3;
	s18 =	sadd.s32 @!p0 s18, s20;
	s20 =	sshll.u32 @!p0 s21, $0x12  }
0x36: {  	s17 =	sadd.s32 @!p0 s17, s18;
	s18 =	sor.u32 @!p0 $0x80, s20;
	s20 =	simm.s32 @!p0 $0x3C000  }
0x37: {  	[tilespmem:s19], [sflag:$0x1] =	stream.strided.gather @!p0 [hbm4b:s17+s18], $0x4000, s20, s18, $0x38;
	[tilespmem:$0x10000] =	vst v63  }
0x38: {  	p0 =	sge.u32 s31, s4  }
.Ltmp2:
0x39: {  	_ = 	snop;
	(pc) =	sbr.rel @p0 .LBB1_5-.Ltmp2, $1  }
0x3a: {  	_ =	sdelay $0x3  }
0x3b: {  	s17 =	sand.u32 $0x4000, s9  }
0x3c: {  	s18 =	sor.u32 $0x70, s17  }
0x3d: {  	v1 =	vmov s18;
	_ =	sdelay $0x1  }
0x3e: {  	_ =	swait.ge [sflag:s3], $0x4000  }
0x3f: {  	[sflag:s3] =	ssyncset.done $0x0  }
0x40: {  	s19 =	simm.s32 $0x0;
	[sflag:s3] =	ssyncadd.s32 $0xFFFFC000  }
0x41: {  	s17 =	sor.u32 $0x8040, s17;
	v5 =	vld.idx.msk [tilespmem:v1+s19+$0x0 ss:$0x1], $0xffff  }
0x42: {  	v0 =	vmov s17;
	v8 =	vld.idx.msk [tilespmem:v1+s19+$0xFFFFFF90 ss:$0x1], $0xffff  }
0x43: {  	v7 =	vld.idx.msk [tilespmem:v1+s19+$0xFFFFFFA0 ss:$0x1], $0xffff  }
0x44: {  	v6 =	vld.idx.msk [tilespmem:v1+s19+$0xFFFFFFB0 ss:$0x1], $0xffff  }
0x45: {  	v4 =	vld.idx.msk [tilespmem:v1+s19+$0xFFFFFFC0 ss:$0x1], $0xffff  }
0x46: {  	s31 =	sshll.u32 s13, $0xE;
	v2 =	vld.idx.msk [tilespmem:v1+s19+$0xFFFFFFD0 ss:$0x1], $0xffff  }
0x47: {  	s17 =	sand.u32 $0x4000, s31;
	v3 =	vld.idx.msk [tilespmem:v1+s19+$0xFFFFFFE0 ss:$0x1], $0xffff;
	[tilespmem:v0+s19+$0x30 ss:$0x1] =	vst.idx.msk $0xffff, v5  }
0x48: {  	s20 =	simm.s32 $0x400;
	s18 =	simm.s32 $0x80;
	s17 =	sor.u32 $0x8000, s17;
	[tilespmem:v0+s19+$0xFFFFFFC0 ss:$0x1] =	vst.idx.msk $0xffff, v8;
	v5 =	vld.idx.msk [tilespmem:v1+s19+$0xFFFFFFF0 ss:$0x1], $0xffff  }
.LBB1_3:
0x49: {  	p0 =	sne.s32 s20, $0xFE00;
	v8 =	vld.idx.msk [tilespmem:v1+s18+$0x0 ss:$0x1], $0xffff;
	[tilespmem:v0+s19+$0xFFFFFFD0 ss:$0x1] =	vst.idx.msk $0xffff, v7  }
0x4a: {  	v9 =	vld.idx.msk [tilespmem:v1+s18+$0xFFFFFF90 ss:$0x1], $0xffff;
	[tilespmem:v0+s19+$0xFFFFFFE0 ss:$0x1] =	vst.idx.msk $0xffff, v6  }
0x4b: {  	v7 =	vld.idx.msk [tilespmem:v1+s18+$0xFFFFFFA0 ss:$0x1], $0xffff;
	[tilespmem:v0+s19+$0xFFFFFFF0 ss:$0x1] =	vst.idx.msk $0xffff, v4  }
.Ltmp3:
0x4c: {  	v6 =	vld.idx.msk [tilespmem:v1+s18+$0xFFFFFFB0 ss:$0x1], $0xffff;
	[tilespmem:v0+s19+$0x0 ss:$0x1] =	vst.idx.msk $0xffff, v2;
	(pc) =	sbr.rel @p0 .LBB1_3-.Ltmp3, $4  }
0x4d: {  	v4 =	vld.idx.msk [tilespmem:v1+s18+$0xFFFFFFC0 ss:$0x1], $0xffff;
	[tilespmem:v0+s19+$0x10 ss:$0x1] =	vst.idx.msk $0xffff, v3  }
0x4e: {  	v2 =	vld.idx.msk [tilespmem:v1+s18+$0xFFFFFFD0 ss:$0x1], $0xffff;
	[tilespmem:v0+s19+$0x20 ss:$0x1] =	vst.idx.msk $0xffff, v5;
	s19 =	smov.u32 s18  }
0x4f: {  	v3 =	vld.idx.msk [tilespmem:v1+s19+$0xFFFFFFE0 ss:$0x1], $0xffff;
	[tilespmem:v0+s19+$0x30 ss:$0x1] =	vst.idx.msk $0xffff, v8  }
0x50: {  	s18 =	sshra.s32 s20, $0x2;
	s20 =	sadd.s32 $0x200, s20;
	[tilespmem:v0+s19+$0xFFFFFFC0 ss:$0x1] =	vst.idx.msk $0xffff, v9;
	v5 =	vld.idx.msk [tilespmem:v1+s19+$0xFFFFFFF0 ss:$0x1], $0xffff  }
.Ltmp4:
0x51: {  	_ = 	snop;
	(pc) =	sbr.rel .LBB1_4-.Ltmp4, $1  }
0x52: {  	_ =	sdelay $0x3  }
.LBB1_6:
0x53: {  	_ =	sfence.sel $0x180000  }
0x54: {  	s2 =	simm.s32 $0x1;
	[bflag:$0x0] =	sbarrier.arrive $0xFFFF  }
0x55: {  	s31 =	simm.s32 $0x2;
	[sflag:s2] =	ssyncpa.u1 $0x1  }
0x56: {  	[sflag:s31] =	ssyncpa.u1 $0x1  }
0x57: {  	p0 =	sne.s32 s0, $0x0;
	_ =	strace $0x9000004D  }
0x58: {  	s0 =	sadd.s32 @!p0 $0x100000, s1;
	[bflag:$0x2] =	sbarrier.arrive $0xFFFF  }
0x59: {  	[sflag:s0] =	ssyncadd.tile.s32 @!p0 $0x1;
	_ =	shalt  }
.Lfunc_end1:
_tile_overlayer_lowered:
.L_overlay_start_2:
0x5a: {  	(tag) =	ssettag $0x2  }
0x5b: {  	s0 =	rddreg [dreg:$0x0];
	s2 =	stileid.u32  }
0x5c: {  	s1 =	rddreg [dreg:$0x1];
	p0 =	sne.s32 s2, $0x0  }
0x5d: {  	s3 =	rddreg [dreg:$0x2];
	[bflag:$0x3] =	sbarrier.arrive $0xFFFF;
	s2 =	simm.s32 @!p0 $0x1C01  }
0x5e: {  	[timem:s3], [sflag:s2] =	dma.local @!p0 [hbm:s0], s1  }
0x5f: {  	s0 =	simm.s32 @!p0 $0x1  }
0x60: {  	_ =	swait.ge @!p0 [sflag:s0], s1  }
0x61: {  	s1 =	ssub.s32 @!p0 $0x0, s1;
	[sflag:s0] =	ssyncset.done @!p0 $0x0  }
0x62: {  	[sflag:s0] =	ssyncadd.s32 @!p0 s1  }
0x63: {  	[bflag:$0x3] =	sbarrier.arrive $0xFFFF  }
0x64: {  	_ =	shalt  }

// kernel: sparse-core-data-format-call.2.cloned.1.call-start
scs
called_computation.2_lowered:
.L_overlay_start_0:
0x0: {  	s1 =	sld [smem:$0x3FD9]  }
0x1: {  	s2 =	sld [smem:$0x3FFE];
	_ =	sdelay $0x1  }
0x2: {  	s3 =	srdreg.scid  }
0x3: {  	s0 =	sand.u32 $0x1, s3  }
0x4: {  	s17 =	sshll.u32 s0, $0xA;
	s1 =	sadd.s32 s2, s1  }
0x5: {  	s1 =	sadd.s32 s1, s17  }
0x6: {  	[smem:$0x3FAC] =	sst s1  }
0x7: {  	_ = 	snop  }
0x8: {  	(tm) =	ssettm $0x1  }
0x9: {  	s18 =	sld [smem:$0x3FFB];
	_ =	sdelay $0x3  }
0xa: {  	_ =	strace s18  }
0xb: {  	s1 =	sld [smem:$0x3FFC];
	_ =	sdelay $0x3  }
0xc: {  	_ =	strace s1  }
0xd: {  	s1 =	sld [smem:$0x3FFD];
	_ =	sdelay $0x3  }
0xe: {  	_ =	strace s1  }
0xf: {  	_ =	strace $0x8FFFFFFF  }
0x10: {  	s19 =	sld [smem:$0x3FDB];
	_ =	sdelay $0x1  }
0x11: {  	s20 =	simm.s32 $_scs_section_size  }
0x12: {  	s4 =	simm.s32 $_size__tile_overlayer_lowered;
	s5 =	simm.s32 $_tile_overlayer_lowered  }
0x13: {  	s23 =	simm.s32 $0x1BFF;
	s22 =	sshll.u32 s5, $0x1;
	s1 =	sadd.s32 s20, s19  }
0x14: {  	s6 =	simm.s32 $0x0;
	s21 =	sshll.u32 s4, $0x1;
	s4 =	sadd.s32 s22, s1  }
0x15: {  	[timem:s6], [sflag:s23] =	dma.local [hbm:s4], s21  }
0x16: {  	_ =	swait.ge [sflag:s23], s21  }
0x17: {  	s2 =	ssub.s32 $0x0, s21;
	[sflag:s23] =	ssyncset.done $0x0  }
0x18: {  	[sflag:s23] =	ssyncadd.s32 s2;
	_ =	sdelay $0x1  }
0x19: {  	s24 =	simm.s32 $0x1B8B  }
0x1a: {  	_ =	swait.ge [sflag:s24], $0x1  }
0x1b: {  	[sflag:s24] =	ssyncset.done $0x0  }
0x1c: {  	s26 =	simm.s32 $0x1B8E;
	s25 =	sld [smem:$0x3FFE];
	[sflag:s24] =	ssyncadd.s32 $0xFFFFFFFF  }
0x1d: {  	s27 =	simm.s32 $execute0_lowered;
	[smem:$0x3FD2] =	sst s26  }
0x1e: {  	s4 =	sshll.u32 s27, $0x1;
	_ =	strace $0x80000049;
	[dreg:$0x1] =	wrdreg $0xFFFFFFFF  }
0x1f: {  	s28 =	simm.s32 $_size_execute0_lowered;
	s1 =	sadd.s32 s1, s4;
	[dreg:$0x0] =	wrdreg $0x0  }
0x20: {  	s4 =	sshll.u32 s28, $0x1;
	[dreg:$0x2] =	wrdreg s1  }
0x21: {  	[dreg:$0x3] =	wrdreg s4  }
0x22: {  	[dreg:$0x4] =	wrdreg $0xC0  }
0x23: {  	_ =	task [dreg:s6], $0x5FFFF  }
0x24: {  	[dreg:$0x1] =	wrdreg $0xFFFFFFFF  }
0x25: {  	[dreg:$0x0] =	wrdreg $0x60  }
0x26: {  	[dreg:$0x2] =	wrdreg s25  }
0x27: {  	[dreg:$0x3] =	wrdreg $0x9  }
0x28: {  	_ =	task.clear_ibuf [dreg:s6], $0x4FFFF;
	_ =	strace $0x90000049  }
0x29: {  	s29 =	simm.s32 $0x9;
	_ =	strace $0x8000004B  }
0x2a: {  	_ =	swait.ge [sflag:s29], $0x1  }
0x2b: {  	[sflag:s29] =	ssyncadd.s32 $0xFFFFFFFF  }
0x2c: {  	_ =	strace $0x9000004B  }
0x2d: {  	_ =	sfence  }
0x2e: {  	s30 =	sld [smem:$0x0];
	_ =	sdelay $0x2  }
0x2f: {  	s31 =	sshll.u32 s3, $0xD;
	s3 =	sshrl.u32 s3, $0x2  }
0x30: {  	s2 =	sand.u32 $0x4000, s31;
	s1 =	sadd.s32 s3, s30  }
0x31: {  	s0 =	sor.u32 s2, s0;
	s1 =	sshll.u32 s1, $0x11  }
0x32: {  	s0 =	sor.u32 s1, s0  }
0x33: {  	s0 =	sadd.s32 $0x8F2B, s0  }
0x34: {  	[sflag:s0] =	ssyncadd.remote.s32 $0x1  }
0x35: {  	_ =	sfence.sel $0xFFFF  }
0x36: {  	[dreg:$0x0] =	wrdreg $0xFFFFFFFF;
	(pc) =	sbr.abs _section_cstart, $3  }
0x37: {  	[dreg:$0x1] =	wrdreg $0xFFFFFFFF  }
0x38: {  	_ =	task.clear_ibuf [dreg:s6], $0x2FFFF;
	_ =	strace $0x9FFFFFFF  }
0x39: {  	(tm) =	ssettm $0x7FFFFFFF  }
tec
execute0_lowered:
.L_overlay_start_1:
0x0: {  	(tag) =	ssettag $0x1  }
0x1: {  	s0 =	srdreg.scid  }
0x2: {  	s1 =	sshll.u32 s0, $0x4  }
0x3: {  	s0 =	stileid.u32;
	s1 =	sand.u32 $0x10, s1  }
0x4: {  	s1 =	sor.u32 s0, s1  }
0x5: {  	s6 =	rddreg [dreg:$0x0];
	s7 =	simm.s32 $0x2;
	s2 =	sshll.u32 s1, $0x7  }
0x6: {  	s12 =	simm.s32 $0x0;
	s8 =	simm.s32 $0xA000;
	s1 =	ssub.s32 $0x1780, s2  }
0x7: {  	s13 =	simm.s32 $0x0;
	s10 =	simm.s32 $0x0;
	s3 =	sand.u32 $0xF80, s1  }
0x8: {  	s11 =	simm.s32 $0x0;
	p0 =	sne.s32 s3, $0x0;
	s3 =	simm.s32 $0x1  }
.Ltmp0:
0x9: {  	s4 =	sshrl.u32 s1, $0xC;
	s3 =	simm.s32 @!p0 $0x0;
	(pc) =	sbr.rel .LBB1_1-.Ltmp0, $4  }
0xa: {  	s5 =	sadd.s32 $0x118C00, s6;
	s1 =	rddreg [dreg:$0x1];
	s4 =	sadd.s32 s3, s4  }
0xb: {  	_ =	strace $0x8000004A;
	s3 =	simm.s32 $0x1;
	s4 =	smul.u32 $0x28, s4  }
0xc: {  	s6 =	sadd.s32 $0x4AEC00, s6;
	s9 =	smov.u32 s2;
	[sflag:s3] =	ssyncpa.u1 $0x0  }
0xd: {  	p0 =	por $0x0, $0x0;
	[sflag:s7] =	ssyncpa.u1 $0x0;
	s7 =	sor.u32 $0x1, s4  }
.LBB1_4:
0xe: {  	s19 =	sshrl.u32 s12, $0x3  }
0xf: {  	s20 =	sshll.u32 s13, $0x3;
	s19 =	smul.u32 $0xA000, s19  }
0x10: {  	s25 =	sshll.u32 s12, $0x7;
	s20 =	sand.u32 $0xFFFFFC00, s20  }
0x11: {  	s26 =	sand.u32 $0x7F, s13;
	s12 =	sand.u32 $0x380, s25;
	s19 =	sadd.s32 s20, s19  }
0x12: {  	v5 =	vld [tilespmem:s16+$0xFFFFFFD0];
	[tilespmem:s17+$0x2040 ss:$0x81] =	vst.msk $0xffff, v4;
	s12 =	sor.u32 s26, s12;
	s27 =	smulhi.u32 $0xCCCCCCCD, s19  }
0x13: {  	v58 =	vld [tilespmem:s16+$0xFFFFFFE0];
	[tilespmem:s17+$0x2850 ss:$0x81] =	vst.msk $0xffff, v3;
	s12 =	sor.u32 s19, s12  }
0x14: {  	s18 =	sshra.s32 s18, $0x2;
	v59 =	vld [tilespmem:s16+$0xFFFFFFF0];
	[tilespmem:s17+$0x3060 ss:$0x81] =	vst.msk $0xffff, v2;
	s19 =	smulhi.u32 $0xCCCCCCCD, s12;
	s13 =	sshrl.u32 s27, $0xC  }
0x15: {  	v60 =	vld [tilespmem:s16+$0x0];
	[tilespmem:s17+$0x0 ss:$0x81] =	vst.msk $0xffff, v0;
	s15 =	sadd.s32 s18, s15;
	s28 =	smulhi.u32 $0x15C989, s13  }
0x16: {  	v61 =	vld [tilespmem:s16+$0x10];
	[tilespmem:s15+$0x3870 ss:$0x81] =	vst.msk $0xffff, v1;
	s29 =	sshrl.u32 s19, $0xC  }
0x17: {  	v62 =	vld [tilespmem:s16+$0x20];
	[tilespmem:s15+$0x810 ss:$0x81] =	vst.msk $0xffff, v5;
	s18 =	smul.u32 $0x1400, s29;
	s17 =	sshrl.u32 s28, $0x1  }
0x18: {  	v63 =	vld [tilespmem:s16+$0xFFFFFFC0];
	[tilespmem:s15+$0x1020 ss:$0x81] =	vst.msk $0xffff, v58;
	s30 =	smul.u32 $0x1780, s17  }
0x19: {  	[tilespmem:s15+$0x1830 ss:$0x81] =	vst.msk $0xffff, v59  }
0x1a: {  	[tilespmem:s15+$0x2040 ss:$0x81] =	vst.msk $0xffff, v60;
	s12 =	ssub.s32 s12, s18;
	s13 =	ssub.s32 s13, s30  }
0x1b: {  	[tilespmem:s15+$0x2850 ss:$0x81] =	vst.msk $0xffff, v61;
	s31 =	sshrl.u32 s12, $0x3;
	s12 =	sand.u32 $0x7, s12;
	s13 =	smul.u32 $0x280, s13  }
0x1c: {  	[tilespmem:s15+$0x3060 ss:$0x81] =	vst.msk $0xffff, v62;
	s16 =	sadd.s32 s6, s31;
	s12 =	sshll.u32 s12, $0x12  }
0x1d: {  	[tilespmem:s15+$0x0 ss:$0x81] =	vst.msk $0xffff, v63;
	s12 =	sor.u32 $0x400, s12;
	s13 =	sadd.s32 s13, s16  }
0x1e: {  	[hbm4b:s13+s12] =	stream.strided.scatter [tilespmem:s14], [sflag:$0x2], $0x4000, s8, s12, $0x20;
	[tilespmem:$0x10100] =	vst v63  }
.LBB1_5:
0x1f: {  	s14 =	sadd.s32 $0x1000, s9  }
0x20: {  	s12 =	sadd.s32 $0x80, s10;
	s16 =	smov.u32 s10;
	p2 =	sgt.s32 s14, $0x177F  }
0x21: {  	s16 =	smov.u32 @p2 s12  }
0x22: {  	s14 =	smov.u32 @p2 s2;
	p2 =	sgt.s32 s16, $0x1387  }
0x23: {  	s16 =	simm.s32 @p2 $0x0;
	p2 =	sne.s32 s11, s7  }
.Ltmp1:
0x24: {  	p1 =	slt.u32 s11, $0x2;
	(pc) =	sbr.rel @!p2 .LBB1_6-.Ltmp1, $4  }
0x25: {  	s15 =	simm.s32 @!p1 $0x2  }
0x26: {  	s13 =	smov.u32 s10;
	p0 =	por !p0, !p0;
	_ =	swait.ge @!p1 [sflag:s15], $0x4000  }
0x27: {  	s12 =	smov.u32 s9;
	[sflag:s15] =	ssyncset.done @!p1 $0x0;
	s9 =	smov.u32 s14  }
0x28: {  	s11 =	sadd.s32 $0x1, s11;
	[sflag:s15] =	ssyncadd.s32 @!p1 $0xFFFFC000;
	s10 =	smov.u32 s16  }
.LBB1_1:
0x29: {  	p1 =	sge.u32 s11, s4  }
0x2a: {  	s17 =	smov.u32 s10;
	s19 =	smov.u32 s9;
	s31 =	sadd.s32 $0xFFFFFFFF, s11  }
0x2b: {  	s14 =	sshrl.u32 @!p1 s10, $0x3;
	s15 =	sshll.u32 @!p1 s9, $0x3;
	s16 =	sshll.u32 @!p1 s10, $0x7  }
0x2c: {  	p2 =	sgt.s32 @!p1 s10, $0x1308;
	s18 =	sshra.s32 @!p1 s10, $0x1F;
	s20 =	sshra.s32 @!p1 s9, $0x1F  }
0x2d: {  	s14 =	smul.u32 @!p1 $0xBC00, s14;
	s15 =	sand.u32 @!p1 $0xFFFFFC00, s15;
	p2 =	por !p2, p1  }
0x2e: {  	s18 =	sand.u32 @!p1 s18, s10;
	s20 =	sand.u32 @!p1 s20, s9;
	s17 =	simm.s32 @p2 $0x1308  }
0x2f: {  	p2 =	sgt.s32 @!p1 s9, $0x1700;
	s14 =	sadd.s32 @!p1 s14, s15;
	s15 =	sand.u32 @!p1 $0x380, s16  }
0x30: {  	s16 =	sand.u32 @!p1 $0x7F, s9;
	p2 =	por !p2, p1;
	s14 =	sor.u32 @!p1 s15, s14  }
0x31: {  	s17 =	ssub.s32 @!p1 s17, s18;
	s19 =	simm.s32 @p2 $0x1700;
	s15 =	sor.u32 @!p1 s16, s14  }
0x32: {  	s14 =	smulhi.u32 @!p1 $0xAE4C415D, s14;
	s18 =	ssub.s32 @!p1 s19, s20;
	s20 =	sadd.s32 @!p1 $0xFFFFECF8, s17  }
0x33: {  	s17 =	ssub.s32 @!p1 $0x1388, s17;
	s16 =	smulhi.u32 @!p1 $0xAE4C415D, s15;
	s21 =	sadd.s32 @!p1 $0xFFFFE900, s18  }
0x34: {  	p2 =	sgt.s32 @!p1 s20, $0x7F;
	s18 =	ssub.s32 @!p1 $0x1780, s18;
	s14 =	sshrl.u32 @!p1 s14, $0xC  }
0x35: {  	p3 =	sgt.s32 @!p1 s21, $0x7F;
	s16 =	sshrl.u32 @!p1 s16, $0xC;
	s19 =	smulhi.u32 @!p1 $0xD1B72, s14  }
0x36: {  	p2 =	por !p2, p1;
	p3 =	por !p3, p1;
	s16 =	smul.u32 @!p1 $0x1780, s16  }
0x37: {  	s17 =	simm.s32 @!p2 $0x0;
	s18 =	simm.s32 @!p3 $0x0;
	s19 =	smul.u32 @!p1 $0x1388, s19  }
0x38: {  	s17 =	smul.u32 @!p1 s17, s18;
	s15 =	ssub.s32 @!p1 s15, s16;
	s16 =	sxor.u32 @!p1 $0xFFFFFFFF, s11  }
0x39: {  	s16 =	sshll.u32 @!p1 s16, $0xE;
	s14 =	ssub.s32 @!p1 s14, s19;
	s18 =	sshrl.u32 @!p1 s15, $0x3  }
0x3a: {  	s15 =	sand.u32 @!p1 $0x7, s15;
	s17 =	sand.u32 @!p1 $0x3FFFFFFF, s17;
	s14 =	smul.u32 @!p1 $0x2F0, s14  }
0x3b: {  	s16 =	sand.u32 @!p1 $0x4000, s16;
	s18 =	sadd.s32 @!p1 s5, s18;
	s15 =	sshll.u32 @!p1 s15, $0x12  }
0x3c: {  	s15 =	sor.u32 @!p1 $0x400, s15;
	s14 =	sadd.s32 @!p1 s14, s18;
	s18 =	simm.s32 @!p1 $0xBC00  }
0x3d: {  	[tilespmem:s16], [sflag:$0x1] =	stream.strided.gather @!p1 [hbm4b:s14+s15], s17, s18, s15, $0x38;
	[tilespmem:$0x10100] =	vst v63  }
0x3e: {  	p1 =	sge.u32 s31, s4  }
.Ltmp2:
0x3f: {  	_ = 	snop;
	(pc) =	sbr.rel @p1 .LBB1_5-.Ltmp2, $1  }
0x40: {  	_ =	sdelay $0x3  }
0x41: {  	p1 =	sgt.s32 s13, $0x1308  }
0x42: {  	s14 =	smov.u32 s13;
	s15 =	sshra.s32 s13, $0x1F;
	s16 =	smov.u32 s12  }
0x43: {  	s17 =	sshra.s32 s12, $0x1F;
	s14 =	simm.s32 @!p1 $0x1308;
	p1 =	sgt.s32 s12, $0x1700  }
0x44: {  	s15 =	sand.u32 s15, s13;
	s27 =	sand.u32 s17, s12;
	s16 =	simm.s32 @!p1 $0x1700  }
0x45: {  	s14 =	ssub.s32 s14, s15;
	s15 =	ssub.s32 s16, s27  }
0x46: {  	s28 =	sadd.s32 $0xFFFFECF8, s14;
	s14 =	ssub.s32 $0x1388, s14;
	s16 =	sadd.s32 $0xFFFFE900, s15  }
0x47: {  	p1 =	sgt.s32 s28, $0x7F;
	s15 =	ssub.s32 $0x1780, s15;
	p2 =	sgt.s32 s16, $0x7F  }
0x48: {  	s14 =	simm.s32 @p1 $0x0;
	s15 =	simm.s32 @p2 $0x0  }
0x49: {  	s14 =	smul.u32 s14, s15;
	_ =	sdelay $0x1  }
0x4a: {  	s15 =	simm.s32 $0x1;
	s14 =	sand.u32 $0x3FFFFFFF, s14  }
0x4b: {  	s15 =	simm.s32 @!p0 $0x0;
	_ =	swait.ge [sflag:s3], s14  }
0x4c: {  	s29 =	sshll.u32 s15, $0xE;
	s14 =	ssub.s32 $0x0, s14;
	[sflag:s3] =	ssyncset.done $0x0  }
0x4d: {  	s16 =	sor.u32 $0x40, s29;
	[sflag:s3] =	ssyncadd.s32 s14  }
0x4e: {  	s30 =	smul.u32 $0x10200, s15;
	v0 =	vld [tilespmem:s16+$0x30]  }
0x4f: {  	v1 =	vld [tilespmem:s16+$0xFFFFFFD0]  }
0x50: {  	s14 =	sshrl.u32 s30, $0x2;
	v5 =	vld [tilespmem:s16+$0xFFFFFFE0]  }
0x51: {  	s15 =	sor.u32 $0x8000, s14;
	v6 =	vld [tilespmem:s16+$0xFFFFFFF0]  }
0x52: {  	s31 =	sand.u32 $0x1, s11;
	v4 =	vld [tilespmem:s16+$0x0];
	s17 =	sadd.s32 $0x0, s15  }
0x53: {  	s14 =	smul.u32 $0x10200, s31;
	v3 =	vld [tilespmem:s16+$0x10];
	[tilespmem:s17+$0x3870 ss:$0x81] =	vst.msk $0xffff, v0  }
0x54: {  	v2 =	vld [tilespmem:s16+$0x20];
	[tilespmem:s17+$0x810 ss:$0x81] =	vst.msk $0xffff, v1  }
0x55: {  	s14 =	sshrl.u32 s14, $0x2;
	v0 =	vld [tilespmem:s16+$0xFFFFFFC0];
	[tilespmem:s17+$0x1020 ss:$0x81] =	vst.msk $0xffff, v5;
	s16 =	sadd.s32 $0x80, s16  }
0x56: {  	s18 =	simm.s32 $0x4;
	s19 =	simm.s32 $0x8;
	s14 =	sor.u32 $0x8000, s14;
	[tilespmem:s17+$0x1830 ss:$0x81] =	vst.msk $0xffff, v6;
	v1 =	vld [tilespmem:s16+$0x30]  }
.LBB1_3:
0x57: {  	p1 =	sne.s32 s19, $0x1FC;
	v5 =	vld [tilespmem:s16+$0xFFFFFFD0];
	[tilespmem:s17+$0x2040 ss:$0x81] =	vst.msk $0xffff, v4  }
0x58: {  	v6 =	vld [tilespmem:s16+$0xFFFFFFE0];
	[tilespmem:s17+$0x2850 ss:$0x81] =	vst.msk $0xffff, v3  }
0x59: {  	s20 =	sshra.s32 s18, $0x2;
	s18 =	smov.u32 s19;
	v7 =	vld [tilespmem:s16+$0xFFFFFFF0];
	[tilespmem:s17+$0x3060 ss:$0x81] =	vst.msk $0xffff, v2  }
.Ltmp3:
0x5a: {  	v4 =	vld [tilespmem:s16+$0x0];
	[tilespmem:s17+$0x0 ss:$0x81] =	vst.msk $0xffff, v0;
	s17 =	sadd.s32 s20, s15;
	(pc) =	sbr.rel @p1 .LBB1_3-.Ltmp3, $4  }
0x5b: {  	v3 =	vld [tilespmem:s16+$0x10];
	[tilespmem:s17+$0x3870 ss:$0x81] =	vst.msk $0xffff, v1  }
0x5c: {  	[tilespmem:s17+$0x810 ss:$0x81] =	vst.msk $0xffff, v5;
	v2 =	vld [tilespmem:s16+$0x20]  }
0x5d: {  	v0 =	vld [tilespmem:s16+$0xFFFFFFC0];
	[tilespmem:s17+$0x1020 ss:$0x81] =	vst.msk $0xffff, v6;
	s16 =	sadd.s32 $0x80, s16  }
0x5e: {  	s19 =	sadd.s32 $0x4, s19;
	v1 =	vld [tilespmem:s16+$0x30];
	[tilespmem:s17+$0x1830 ss:$0x81] =	vst.msk $0xffff, v7  }
.Ltmp4:
0x5f: {  	_ = 	snop;
	(pc) =	sbr.rel .LBB1_4-.Ltmp4, $1  }
0x60: {  	_ =	sdelay $0x3  }
.LBB1_6:
0x61: {  	_ =	sfence.sel $0x180000  }
0x62: {  	s2 =	simm.s32 $0x1;
	[bflag:$0x0] =	sbarrier.arrive $0xFFFF  }
0x63: {  	s31 =	simm.s32 $0x2;
	[sflag:s2] =	ssyncpa.u1 $0x1  }
0x64: {  	[sflag:s31] =	ssyncpa.u1 $0x1  }
0x65: {  	p0 =	sne.s32 s0, $0x0;
	_ =	strace $0x9000004A  }
0x66: {  	s0 =	sadd.s32 @!p0 $0x100000, s1;
	[bflag:$0x2] =	sbarrier.arrive $0xFFFF  }
0x67: {  	[sflag:s0] =	ssyncadd.tile.s32 @!p0 $0x1;
	_ =	shalt  }
.Lfunc_end1:
_tile_overlayer_lowered:
.L_overlay_start_2:
0x68: {  	(tag) =	ssettag $0x2  }
0x69: {  	s0 =	rddreg [dreg:$0x0];
	s2 =	stileid.u32  }
0x6a: {  	s1 =	rddreg [dreg:$0x1];
	p0 =	sne.s32 s2, $0x0  }
0x6b: {  	s3 =	rddreg [dreg:$0x2];
	[bflag:$0x3] =	sbarrier.arrive $0xFFFF;
	s2 =	simm.s32 @!p0 $0x1C01  }
0x6c: {  	[timem:s3], [sflag:s2] =	dma.local @!p0 [hbm:s0], s1  }
0x6d: {  	s0 =	simm.s32 @!p0 $0x1  }
0x6e: {  	_ =	swait.ge @!p0 [sflag:s0], s1  }
0x6f: {  	s1 =	ssub.s32 @!p0 $0x0, s1;
	[sflag:s0] =	ssyncset.done @!p0 $0x0  }
0x70: {  	[sflag:s0] =	ssyncadd.s32 @!p0 s1  }
0x71: {  	[bflag:$0x3] =	sbarrier.arrive $0xFFFF  }
0x72: {  	_ =	shalt  }

// kernel: sparse-core-data-format-call.cloned.1.call-start
scs
called_computation_lowered:
.L_overlay_start_0:
0x0: {  	s1 =	sld [smem:$0x3FD9]  }
0x1: {  	s2 =	sld [smem:$0x3FFE];
	_ =	sdelay $0x1  }
0x2: {  	s3 =	srdreg.scid  }
0x3: {  	s0 =	sand.u32 $0x1, s3  }
0x4: {  	s17 =	sshll.u32 s0, $0xA;
	s1 =	sadd.s32 s2, s1  }
0x5: {  	s1 =	sadd.s32 s1, s17  }
0x6: {  	[smem:$0x3FAC] =	sst s1  }
0x7: {  	_ = 	snop  }
0x8: {  	(tm) =	ssettm $0x1  }
0x9: {  	s18 =	sld [smem:$0x3FFB];
	_ =	sdelay $0x3  }
0xa: {  	_ =	strace s18  }
0xb: {  	s1 =	sld [smem:$0x3FFC];
	_ =	sdelay $0x3  }
0xc: {  	_ =	strace s1  }
0xd: {  	s1 =	sld [smem:$0x3FFD];
	_ =	sdelay $0x3  }
0xe: {  	_ =	strace s1  }
0xf: {  	_ =	strace $0x8FFFFFFF  }
0x10: {  	s19 =	sld [smem:$0x3FDB];
	_ =	sdelay $0x1  }
0x11: {  	s20 =	simm.s32 $_scs_section_size  }
0x12: {  	s4 =	simm.s32 $_size__tile_overlayer_lowered;
	s5 =	simm.s32 $_tile_overlayer_lowered  }
0x13: {  	s23 =	simm.s32 $0x1BFF;
	s22 =	sshll.u32 s5, $0x1;
	s1 =	sadd.s32 s20, s19  }
0x14: {  	s6 =	simm.s32 $0x0;
	s21 =	sshll.u32 s4, $0x1;
	s4 =	sadd.s32 s22, s1  }
0x15: {  	[timem:s6], [sflag:s23] =	dma.local [hbm:s4], s21  }
0x16: {  	_ =	swait.ge [sflag:s23], s21  }
0x17: {  	s2 =	ssub.s32 $0x0, s21;
	[sflag:s23] =	ssyncset.done $0x0  }
0x18: {  	[sflag:s23] =	ssyncadd.s32 s2;
	_ =	sdelay $0x1  }
0x19: {  	s24 =	simm.s32 $0x1B8B  }
0x1a: {  	_ =	swait.ge [sflag:s24], $0x1  }
0x1b: {  	[sflag:s24] =	ssyncset.done $0x0  }
0x1c: {  	s26 =	simm.s32 $0x1B8E;
	s25 =	sld [smem:$0x3FFE];
	[sflag:s24] =	ssyncadd.s32 $0xFFFFFFFF  }
0x1d: {  	s27 =	simm.s32 $execute0_lowered;
	[smem:$0x3FD2] =	sst s26  }
0x1e: {  	s4 =	sshll.u32 s27, $0x1;
	_ =	strace $0x8000004F;
	[dreg:$0x1] =	wrdreg $0xFFFFFFFF  }
0x1f: {  	s28 =	simm.s32 $_size_execute0_lowered;
	s1 =	sadd.s32 s1, s4;
	[dreg:$0x0] =	wrdreg $0x0  }
0x20: {  	s4 =	sshll.u32 s28, $0x1;
	[dreg:$0x2] =	wrdreg s1  }
0x21: {  	[dreg:$0x3] =	wrdreg s4  }
0x22: {  	[dreg:$0x4] =	wrdreg $0xC0  }
0x23: {  	_ =	task [dreg:s6], $0x5FFFF  }
0x24: {  	[dreg:$0x1] =	wrdreg $0xFFFFFFFF  }
0x25: {  	[dreg:$0x0] =	wrdreg $0x60  }
0x26: {  	[dreg:$0x2] =	wrdreg s25  }
0x27: {  	[dreg:$0x3] =	wrdreg $0x9  }
0x28: {  	_ =	task.clear_ibuf [dreg:s6], $0x4FFFF;
	_ =	strace $0x9000004F  }
0x29: {  	s29 =	simm.s32 $0x9;
	_ =	strace $0x80000051  }
0x2a: {  	_ =	swait.ge [sflag:s29], $0x1  }
0x2b: {  	[sflag:s29] =	ssyncadd.s32 $0xFFFFFFFF  }
0x2c: {  	_ =	strace $0x90000051  }
0x2d: {  	_ =	sfence  }
0x2e: {  	s30 =	sld [smem:$0x0];
	_ =	sdelay $0x2  }
0x2f: {  	s31 =	sshll.u32 s3, $0xD;
	s3 =	sshrl.u32 s3, $0x2  }
0x30: {  	s2 =	sand.u32 $0x4000, s31;
	s1 =	sadd.s32 s3, s30  }
0x31: {  	s0 =	sor.u32 s2, s0;
	s1 =	sshll.u32 s1, $0x11  }
0x32: {  	s0 =	sor.u32 s1, s0  }
0x33: {  	s0 =	sadd.s32 $0x8F2B, s0  }
0x34: {  	[sflag:s0] =	ssyncadd.remote.s32 $0x1  }
0x35: {  	_ =	sfence.sel $0xFFFF  }
0x36: {  	[dreg:$0x0] =	wrdreg $0xFFFFFFFF;
	(pc) =	sbr.abs _section_cstart, $3  }
0x37: {  	[dreg:$0x1] =	wrdreg $0xFFFFFFFF  }
0x38: {  	_ =	task.clear_ibuf [dreg:s6], $0x2FFFF;
	_ =	strace $0x9FFFFFFF  }
0x39: {  	(tm) =	ssettm $0x7FFFFFFF  }
tec
execute0_lowered:
.L_overlay_start_1:
0x0: {  	(tag) =	ssettag $0x1  }
0x1: {  	s0 =	srdreg.scid  }
0x2: {  	s0 =	sshll.u32 s0, $0x4  }
0x3: {  	s1 =	stileid.u32;
	s0 =	sand.u32 $0x10, s0  }
0x4: {  	s0 =	sor.u32 s1, s0  }
0x5: {  	s29 =	rddreg [dreg:$0x0];
	s12 =	sshll.u32 s0, $0x7  }
0x6: {  	_ =	strace $0x80000050;
	s2 =	simm.s32 $0x1;
	s0 =	ssub.s32 $0x1700, s12  }
0x7: {  	s30 =	simm.s32 $0x2;
	s15 =	simm.s32 $0x0;
	s0 =	sshrl.u32 s0, $0xC  }
0x8: {  	s14 =	simm.s32 $0x0;
	s3 =	sadd.s32 $0x33200, s29;
	s0 =	smul.u32 $0x28, s0  }
.Ltmp0:
0x9: {  	[dreg:$0x3] =	wrdreg s3;
	s1 =	sadd.s32 $0x81A000, s29;
	(pc) =	sbr.rel .LBB1_1-.Ltmp0, $4  }
0xa: {  	s9 =	simm.s32 $0x0;
	s11 =	simm.s32 $0x0;
	[dreg:$0x4] =	wrdreg s1  }
0xb: {  	s10 =	simm.s32 $0x0;
	[dreg:$0x2] =	wrdreg s12;
	s31 =	sadd.s32 $0x28, s0  }
0xc: {  	[sflag:s2] =	ssyncpa.u1 $0x0;
	s8 =	sadd.s32 $0x29, s0;
	[dreg:$0x5] =	wrdreg s31  }
0xd: {  	s13 =	simm.s32 $0x0;
	[sflag:s30] =	ssyncpa.u1 $0x0;
	[dreg:$0x6] =	wrdreg s8  }
.LBB1_12:
0xe: {  	s9 =	rddreg [dreg:$0x7]  }
0xf: {  	s1 =	sshll.u32 s11, $0x3;
	s25 =	sand.u32 $0x7F, s11;
	s5 =	rddreg [dreg:$0xb]  }
0x10: {  	p1 =	sgt.s32 s11, $0x1700;
	s26 =	rddreg [dreg:$0xa];
	s0 =	sshrl.u32 s9, $0x3  }
0x11: {  	s4 =	smov.u32 s11;
	s30 =	rddreg [dreg:$0x4];
	s0 =	smul.u32 $0xBC00, s0  }
0x12: {  	s31 =	simm.s32 $0xBC00;
	s1 =	sand.u32 $0xFFFFFC00, s1;
	s2 =	sshll.u32 s9, $0x7  }
0x13: {  	s8 =	rddreg [dreg:$0x6];
	s24 =	sand.u32 $0x380, s2;
	s0 =	sadd.s32 s1, s0  }
0x14: {  	p0 =	sgt.s32 s9, $0x1308;
	s3 =	smov.u32 s9;
	s0 =	sor.u32 s24, s0  }
0x15: {  	s4 =	simm.s32 @!p1 $0x1700;
	s1 =	sor.u32 s25, s0;
	s0 =	smulhi.u32 $0xAE4C415D, s0  }
0x16: {  	s3 =	simm.s32 @!p0 $0x1308;
	s4 =	sadd.s32 s26, s4;
	s2 =	smulhi.u32 $0xAE4C415D, s1  }
0x17: {  	s3 =	sadd.s32 s5, s3;
	s7 =	sadd.s32 $0xFFFFE900, s4;
	s0 =	sshrl.u32 s0, $0xC  }
0x18: {  	s4 =	ssub.s32 $0x1780, s4;
	s2 =	sshrl.u32 s2, $0xC;
	s27 =	smulhi.u32 $0xD1B72, s0  }
0x19: {  	s6 =	sadd.s32 $0xFFFFECF8, s3;
	p1 =	sgt.s32 s7, $0x7F;
	s2 =	smul.u32 $0x1780, s2  }
0x1a: {  	s3 =	ssub.s32 $0x1388, s3;
	p0 =	sgt.s32 s6, $0x7F;
	s5 =	smul.u32 $0x1388, s27  }
0x1b: {  	s14 =	rddreg [dreg:$0x8];
	s4 =	simm.s32 @p1 $0x0;
	s3 =	simm.s32 @p0 $0x0  }
0x1c: {  	s28 =	smul.u32 s4, s3;
	s1 =	ssub.s32 s1, s2;
	s0 =	ssub.s32 s0, s5  }
0x1d: {  	s29 =	sshrl.u32 s1, $0x3;
	s1 =	sand.u32 $0x7, s1;
	s0 =	smul.u32 $0x2F0, s0  }
0x1e: {  	s15 =	rddreg [dreg:$0x9];
	s3 =	sadd.s32 s30, s29;
	s1 =	sshll.u32 s1, $0x12  }
0x1f: {  	s2 =	sand.u32 $0x3FFFFFFF, s28;
	s1 =	sor.u32 $0x400, s1;
	s0 =	sadd.s32 s0, s3  }
0x20: {  	[hbm4b:s0+s1] =	stream.strided.scatter [tilespmem:s18], [sflag:$0x2], s2, s31, s1, $0x20;
	[tilespmem:$0x10100] =	vst v63  }
.LBB1_13:
0x21: {  	p0 =	slt.u32 s13, $0x2  }
0x22: {  	s1 =	smov.u32 s15;
	s2 =	smov.u32 s14;
	p1 =	sgt.s32 @!p0 s15, $0x1308  }
0x23: {  	s0 =	sshra.s32 @!p0 s15, $0x1F;
	p2 =	sgt.s32 @!p0 s14, $0x1700;
	s3 =	sshra.s32 @!p0 s14, $0x1F  }
0x24: {  	p1 =	por !p1, p0;
	s0 =	sand.u32 @!p0 s0, s15;
	p2 =	por !p2, p0  }
0x25: {  	s3 =	sand.u32 @!p0 s3, s14;
	s1 =	simm.s32 @p1 $0x1308;
	s2 =	simm.s32 @p2 $0x1700  }
0x26: {  	s0 =	ssub.s32 @!p0 s1, s0;
	s1 =	ssub.s32 @!p0 s2, s3  }
0x27: {  	s2 =	sadd.s32 @!p0 $0xFFFFECF8, s0;
	s3 =	sadd.s32 @!p0 $0xFFFFE900, s1  }
0x28: {  	s0 =	ssub.s32 @!p0 $0x1388, s0;
	p1 =	sgt.s32 @!p0 s2, $0x7F;
	p2 =	sgt.s32 @!p0 s3, $0x7F  }
0x29: {  	s1 =	ssub.s32 @!p0 $0x1780, s1;
	p1 =	por !p1, p0;
	p2 =	por !p2, p0  }
0x2a: {  	s0 =	simm.s32 @!p1 $0x0;
	s1 =	simm.s32 @!p2 $0x0  }
0x2b: {  	s0 =	smul.u32 @!p0 s1, s0  }
0x2c: {  	s4 =	smov.u32 s12;
	s2 =	simm.s32 @!p0 $0x2;
	s1 =	sadd.s32 $0x80, s10  }
0x2d: {  	s3 =	sadd.s32 $0x1000, s12;
	p1 =	sgt.s32 s1, $0x1387;
	s0 =	sand.u32 @!p0 $0x3FFFFFFF, s0  }
0x2e: {  	s4 =	smov.u32 @p1 s3;
	_ =	swait.ge @!p0 [sflag:s2], s0  }
0x2f: {  	s1 =	simm.s32 @p1 $0x0;
	p1 =	sgt.s32 s4, $0x176F;
	s3 =	rddreg [dreg:$0x2]  }
0x30: {  	s4 =	smov.u32 @p1 s3;
	p1 =	sne.s32 s13, s8  }
.Ltmp1:
0x31: {  	_ = 	snop;
	(pc) =	sbr.rel @!p1 .LBB1_14-.Ltmp1, $4  }
0x32: {  	s15 =	smov.u32 s9  }
0x33: {  	s14 =	smov.u32 s11;
	s9 =	smov.u32 s10;
	s11 =	smov.u32 s12  }
0x34: {  	s0 =	ssub.s32 @!p0 $0x0, s0;
	s10 =	smov.u32 s1;
	[sflag:s2] =	ssyncset.done @!p0 $0x0  }
0x35: {  	s13 =	sadd.s32 $0x1, s13;
	[sflag:s2] =	ssyncadd.s32 @!p0 s0;
	s12 =	smov.u32 s4  }
.LBB1_1:
0x36: {  	s0 =	rddreg [dreg:$0x5]  }
0x37: {  	p0 =	sge.u32 s13, s0  }
0x38: {  	s5 =	smov.u32 s10;
	s0 =	sshrl.u32 @!p0 s12, $0x3;
	s1 =	sshll.u32 @!p0 s10, $0x3  }
0x39: {  	s2 =	sshll.u32 @!p0 s12, $0x7;
	s3 =	sand.u32 @!p0 $0x7F, s10;
	p1 =	sgt.s32 @!p0 s12, $0x16F0  }
0x3a: {  	s4 =	sshra.s32 @!p0 s12, $0x1F;
	s6 =	sshra.s32 @!p0 s10, $0x1F;
	s0 =	smul.u32 @!p0 $0xA000, s0  }
0x3b: {  	s1 =	sand.u32 @!p0 $0xFFFFFC00, s1;
	s2 =	sand.u32 @!p0 $0x380, s2;
	p1 =	por !p1, p0  }
0x3c: {  	s4 =	sand.u32 @!p0 s4, s12;
	s0 =	sadd.s32 @!p0 s0, s1;
	s1 =	sor.u32 @!p0 s3, s2  }
0x3d: {  	s3 =	smov.u32 s12;
	s1 =	sor.u32 @!p0 s0, s1;
	s0 =	smulhi.u32 @!p0 $0xCCCCCCCD, s0  }
0x3e: {  	s3 =	simm.s32 @p1 $0x16F0;
	p1 =	sgt.s32 @!p0 s10, $0x1380;
	s2 =	smulhi.u32 @!p0 $0xCCCCCCCD, s1  }
0x3f: {  	s6 =	sand.u32 @!p0 s6, s10;
	p1 =	por !p1, p0;
	s3 =	ssub.s32 @!p0 s3, s4  }
0x40: {  	s5 =	simm.s32 @p1 $0x1380;
	s0 =	sshrl.u32 @!p0 s0, $0xC;
	s2 =	sshrl.u32 @!p0 s2, $0xC  }
0x41: {  	s4 =	ssub.s32 @!p0 s5, s6;
	s5 =	smulhi.u32 @!p0 $0xAEC34, s0;
	s6 =	sadd.s32 @!p0 $0xFFFFE910, s3  }
0x42: {  	s3 =	ssub.s32 @!p0 $0x1770, s3;
	s2 =	smul.u32 @!p0 $0x1400, s2;
	s7 =	sadd.s32 @!p0 $0xFFFFEC80, s4  }
0x43: {  	p1 =	sgt.s32 @!p0 s6, $0x7F;
	s4 =	ssub.s32 @!p0 $0x1400, s4;
	p2 =	sgt.s32 @!p0 s7, $0x7F  }
0x44: {  	s5 =	smul.u32 @!p0 $0x1770, s5;
	p1 =	por !p1, p0;
	s1 =	ssub.s32 @!p0 s1, s2  }
0x45: {  	s2 =	sxor.u32 @!p0 $0xFFFFFFFF, s13;
	p2 =	por !p2, p0;
	s3 =	simm.s32 @!p1 $0x0  }
0x46: {  	s2 =	sshll.u32 @!p0 s2, $0xE;
	s4 =	simm.s32 @!p2 $0x0;
	s0 =	ssub.s32 @!p0 s0, s5  }
0x47: {  	s5 =	rddreg [dreg:$0x3];
	s2 =	sand.u32 @!p0 $0x4000, s2;
	s3 =	smul.u32 @!p0 s3, s4  }
0x48: {  	s0 =	smul.u32 @!p0 $0x280, s0;
	s4 =	sshrl.u32 @!p0 s1, $0x3;
	s1 =	sand.u32 @!p0 $0x7, s1  }
0x49: {  	s4 =	sadd.s32 @!p0 s5, s4;
	s1 =	sshll.u32 @!p0 s1, $0x12;
	s3 =	sand.u32 @!p0 $0x3FFFFFFF, s3  }
0x4a: {  	s0 =	sadd.s32 @!p0 s0, s4;
	s1 =	sor.u32 @!p0 $0x400, s1;
	s4 =	simm.s32 @!p0 $0xA000  }
0x4b: {  	[tilespmem:s2], [sflag:$0x1] =	stream.strided.gather @!p0 [hbm4b:s0+s1], s3, s4, s1, $0x38;
	[tilespmem:$0x10100] =	vst v63  }
0x4c: {  	p0 =	seq.s32 s13, $0x0  }
0x4d: {  	p1 =	sge.u32 @!p0 s13, s8  }
0x4e: {  	p0 =	por p0, p1  }
.Ltmp2:
0x4f: {  	_ = 	snop;
	(pc) =	sbr.rel @p0 .LBB1_13-.Ltmp2, $1  }
0x50: {  	_ =	sdelay $0x3  }
0x51: {  	s0 =	ssub.s32 $0x0, s11;
	s1 =	sshra.s32 s11, $0x1F;
	p0 =	sgt.s32 s11, $0x16F0  }
0x52: {  	s2 =	smov.u32 s11;
	s25 =	ssub.s32 $0x0, s9;
	s26 =	sshra.s32 s9, $0x1F  }
0x53: {  	s3 =	smov.u32 s9;
	s2 =	simm.s32 @!p0 $0x16F0;
	p0 =	sgt.s32 s9, $0x1380  }
0x54: {  	s4 =	sand.u32 s0, s1;
	s1 =	sand.u32 s25, s26;
	s3 =	simm.s32 @!p0 $0x1380  }
0x55: {  	s2 =	sadd.s32 s4, s2;
	[dreg:$0xb] =	wrdreg s1;
	s1 =	sadd.s32 s1, s3  }
0x56: {  	s27 =	sadd.s32 $0xFFFFE910, s2;
	s2 =	ssub.s32 $0x1770, s2;
	s28 =	sadd.s32 $0xFFFFEC80, s1  }
0x57: {  	p0 =	sgt.s32 s27, $0x7F;
	s0 =	ssub.s32 $0x1400, s1;
	p1 =	sgt.s32 s28, $0x7F  }
0x58: {  	s2 =	simm.s32 @p0 $0x0;
	s0 =	simm.s32 @p1 $0x0  }
0x59: {  	s29 =	smul.u32 s2, s0;
	s2 =	sadd.s32 $0x80, s11  }
0x5a: {  	p0 =	slt.s32 s2, $0x1770  }
0x5b: {  	s2 =	simm.s32 @!p0 $0x1770  }
0x5c: {  	[dreg:$0x9] =	wrdreg s15;
	s19 =	ssub.s32 s2, s11  }
0x5d: {  	[dreg:$0x8] =	wrdreg s14;
	p0 =	slt.s32 s19, $0x1  }
.Ltmp3:
0x5e: {  	[dreg:$0x7] =	wrdreg s9;
	s30 =	simm.s32 $0x1;
	(pc) =	sbr.rel @p0 .LBB1_12-.Ltmp3, $4  }
0x5f: {  	[dreg:$0xa] =	wrdreg s4;
	s0 =	sand.u32 $0x1, s13;
	s1 =	sand.u32 $0x3FFFFFFF, s29  }
0x60: {  	s31 =	smul.u32 $0x4080, s0;
	_ =	swait.ge [sflag:s30], s1  }
0x61: {  	s1 =	ssub.s32 $0x0, s1;
	[sflag:s30] =	ssyncset.done $0x0  }
0x62: {  	s18 =	sor.u32 $0x8000, s31;
	[sflag:s30] =	ssyncadd.s32 s1  }
0x63: {  	s2 =	rddreg [dreg:$0x7]  }
0x64: {  	s1 =	sadd.s32 $0x80, s2  }
0x65: {  	p0 =	slt.s32 s1, $0x1388  }
.Ltmp4:
0x66: {  	s1 =	simm.s32 @!p0 $0x1388;
	(pc) =	sbr.rel .LBB1_4-.Ltmp4, $4  }
0x67: {  	s22 =	sshll.u32 s0, $0xE;
	s1 =	ssub.s32 s1, s2  }
0x68: {  	s24 =	simm.s32 $0x0;
	s25 =	simm.s32 $0x400;
	s1 =	sadd.s32 $0xF, s1  }
0x69: {  	s20 =	sand.u32 $0xFFFFFFF0, s1;
	s21 =	sand.u32 $0xFFFFFF00, s1;
	s31 =	sshll.u32 s1, $0x3  }
0x6a: {  	p0 =	slt.s32 s1, $0x100;
	s23 =	sand.u32 $0xFFFFF800, s31;
	p1 =	sge.s32 s21, s20  }
.LBB1_11:
0x6b: {  	s24 =	sadd.s32 $0x1, s24  }
0x6c: {  	p2 =	sne.s32 s24, s19  }
.Ltmp5:
0x6d: {  	_ = 	snop;
	(pc) =	sbr.rel @!p2 .LBB1_12-.Ltmp5, $2  }
0x6e: {  	_ =	sdelay $0x2  }
0x6f: {  	s25 =	sadd.s32 $0x80, s25  }
.LBB1_4:
.Ltmp6:
0x70: {  	(pc) =	sbr.rel @p0 .LBB1_8-.Ltmp6, $2  }
0x71: {  	_ =	sdelay $0x2  }
0x72: {  	s26 =	sshll.u32 s24, $0x7;
	s27 =	sand.u32 $0x7F, s24  }
0x73: {  	s0 =	sshll.u32 s24, $0x3  }
0x74: {  	s5 =	sand.u32 $0x380, s26;
	s2 =	sshrl.u32 s0, $0x7  }
0x75: {  	s3 =	sadd.s32 $0x800, s0;
	s6 =	sadd.s32 $0x1000, s0;
	s17 =	sadd.s32 s5, s22  }
0x76: {  	s16 =	sadd.s32 $0x1800, s0;
	s7 =	sadd.s32 $0x2800, s0;
	s14 =	sadd.s32 $0x3000, s0  }
0x77: {  	s0 =	sadd.s32 $0x3800, s0;
	s1 =	sand.u32 $0x78, s2;
	s3 =	sshrl.u32 s3, $0x7  }
0x78: {  	s15 =	sshrl.u32 s6, $0x7;
	s6 =	sshrl.u32 s16, $0x7;
	s8 =	sshrl.u32 s7, $0x7  }
0x79: {  	s16 =	sshrl.u32 s0, $0x7;
	s4 =	smul.u32 $0x204, s1;
	s3 =	sand.u32 $0x78, s3  }
0x7a: {  	s7 =	sadd.s32 $0x20, s2;
	v0 =	vmov s17;
	s17 =	sand.u32 $0x3C00, s25;
	s3 =	smul.u32 $0x204, s3  }
0x7b: {  	s5 =	sand.u32 $0x78, s15;
	s1 =	sxor.u32 $0x40, s1;
	s15 =	sshrl.u32 s14, $0x7  }
0x7c: {  	s5 =	smul.u32 $0x204, s5;
	s4 =	sshrl.u32 s4, $0x2;
	s3 =	sshrl.u32 s3, $0x2  }
0x7d: {  	s1 =	smul.u32 $0x204, s1;
	s4 =	sadd.s32 s4, s18;
	s3 =	sadd.s32 s3, s18  }
0x7e: {  	s28 =	sadd.s32 s27, s4;
	s4 =	sand.u32 $0x78, s6;
	s6 =	sshrl.u32 s5, $0x2  }
0x7f: {  	s29 =	sadd.s32 s27, s3;
	s3 =	smul.u32 $0x204, s4;
	s4 =	sadd.s32 s6, s18  }
0x80: {  	s14 =	sand.u32 $0x78, s7;
	s30 =	sadd.s32 s27, s4;
	s4 =	sand.u32 $0x78, s8  }
0x81: {  	s7 =	sadd.s32 $0x30, s2;
	s1 =	sshrl.u32 s1, $0x2;
	s4 =	smul.u32 $0x204, s4  }
0x82: {  	s9 =	sadd.s32 s1, s18;
	s5 =	sand.u32 $0x78, s16;
	s3 =	sshrl.u32 s3, $0x2  }
0x83: {  	s31 =	sadd.s32 s27, s9;
	s3 =	sadd.s32 s3, s18;
	s4 =	sshrl.u32 s4, $0x2  }
0x84: {  	s1 =	sadd.s32 s27, s3;
	s3 =	sand.u32 $0x78, s15;
	s4 =	sadd.s32 s4, s18  }
0x85: {  	s6 =	sadd.s32 $0x10, s2;
	s3 =	smul.u32 $0x204, s3;
	s0 =	sadd.s32 s27, s4  }
0x86: {  	s4 =	smul.u32 $0x204, s5;
	s5 =	sand.u32 $0x78, s6;
	s6 =	sand.u32 $0x78, s7  }
0x87: {  	s7 =	sadd.s32 $0x50, s2;
	s3 =	sshrl.u32 s3, $0x2;
	s5 =	smul.u32 $0x204, s5  }
0x88: {  	s6 =	smul.u32 $0x204, s6;
	s7 =	sand.u32 $0x78, s7;
	s3 =	sadd.s32 s3, s18  }
0x89: {  	s9 =	sshrl.u32 s4, $0x2;
	s4 =	smul.u32 $0x204, s14;
	s14 =	sadd.s32 $0x60, s2  }
0x8a: {  	s7 =	smul.u32 $0x204, s7;
	s2 =	sadd.s32 $0x70, s2;
	s8 =	sadd.s32 s27, s3  }
0x8b: {  	s3 =	sadd.s32 s9, s18;
	s15 =	sshrl.u32 s5, $0x2;
	s14 =	sand.u32 $0x78, s14  }
0x8c: {  	s6 =	sshrl.u32 s6, $0x2;
	s2 =	sand.u32 $0x78, s2;
	s5 =	sadd.s32 s27, s3  }
0x8d: {  	v1 =	vld.idx.msk [tilespmem:v0+s17+$0x0 ss:$0x1], $0xffff;
	s16 =	sadd.s32 s15, s18;
	s4 =	sshrl.u32 s4, $0x2;
	s14 =	smul.u32 $0x204, s14  }
0x8e: {  	s2 =	smul.u32 $0x204, s2;
	s7 =	sshrl.u32 s7, $0x2;
	s4 =	sadd.s32 s4, s18  }
0x8f: {  	s15 =	sadd.s32 s6, s18;
	s7 =	sadd.s32 s7, s18;
	s3 =	sadd.s32 s27, s4  }
0x90: {  	s4 =	sadd.s32 s27, s15;
	s14 =	sshrl.u32 s14, $0x2;
	s2 =	sshrl.u32 s2, $0x2  }
0x91: {  	s15 =	sadd.s32 $0xFFFFFC00, s25;
	s14 =	sadd.s32 s14, s18;
	s9 =	sadd.s32 s2, s18  }
0x92: {  	[tilespmem:s28+$0x0 ss:$0x81] =	vst.msk $0xffff, v1;
	v1 =	vld.idx.msk [tilespmem:v0+s17+$0x20 ss:$0x1], $0xffff;
	s2 =	sadd.s32 s27, s7;
	s7 =	sadd.s32 s27, s14;
	s14 =	sand.u32 $0x3C00, s15  }
0x93: {  	v2 =	vld.idx.msk [tilespmem:v0+s14+$0x70 ss:$0x1], $0xffff  }
0x94: {  	v3 =	vld.idx.msk [tilespmem:v0+s14+$0x0 ss:$0x1], $0xffff  }
0x95: {  	v4 =	vld.idx.msk [tilespmem:v0+s14+$0x10 ss:$0x1], $0xffff  }
0x96: {  	v5 =	vld.idx.msk [tilespmem:v0+s14+$0x20 ss:$0x1], $0xffff  }
0x97: {  	v6 =	vld.idx.msk [tilespmem:v0+s14+$0x30 ss:$0x1], $0xffff  }
0x98: {  	v7 =	vld.idx.msk [tilespmem:v0+s14+$0x40 ss:$0x1], $0xffff;
	[tilespmem:s5+$0x0 ss:$0x81] =	vst.msk $0xffff, v2  }
0x99: {  	v8 =	vld.idx.msk [tilespmem:v0+s14+$0x50 ss:$0x1], $0xffff;
	[tilespmem:s28+$0x0 ss:$0x81] =	vst.msk $0xffff, v3  }
0x9a: {  	p2 =	sgt.s32 s21, $0x100;
	v9 =	vld.idx.msk [tilespmem:v0+s14+$0x60 ss:$0x1], $0xffff;
	[tilespmem:s29+$0x0 ss:$0x81] =	vst.msk $0xffff, v4  }
.Ltmp7:
0x9b: {  	v4 =	vld.idx.msk [tilespmem:v0+s17+$0x10 ss:$0x1], $0xffff;
	[tilespmem:s30+$0x0 ss:$0x81] =	vst.msk $0xffff, v5;
	(pc) =	sbr.rel @!p2 .LBB1_7-.Ltmp7, $4  }
0x9c: {  	[tilespmem:s1+$0x0 ss:$0x81] =	vst.msk $0xffff, v6;
	v2 =	vld.idx.msk [tilespmem:v0+s17+$0x30 ss:$0x1], $0xffff  }
0x9d: {  	[tilespmem:s31+$0x0 ss:$0x81] =	vst.msk $0xffff, v7;
	v3 =	vld.idx.msk [tilespmem:v0+s17+$0x40 ss:$0x1], $0xffff  }
0x9e: {  	s6 =	sadd.s32 s27, s16;
	[tilespmem:s0+$0x0 ss:$0x81] =	vst.msk $0xffff, v8;
	v5 =	vld.idx.msk [tilespmem:v0+s17+$0x50 ss:$0x1], $0xffff  }
0x9f: {  	s16 =	sadd.s32 s27, s9;
	s15 =	sadd.s32 $0x800, s25;
	s14 =	simm.s32 $0x100;
	[tilespmem:s8+$0x0 ss:$0x81] =	vst.msk $0xffff, v9;
	v6 =	vld.idx.msk [tilespmem:v0+s17+$0x60 ss:$0x1], $0xffff  }
.LBB1_6:
0xa0: {  	s9 =	sadd.s32 $0xFFFFFC00, s15;
	s14 =	sadd.s32 $0x100, s14;
	[tilespmem:s6+$0x0 ss:$0x81] =	vst.msk $0xffff, v4;
	v4 =	vld.idx.msk [tilespmem:v0+s17+$0x70 ss:$0x1], $0xffff;
	s17 =	sand.u32 $0x3C00, s15  }
0xa1: {  	s9 =	sand.u32 $0x3C00, s9;
	v7 =	vld.idx.msk [tilespmem:v0+s17+$0x0 ss:$0x1], $0xffff;
	p2 =	slt.s32 s14, s21;
	[tilespmem:s3+$0x0 ss:$0x81] =	vst.msk $0xffff, v1  }
0xa2: {  	v1 =	vld.idx.msk [tilespmem:v0+s9+$0x70 ss:$0x1], $0xffff;
	[tilespmem:s4+$0x0 ss:$0x81] =	vst.msk $0xffff, v2  }
0xa3: {  	v2 =	vld.idx.msk [tilespmem:v0+s9+$0x0 ss:$0x1], $0xffff;
	[tilespmem:s31+$0x0 ss:$0x81] =	vst.msk $0xffff, v3  }
0xa4: {  	v3 =	vld.idx.msk [tilespmem:v0+s9+$0x10 ss:$0x1], $0xffff;
	[tilespmem:s2+$0x0 ss:$0x81] =	vst.msk $0xffff, v5  }
0xa5: {  	v5 =	vld.idx.msk [tilespmem:v0+s9+$0x20 ss:$0x1], $0xffff;
	[tilespmem:s7+$0x0 ss:$0x81] =	vst.msk $0xffff, v6  }
0xa6: {  	v6 =	vld.idx.msk [tilespmem:v0+s9+$0x30 ss:$0x1], $0xffff;
	[tilespmem:s16+$0x0 ss:$0x81] =	vst.msk $0xffff, v4  }
0xa7: {  	v8 =	vld.idx.msk [tilespmem:v0+s9+$0x40 ss:$0x1], $0xffff;
	[tilespmem:s28+$0x0 ss:$0x81] =	vst.msk $0xffff, v7  }
0xa8: {  	v7 =	vld.idx.msk [tilespmem:v0+s9+$0x50 ss:$0x1], $0xffff;
	[tilespmem:s5+$0x0 ss:$0x81] =	vst.msk $0xffff, v1  }
0xa9: {  	[tilespmem:s28+$0x0 ss:$0x81] =	vst.msk $0xffff, v2;
	v9 =	vld.idx.msk [tilespmem:v0+s9+$0x60 ss:$0x1], $0xffff  }
0xaa: {  	[tilespmem:s29+$0x0 ss:$0x81] =	vst.msk $0xffff, v3;
	v4 =	vld.idx.msk [tilespmem:v0+s17+$0x10 ss:$0x1], $0xffff  }
.Ltmp8:
0xab: {  	[tilespmem:s30+$0x0 ss:$0x81] =	vst.msk $0xffff, v5;
	v1 =	vld.idx.msk [tilespmem:v0+s17+$0x20 ss:$0x1], $0xffff;
	(pc) =	sbr.rel @p2 .LBB1_6-.Ltmp8, $4  }
0xac: {  	[tilespmem:s1+$0x0 ss:$0x81] =	vst.msk $0xffff, v6;
	v2 =	vld.idx.msk [tilespmem:v0+s17+$0x30 ss:$0x1], $0xffff  }
0xad: {  	[tilespmem:s31+$0x0 ss:$0x81] =	vst.msk $0xffff, v8;
	v3 =	vld.idx.msk [tilespmem:v0+s17+$0x40 ss:$0x1], $0xffff  }
0xae: {  	[tilespmem:s0+$0x0 ss:$0x81] =	vst.msk $0xffff, v7;
	v5 =	vld.idx.msk [tilespmem:v0+s17+$0x50 ss:$0x1], $0xffff  }
0xaf: {  	s15 =	sadd.s32 $0x800, s15;
	[tilespmem:s8+$0x0 ss:$0x81] =	vst.msk $0xffff, v9;
	v6 =	vld.idx.msk [tilespmem:v0+s17+$0x60 ss:$0x1], $0xffff  }
.LBB1_7:
0xb0: {  	_ =	sdelay $0x2  }
0xb1: {  	[tilespmem:s6+$0x0 ss:$0x81] =	vst.msk $0xffff, v4  }
0xb2: {  	v0 =	vld.idx.msk [tilespmem:v0+s17+$0x70 ss:$0x1], $0xffff;
	[tilespmem:s3+$0x0 ss:$0x81] =	vst.msk $0xffff, v1  }
0xb3: {  	[tilespmem:s4+$0x0 ss:$0x81] =	vst.msk $0xffff, v2  }
0xb4: {  	[tilespmem:s31+$0x0 ss:$0x81] =	vst.msk $0xffff, v3  }
0xb5: {  	[tilespmem:s2+$0x0 ss:$0x81] =	vst.msk $0xffff, v5  }
0xb6: {  	[tilespmem:s7+$0x0 ss:$0x81] =	vst.msk $0xffff, v6  }
0xb7: {  	[tilespmem:s16+$0x0 ss:$0x81] =	vst.msk $0xffff, v0  }
.LBB1_8:
.Ltmp9:
0xb8: {  	(pc) =	sbr.rel @p1 .LBB1_11-.Ltmp9, $1  }
0xb9: {  	_ =	sdelay $0x3  }
0xba: {  	s1 =	sand.u32 $0x380, s26;
	s0 =	sshrl.u32 s24, $0x4;
	s2 =	sadd.s32 s27, s18  }
0xbb: {  	s3 =	smov.u32 s23;
	s4 =	smov.u32 s21;
	s1 =	sadd.s32 s1, s22  }
.LBB1_10:
0xbc: {  	s5 =	sand.u32 $0x3C00, s3  }
0xbd: {  	s5 =	sadd.s32 s26, s5  }
0xbe: {  	s5 =	sand.u32 $0x3C00, s5  }
0xbf: {  	s6 =	sand.u32 $0x70, s4;
	s30 =	sadd.s32 s4, s0;
	s5 =	sadd.s32 s5, s1  }
0xc0: {  	s4 =	sadd.s32 $0x10, s4;
	s31 =	sand.u32 $0x78, s30;
	s5 =	sadd.s32 s6, s5  }
0xc1: {  	p2 =	slt.s32 s4, s20;
	v0 =	vld [tilespmem:s5+$0x0];
	s5 =	smul.u32 $0x204, s31  }
.Ltmp10:
0xc2: {  	_ = 	snop;
	(pc) =	sbr.rel @p2 .LBB1_10-.Ltmp10, $4  }
0xc3: {  	_ = 	snop  }
0xc4: {  	s5 =	sshrl.u32 s5, $0x2  }
0xc5: {  	s5 =	sadd.s32 s5, s2  }
0xc6: {  	s3 =	sadd.s32 $0x80, s3;
	[tilespmem:s5+$0x0 ss:$0x81] =	vst.msk $0xffff, v0  }
.Ltmp11:
0xc7: {  	_ = 	snop;
	(pc) =	sbr.rel .LBB1_11-.Ltmp11, $1  }
0xc8: {  	_ =	sdelay $0x3  }
.LBB1_14:
0xc9: {  	_ =	sfence.sel $0x180000  }
0xca: {  	s0 =	simm.s32 $0x1;
	[bflag:$0x0] =	sbarrier.arrive $0xFFFF  }
0xcb: {  	s30 =	simm.s32 $0x2;
	[sflag:s0] =	ssyncpa.u1 $0x1  }
0xcc: {  	[sflag:s30] =	ssyncpa.u1 $0x1  }
0xcd: {  	_ =	strace $0x90000050  }
0xce: {  	s31 =	stileid.u32;
	[bflag:$0x2] =	sbarrier.arrive $0xFFFF  }
0xcf: {  	p0 =	sne.s32 s31, $0x0;
	s0 =	rddreg [dreg:$0x1]  }
0xd0: {  	s0 =	sadd.s32 @!p0 $0x100000, s0  }
0xd1: {  	[sflag:s0] =	ssyncadd.tile.s32 @!p0 $0x1;
	_ =	shalt  }
.Lfunc_end1:
_tile_overlayer_lowered:
.L_overlay_start_2:
0xd2: {  	(tag) =	ssettag $0x2  }
0xd3: {  	s0 =	rddreg [dreg:$0x0];
	s2 =	stileid.u32  }
0xd4: {  	s1 =	rddreg [dreg:$0x1];
	p0 =	sne.s32 s2, $0x0  }
0xd5: {  	s3 =	rddreg [dreg:$0x2];
	[bflag:$0x3] =	sbarrier.arrive $0xFFFF;
	s2 =	simm.s32 @!p0 $0x1C01  }
0xd6: {  	[timem:s3], [sflag:s2] =	dma.local @!p0 [hbm:s0], s1  }
0xd7: {  	s0 =	simm.s32 @!p0 $0x1  }
0xd8: {  	_ =	swait.ge @!p0 [sflag:s0], s1  }
0xd9: {  	s1 =	ssub.s32 @!p0 $0x0, s1;
	[sflag:s0] =	ssyncset.done @!p0 $0x0  }
0xda: {  	[sflag:s0] =	ssyncadd.s32 @!p0 s1  }
0xdb: {  	[bflag:$0x3] =	sbarrier.arrive $0xFFFF  }
0xdc: {  	_ =	shalt  }

</sc_bundles>
